<compile_context>
chip_gen: v7x
topology: tpu7x:2x2x1
jax: 0.10.2.dev20260603
libtpu: 0.0.44.dev20260713+nightly
codegen_flags: <defaults>
</compile_context>

<pallas_src>
import math

import jax
import jax.numpy as jnp
from jax import lax
from jax.experimental import pallas as pl
from jax.experimental.pallas import tpu as pltpu
from jax.experimental.pallas import tpu_sc as plsc

N_NODES = 100000
N_EDGES = 6400000
NUM_TYPES = 16
FACTOR = 1.0 / math.sqrt(64.0)

NC = 2
NS = 16
LANES = 16

CHUNK = 2048
ROWS = CHUNK // 128
N_CHUNKS = N_EDGES // CHUNK
BASE_CHUNKS = N_CHUNKS // (NC * NS)
EXTRA_TILES = N_CHUNKS % (NC * NS)

N_PAD = 100352
SLICE = N_PAD // NS
ZCHUNK = SLICE // 4


N_PAIRS = (N_CHUNKS // (NC * NS) + 2) // 2


def _sc_body(edge_hbm, energy_hbm, species_hbm, table_hbm,
             part_hbm, species, table, cnbuf0, ebuf0, cnbuf1,
             ebuf1, vbuf0, sidx0, vbuf1, sidx1, zbuf, acc, sem_in0, sem_in1,
             sem_sc0, sem_sc1):
    cid = lax.axis_index("c")
    sid = lax.axis_index("s")
    wid = sid * NC + cid
    cnbuf = (cnbuf0, cnbuf1)
    ebuf = (ebuf0, ebuf1)
    vbuf = (vbuf0, vbuf1)
    sidx = (sidx0, sidx1)
    sem_in = (sem_in0, sem_in1)
    sem_sc = (sem_sc0, sem_sc1)

    def in_descs(k, b):
        ci = wid + k * (NC * NS)
        return [
            pltpu.make_async_copy(edge_hbm.at[ci], cnbuf[b], sem_in[b]),
            pltpu.make_async_copy(energy_hbm.at[ci], ebuf[b], sem_in[b]),
        ]

    def sc_descs(b):
        return [pltpu.make_async_copy(vbuf[b], acc.at[sidx[b]], sem_sc[b])]

    def compute(b):
        @plsc.parallel_loop(0, ROWS, unroll=4)
        def row_body(r):
            ebase = r * 128
            for t in range(8):
                o = t * LANES
                cvec = cnbuf[b][2 * r, pl.ds(o, LANES)]
                nvec = cnbuf[b][2 * r + 1, pl.ds(o, LANES)]
                cs = plsc.load_gather(species, [cvec])
                ns = plsc.load_gather(species, [nvec])
                scale = plsc.load_gather(table, [cs * NUM_TYPES + ns])
                vbuf[b][pl.ds(ebase + o, LANES)] = (
                    ebuf[b][r, pl.ds(o, LANES)] * scale)
                sidx[b][pl.ds(ebase + o, LANES)] = cvec

    pltpu.sync_copy(species_hbm, species)
    pltpu.sync_copy(table_hbm, table)

    zero = jnp.zeros((LANES,), jnp.float32)
    for i in range(ZCHUNK // LANES):
        zbuf[pl.ds(i * LANES, LANES)] = zero
    base = sid * SLICE
    for k in range(4):
        pltpu.sync_copy(zbuf, acc.at[pl.ds(base + k * ZCHUNK, ZCHUNK)])
    plsc.subcore_barrier()

    n_chunks = jnp.where(wid < EXTRA_TILES, BASE_CHUNKS + 1, BASE_CHUNKS)

    for d in in_descs(0, 0):
        d.start()
    for d in in_descs(1, 1):
        d.start()

    def pair_body(p, _):
        for b in range(2):
            k = 2 * p + b

            @pl.when(k < n_chunks)
            def _process():
                for d in in_descs(k, b):
                    d.wait()

                @pl.when(k >= 2)
                def _drain():
                    for d in sc_descs(b):
                        d.wait()

                compute(b)
                for d in sc_descs(b):
                    d.start(add=True)

                @pl.when(k + 2 < n_chunks)
                def _prefetch():
                    for d in in_descs(k + 2, b):
                        d.start()

        return _

    lax.fori_loop(0, N_PAIRS, pair_body, None)

    for b in range(2):
        for d in sc_descs(b):
            d.wait()

    plsc.subcore_barrier()
    pltpu.sync_copy(acc.at[pl.ds(base, SLICE)],
                    part_hbm.at[cid, pl.ds(base, SLICE)])


_sc_kernel = pl.kernel(
    _sc_body,
    out_type=jax.ShapeDtypeStruct((NC, N_PAD), jnp.float32),
    mesh=plsc.VectorSubcoreMesh(core_axis_name="c", subcore_axis_name="s",
                                num_cores=NC, num_subcores=NS),
    compiler_params=pltpu.CompilerParams(needs_layout_passes=False),
    scratch_types=[
        pltpu.VMEM((N_NODES,), jnp.int32),
        pltpu.VMEM((NUM_TYPES * NUM_TYPES,), jnp.float32),
        pltpu.VMEM((2 * ROWS, 128), jnp.int32),
        pltpu.VMEM((ROWS, 128), jnp.float32),
        pltpu.VMEM((2 * ROWS, 128), jnp.int32),
        pltpu.VMEM((ROWS, 128), jnp.float32),
        pltpu.VMEM((CHUNK,), jnp.float32),
        pltpu.VMEM((CHUNK,), jnp.int32),
        pltpu.VMEM((CHUNK,), jnp.float32),
        pltpu.VMEM((CHUNK,), jnp.int32),
        pltpu.VMEM((ZCHUNK,), jnp.float32),
        pltpu.VMEM_SHARED((N_PAD,), jnp.float32),
        pltpu.SemaphoreType.DMA,
        pltpu.SemaphoreType.DMA,
        pltpu.SemaphoreType.DMA,
        pltpu.SemaphoreType.DMA,
    ],
)


def _combine_body(p_ref, o_ref):
    o_ref[...] = (p_ref[0] + p_ref[1]) * FACTOR


_combine = pl.pallas_call(
    _combine_body,
    out_shape=jax.ShapeDtypeStruct((N_PAD // 128, 128), jnp.float32),
)


def kernel(edge_energy, per_edge_scales, edge_index, atom_types):
    edges = (edge_index.reshape(2, N_EDGES // 128, 128)
             .transpose(1, 0, 2)
             .reshape(N_CHUNKS, 2 * ROWS, 128))
    energy = edge_energy.reshape(N_CHUNKS, ROWS, 128)
    species = atom_types.reshape(N_NODES)
    table = per_edge_scales.reshape(NUM_TYPES * NUM_TYPES)

    part = _sc_kernel(edges, energy, species, table)
    out = _combine(part.reshape(NC, N_PAD // 128, 128))
    return out.reshape(N_PAD)[:N_NODES].reshape(N_NODES, 1)

# --- scband reference (transcript-rebuilt; emitter-appended) ---
"""Pipeline reference for scband-edgewise-energy-sum-segnn-64080912056845 (READ-ONLY COPY).

The authoritative reference and input builder live on the scoring server;
editing this copy changes nothing except your own understanding.
"""

import jax, jax.numpy as jnp
import numpy as np
import math

N_NODES = 100000
N_EDGES = 6400000
NUM_TYPES = 16
AVG_NUM_NEIGHBORS = 64.0


def setup_inputs(seed: int = 0) -> dict:
    key = jax.random.key(seed)
    k1, k2, k3 = jax.random.split(key, 3)
    edge_energy = jax.random.normal(k1, (N_EDGES, 1), dtype=jnp.float32)
    edge_index = jax.random.randint(k2, (2, N_EDGES), 0, N_NODES, dtype=jnp.int32)
    atom_types = jax.random.randint(k3, (N_NODES, 1), 0, NUM_TYPES, dtype=jnp.int32)
    # learned parameter: per-species-pair edge scales (initialized to ones like the torch module)
    per_edge_scales = jnp.ones((NUM_TYPES, NUM_TYPES), dtype=jnp.float32)
    return {
        "edge_energy": edge_energy,
        "per_edge_scales": per_edge_scales,
        "edge_index": edge_index,
        "atom_types": atom_types,
    }


def reference(edge_energy, per_edge_scales, edge_index, atom_types):
    edge_center = edge_index[0]
    edge_neighbor = edge_index[1]
    species = jnp.squeeze(atom_types, axis=-1)
    center_species = species[edge_center]
    neighbor_species = species[edge_neighbor]
    # per-edge species-pair scale (gather from [num_types, num_types] table)
    scales = per_edge_scales[center_species, neighbor_species]
    edge_eng = edge_energy * scales[:, None]
    # scatter-add edges into nodes
    atom_eng = jax.ops.segment_sum(edge_eng, edge_center, num_segments=N_NODES)
    factor = 1.0 / math.sqrt(AVG_NUM_NEIGHBORS)
    atom_eng = atom_eng * factor
    return atom_eng

if __name__ == "__main__":
    import jax
    _d = setup_inputs()
    print(jax.jit(kernel)(*tuple(_d.values())))

</pallas_src>

<mosaic_0001>
#map = affine_map<(d0, d1) -> (0, 0, 0)>
#map1 = affine_map<(d0, d1) -> (0)>
#map2 = affine_map<(d0, d1) -> (0, 0)>
module attributes {stable_mosaic.version = 14 : i64} {
  func.func @_sc_body(%arg0: i32, %arg1: i32, %arg2: memref<3125x32x128xi32, #tpu.memory_space<hbm>>, %arg3: memref<3125x16x128xf32, #tpu.memory_space<hbm>>, %arg4: memref<100000xi32, #tpu.memory_space<hbm>>, %arg5: memref<256xf32, #tpu.memory_space<hbm>>, %arg6: memref<2x100352xf32, #tpu.memory_space<hbm>>, %arg7: memref<100000xi32, #tpu.memory_space<vmem>>, %arg8: memref<256xf32, #tpu.memory_space<vmem>>, %arg9: memref<32x128xi32, #tpu.memory_space<vmem>>, %arg10: memref<16x128xf32, #tpu.memory_space<vmem>>, %arg11: memref<32x128xi32, #tpu.memory_space<vmem>>, %arg12: memref<16x128xf32, #tpu.memory_space<vmem>>, %arg13: memref<2048xf32, #tpu.memory_space<vmem>>, %arg14: memref<2048xi32, #tpu.memory_space<vmem>>, %arg15: memref<2048xf32, #tpu.memory_space<vmem>>, %arg16: memref<2048xi32, #tpu.memory_space<vmem>>, %arg17: memref<1568xf32, #tpu.memory_space<vmem>>, %arg18: memref<100352xf32, #tpu.memory_space<vmem_shared>>, %arg19: memref<!tpu.dma_semaphore, #tpu.memory_space<semaphore_mem>>, %arg20: memref<!tpu.dma_semaphore, #tpu.memory_space<semaphore_mem>>, %arg21: memref<!tpu.dma_semaphore, #tpu.memory_space<semaphore_mem>>, %arg22: memref<!tpu.dma_semaphore, #tpu.memory_space<semaphore_mem>>) attributes {dimension_semantics = [#tpu.dimension_semantics<core_parallel>, #tpu.dimension_semantics<subcore_parallel>], iteration_bounds = array<i64: 2, 16>, scalar_prefetch = 0 : i64, scratch_operands = 16 : i64, tpu.core_type = #tpu.core_type<sc_vector_subcore>, window_params = [{transform_indices = #map}, {transform_indices = #map}, {transform_indices = #map1}, {transform_indices = #map1}, {transform_indices = #map2}]} {
    %mul3A = arith.constant 2 : i32
    %mul3A_0 = arith.muli %arg1, %mul3A : i32
    %add3A = arith.addi %mul3A_0, %arg0 : i32
    "tpu.region"() ({
      %run_scoped3A = tpu.sem_alloc : memref<!tpu.dma_semaphore, #tpu.memory_space<semaphore_mem>>
      tpu.enqueue_dma source(%arg4 : memref<100000xi32, #tpu.memory_space<hbm>>) target(%arg7 : memref<100000xi32, #tpu.memory_space<vmem>>) target_semaphore(%run_scoped3A : memref<!tpu.dma_semaphore, #tpu.memory_space<semaphore_mem>>)
      tpu.wait_dma2 semaphore(%run_scoped3A : memref<!tpu.dma_semaphore, #tpu.memory_space<semaphore_mem>>) src(%arg4 : memref<100000xi32, #tpu.memory_space<hbm>>) dst(%arg7 : memref<100000xi32, #tpu.memory_space<vmem>>)
      tpu.yield
    }) : () -> ()
    "tpu.region"() ({
      %run_scoped3A = tpu.sem_alloc : memref<!tpu.dma_semaphore, #tpu.memory_space<semaphore_mem>>
      tpu.enqueue_dma source(%arg5 : memref<256xf32, #tpu.memory_space<hbm>>) target(%arg8 : memref<256xf32, #tpu.memory_space<vmem>>) target_semaphore(%run_scoped3A : memref<!tpu.dma_semaphore, #tpu.memory_space<semaphore_mem>>)
      tpu.wait_dma2 semaphore(%run_scoped3A : memref<!tpu.dma_semaphore, #tpu.memory_space<semaphore_mem>>) src(%arg5 : memref<256xf32, #tpu.memory_space<hbm>>) dst(%arg8 : memref<256xf32, #tpu.memory_space<vmem>>)
      tpu.yield
    }) : () -> ()
    %broadcast_in_dim3A = arith.constant 0.000000e+00 : f32
    %broadcast_in_dim3A_1 = vector.broadcast %broadcast_in_dim3A : f32 to vector<16xf32>
    %swap3A = arith.constant 0 : index
    %swap3A_2 = tpu.vector_load %arg17[%swap3A] {strides = array<i32>} : memref<1568xf32, #tpu.memory_space<vmem>>, vector<16xf32>,
    tpu.vector_store %arg17[%swap3A], %broadcast_in_dim3A_1 {strides = array<i32>} : memref<1568xf32, #tpu.memory_space<vmem>>, vector<16xf32>,
    %swap3A_3 = arith.constant 16 : index
    %swap3A_4 = tpu.vector_load %arg17[%swap3A_3] {strides = array<i32>} : memref<1568xf32, #tpu.memory_space<vmem>>, vector<16xf32>,
    tpu.vector_store %arg17[%swap3A_3], %broadcast_in_dim3A_1 {strides = array<i32>} : memref<1568xf32, #tpu.memory_space<vmem>>, vector<16xf32>,
    %swap3A_5 = arith.constant 32 : index
    %swap3A_6 = tpu.vector_load %arg17[%swap3A_5] {strides = array<i32>} : memref<1568xf32, #tpu.memory_space<vmem>>, vector<16xf32>,
    tpu.vector_store %arg17[%swap3A_5], %broadcast_in_dim3A_1 {strides = array<i32>} : memref<1568xf32, #tpu.memory_space<vmem>>, vector<16xf32>,
    %swap3A_7 = arith.constant 48 : index
    %swap3A_8 = tpu.vector_load %arg17[%swap3A_7] {strides = array<i32>} : memref<1568xf32, #tpu.memory_space<vmem>>, vector<16xf32>,
    tpu.vector_store %arg17[%swap3A_7], %broadcast_in_dim3A_1 {strides = array<i32>} : memref<1568xf32, #tpu.memory_space<vmem>>, vector<16xf32>,
    %swap3A_9 = arith.constant 64 : index
    %swap3A_10 = tpu.vector_load %arg17[%swap3A_9] {strides = array<i32>} : memref<1568xf32, #tpu.memory_space<vmem>>, vector<16xf32>,
    tpu.vector_store %arg17[%swap3A_9], %broadcast_in_dim3A_1 {strides = array<i32>} : memref<1568xf32, #tpu.memory_space<vmem>>, vector<16xf32>,
    %swap3A_11 = arith.constant 80 : index
    %swap3A_12 = tpu.vector_load %arg17[%swap3A_11] {strides = array<i32>} : memref<1568xf32, #tpu.memory_space<vmem>>, vector<16xf32>,
    tpu.vector_store %arg17[%swap3A_11], %broadcast_in_dim3A_1 {strides = array<i32>} : memref<1568xf32, #tpu.memory_space<vmem>>, vector<16xf32>,
    %swap3A_13 = arith.constant 96 : index
    %swap3A_14 = tpu.vector_load %arg17[%swap3A_13] {strides = array<i32>} : memref<1568xf32, #tpu.memory_space<vmem>>, vector<16xf32>,
    tpu.vector_store %arg17[%swap3A_13], %broadcast_in_dim3A_1 {strides = array<i32>} : memref<1568xf32, #tpu.memory_space<vmem>>, vector<16xf32>,
    %swap3A_15 = arith.constant 112 : index
    %swap3A_16 = tpu.vector_load %arg17[%swap3A_15] {strides = array<i32>} : memref<1568xf32, #tpu.memory_space<vmem>>, vector<16xf32>,
    tpu.vector_store %arg17[%swap3A_15], %broadcast_in_dim3A_1 {strides = array<i32>} : memref<1568xf32, #tpu.memory_space<vmem>>, vector<16xf32>,
    %swap3A_17 = arith.constant 128 : index
    %swap3A_18 = tpu.vector_load %arg17[%swap3A_17] {strides = array<i32>} : memref<1568xf32, #tpu.memory_space<vmem>>, vector<16xf32>,
    tpu.vector_store %arg17[%swap3A_17], %broadcast_in_dim3A_1 {strides = array<i32>} : memref<1568xf32, #tpu.memory_space<vmem>>, vector<16xf32>,
    %swap3A_19 = arith.constant 144 : index
    %swap3A_20 = tpu.vector_load %arg17[%swap3A_19] {strides = array<i32>} : memref<1568xf32, #tpu.memory_space<vmem>>, vector<16xf32>,
    tpu.vector_store %arg17[%swap3A_19], %broadcast_in_dim3A_1 {strides = array<i32>} : memref<1568xf32, #tpu.memory_space<vmem>>, vector<16xf32>,
    %swap3A_21 = arith.constant 160 : index
    %swap3A_22 = tpu.vector_load %arg17[%swap3A_21] {strides = array<i32>} : memref<1568xf32, #tpu.memory_space<vmem>>, vector<16xf32>,
    tpu.vector_store %arg17[%swap3A_21], %broadcast_in_dim3A_1 {strides = array<i32>} : memref<1568xf32, #tpu.memory_space<vmem>>, vector<16xf32>,
    %swap3A_23 = arith.constant 176 : index
    %swap3A_24 = tpu.vector_load %arg17[%swap3A_23] {strides = array<i32>} : memref<1568xf32, #tpu.memory_space<vmem>>, vector<16xf32>,
    tpu.vector_store %arg17[%swap3A_23], %broadcast_in_dim3A_1 {strides = array<i32>} : memref<1568xf32, #tpu.memory_space<vmem>>, vector<16xf32>,
    %swap3A_25 = arith.constant 192 : index
    %swap3A_26 = tpu.vector_load %arg17[%swap3A_25] {strides = array<i32>} : memref<1568xf32, #tpu.memory_space<vmem>>, vector<16xf32>,
    tpu.vector_store %arg17[%swap3A_25], %broadcast_in_dim3A_1 {strides = array<i32>} : memref<1568xf32, #tpu.memory_space<vmem>>, vector<16xf32>,
    %swap3A_27 = arith.constant 208 : index
    %swap3A_28 = tpu.vector_load %arg17[%swap3A_27] {strides = array<i32>} : memref<1568xf32, #tpu.memory_space<vmem>>, vector<16xf32>,
    tpu.vector_store %arg17[%swap3A_27], %broadcast_in_dim3A_1 {strides = array<i32>} : memref<1568xf32, #tpu.memory_space<vmem>>, vector<16xf32>,
    %swap3A_29 = arith.constant 224 : index
    %swap3A_30 = tpu.vector_load %arg17[%swap3A_29] {strides = array<i32>} : memref<1568xf32, #tpu.memory_space<vmem>>, vector<16xf32>,
    tpu.vector_store %arg17[%swap3A_29], %broadcast_in_dim3A_1 {strides = array<i32>} : memref<1568xf32, #tpu.memory_space<vmem>>, vector<16xf32>,
    %swap3A_31 = arith.constant 240 : index
    %swap3A_32 = tpu.vector_load %arg17[%swap3A_31] {strides = array<i32>} : memref<1568xf32, #tpu.memory_space<vmem>>, vector<16xf32>,
    tpu.vector_store %arg17[%swap3A_31], %broadcast_in_dim3A_1 {strides = array<i32>} : memref<1568xf32, #tpu.memory_space<vmem>>, vector<16xf32>,
    %swap3A_33 = arith.constant 256 : index
    %swap3A_34 = tpu.vector_load %arg17[%swap3A_33] {strides = array<i32>} : memref<1568xf32, #tpu.memory_space<vmem>>, vector<16xf32>,
    tpu.vector_store %arg17[%swap3A_33], %broadcast_in_dim3A_1 {strides = array<i32>} : memref<1568xf32, #tpu.memory_space<vmem>>, vector<16xf32>,
    %swap3A_35 = arith.constant 272 : index
    %swap3A_36 = tpu.vector_load %arg17[%swap3A_35] {strides = array<i32>} : memref<1568xf32, #tpu.memory_space<vmem>>, vector<16xf32>,
    tpu.vector_store %arg17[%swap3A_35], %broadcast_in_dim3A_1 {strides = array<i32>} : memref<1568xf32, #tpu.memory_space<vmem>>, vector<16xf32>,
    %swap3A_37 = arith.constant 288 : index
    %swap3A_38 = tpu.vector_load %arg17[%swap3A_37] {strides = array<i32>} : memref<1568xf32, #tpu.memory_space<vmem>>, vector<16xf32>,
    tpu.vector_store %arg17[%swap3A_37], %broadcast_in_dim3A_1 {strides = array<i32>} : memref<1568xf32, #tpu.memory_space<vmem>>, vector<16xf32>,
    %swap3A_39 = arith.constant 304 : index
    %swap3A_40 = tpu.vector_load %arg17[%swap3A_39] {strides = array<i32>} : memref<1568xf32, #tpu.memory_space<vmem>>, vector<16xf32>,
    tpu.vector_store %arg17[%swap3A_39], %broadcast_in_dim3A_1 {strides = array<i32>} : memref<1568xf32, #tpu.memory_space<vmem>>, vector<16xf32>,
    %swap3A_41 = arith.constant 320 : index
    %swap3A_42 = tpu.vector_load %arg17[%swap3A_41] {strides = array<i32>} : memref<1568xf32, #tpu.memory_space<vmem>>, vector<16xf32>,
    tpu.vector_store %arg17[%swap3A_41], %broadcast_in_dim3A_1 {strides = array<i32>} : memref<1568xf32, #tpu.memory_space<vmem>>, vector<16xf32>,
    %swap3A_43 = arith.constant 336 : index
    %swap3A_44 = tpu.vector_load %arg17[%swap3A_43] {strides = array<i32>} : memref<1568xf32, #tpu.memory_space<vmem>>, vector<16xf32>,
    tpu.vector_store %arg17[%swap3A_43], %broadcast_in_dim3A_1 {strides = array<i32>} : memref<1568xf32, #tpu.memory_space<vmem>>, vector<16xf32>,
    %swap3A_45 = arith.constant 352 : index
    %swap3A_46 = tpu.vector_load %arg17[%swap3A_45] {strides = array<i32>} : memref<1568xf32, #tpu.memory_space<vmem>>, vector<16xf32>,
    tpu.vector_store %arg17[%swap3A_45], %broadcast_in_dim3A_1 {strides = array<i32>} : memref<1568xf32, #tpu.memory_space<vmem>>, vector<16xf32>,
    %swap3A_47 = arith.constant 368 : index
    %swap3A_48 = tpu.vector_load %arg17[%swap3A_47] {strides = array<i32>} : memref<1568xf32, #tpu.memory_space<vmem>>, vector<16xf32>,
    tpu.vector_store %arg17[%swap3A_47], %broadcast_in_dim3A_1 {strides = array<i32>} : memref<1568xf32, #tpu.memory_space<vmem>>, vector<16xf32>,
    %swap3A_49 = arith.constant 384 : index
    %swap3A_50 = tpu.vector_load %arg17[%swap3A_49] {strides = array<i32>} : memref<1568xf32, #tpu.memory_space<vmem>>, vector<16xf32>,
    tpu.vector_store %arg17[%swap3A_49], %broadcast_in_dim3A_1 {strides = array<i32>} : memref<1568xf32, #tpu.memory_space<vmem>>, vector<16xf32>,
    %swap3A_51 = arith.constant 400 : index
    %swap3A_52 = tpu.vector_load %arg17[%swap3A_51] {strides = array<i32>} : memref<1568xf32, #tpu.memory_space<vmem>>, vector<16xf32>,
    tpu.vector_store %arg17[%swap3A_51], %broadcast_in_dim3A_1 {strides = array<i32>} : memref<1568xf32, #tpu.memory_space<vmem>>, vector<16xf32>,
    %swap3A_53 = arith.constant 416 : index
    %swap3A_54 = tpu.vector_load %arg17[%swap3A_53] {strides = array<i32>} : memref<1568xf32, #tpu.memory_space<vmem>>, vector<16xf32>,
    tpu.vector_store %arg17[%swap3A_53], %broadcast_in_dim3A_1 {strides = array<i32>} : memref<1568xf32, #tpu.memory_space<vmem>>, vector<16xf32>,
    %swap3A_55 = arith.constant 432 : index
    %swap3A_56 = tpu.vector_load %arg17[%swap3A_55] {strides = array<i32>} : memref<1568xf32, #tpu.memory_space<vmem>>, vector<16xf32>,
    tpu.vector_store %arg17[%swap3A_55], %broadcast_in_dim3A_1 {strides = array<i32>} : memref<1568xf32, #tpu.memory_space<vmem>>, vector<16xf32>,
    %swap3A_57 = arith.constant 448 : index
    %swap3A_58 = tpu.vector_load %arg17[%swap3A_57] {strides = array<i32>} : memref<1568xf32, #tpu.memory_space<vmem>>, vector<16xf32>,
    tpu.vector_store %arg17[%swap3A_57], %broadcast_in_dim3A_1 {strides = array<i32>} : memref<1568xf32, #tpu.memory_space<vmem>>, vector<16xf32>,
    %swap3A_59 = arith.constant 464 : index
    %swap3A_60 = tpu.vector_load %arg17[%swap3A_59] {strides = array<i32>} : memref<1568xf32, #tpu.memory_space<vmem>>, vector<16xf32>,
    tpu.vector_store %arg17[%swap3A_59], %broadcast_in_dim3A_1 {strides = array<i32>} : memref<1568xf32, #tpu.memory_space<vmem>>, vector<16xf32>,
    %swap3A_61 = arith.constant 480 : index
    %swap3A_62 = tpu.vector_load %arg17[%swap3A_61] {strides = array<i32>} : memref<1568xf32, #tpu.memory_space<vmem>>, vector<16xf32>,
    tpu.vector_store %arg17[%swap3A_61], %broadcast_in_dim3A_1 {strides = array<i32>} : memref<1568xf32, #tpu.memory_space<vmem>>, vector<16xf32>,
    %swap3A_63 = arith.constant 496 : index
    %swap3A_64 = tpu.vector_load %arg17[%swap3A_63] {strides = array<i32>} : memref<1568xf32, #tpu.memory_space<vmem>>, vector<16xf32>,
    tpu.vector_store %arg17[%swap3A_63], %broadcast_in_dim3A_1 {strides = array<i32>} : memref<1568xf32, #tpu.memory_space<vmem>>, vector<16xf32>,
    %swap3A_65 = arith.constant 512 : index
    %swap3A_66 = tpu.vector_load %arg17[%swap3A_65] {strides = array<i32>} : memref<1568xf32, #tpu.memory_space<vmem>>, vector<16xf32>,
    tpu.vector_store %arg17[%swap3A_65], %broadcast_in_dim3A_1 {strides = array<i32>} : memref<1568xf32, #tpu.memory_space<vmem>>, vector<16xf32>,
    %swap3A_67 = arith.constant 528 : index
    %swap3A_68 = tpu.vector_load %arg17[%swap3A_67] {strides = array<i32>} : memref<1568xf32, #tpu.memory_space<vmem>>, vector<16xf32>,
    tpu.vector_store %arg17[%swap3A_67], %broadcast_in_dim3A_1 {strides = array<i32>} : memref<1568xf32, #tpu.memory_space<vmem>>, vector<16xf32>,
    %swap3A_69 = arith.constant 544 : index
    %swap3A_70 = tpu.vector_load %arg17[%swap3A_69] {strides = array<i32>} : memref<1568xf32, #tpu.memory_space<vmem>>, vector<16xf32>,
    tpu.vector_store %arg17[%swap3A_69], %broadcast_in_dim3A_1 {strides = array<i32>} : memref<1568xf32, #tpu.memory_space<vmem>>, vector<16xf32>,
    %swap3A_71 = arith.constant 560 : index
    %swap3A_72 = tpu.vector_load %arg17[%swap3A_71] {strides = array<i32>} : memref<1568xf32, #tpu.memory_space<vmem>>, vector<16xf32>,
    tpu.vector_store %arg17[%swap3A_71], %broadcast_in_dim3A_1 {strides = array<i32>} : memref<1568xf32, #tpu.memory_space<vmem>>, vector<16xf32>,
    %swap3A_73 = arith.constant 576 : index
    %swap3A_74 = tpu.vector_load %arg17[%swap3A_73] {strides = array<i32>} : memref<1568xf32, #tpu.memory_space<vmem>>, vector<16xf32>,
    tpu.vector_store %arg17[%swap3A_73], %broadcast_in_dim3A_1 {strides = array<i32>} : memref<1568xf32, #tpu.memory_space<vmem>>, vector<16xf32>,
    %swap3A_75 = arith.constant 592 : index
    %swap3A_76 = tpu.vector_load %arg17[%swap3A_75] {strides = array<i32>} : memref<1568xf32, #tpu.memory_space<vmem>>, vector<16xf32>,
    tpu.vector_store %arg17[%swap3A_75], %broadcast_in_dim3A_1 {strides = array<i32>} : memref<1568xf32, #tpu.memory_space<vmem>>, vector<16xf32>,
    %swap3A_77 = arith.constant 608 : index
    %swap3A_78 = tpu.vector_load %arg17[%swap3A_77] {strides = array<i32>} : memref<1568xf32, #tpu.memory_space<vmem>>, vector<16xf32>,
    tpu.vector_store %arg17[%swap3A_77], %broadcast_in_dim3A_1 {strides = array<i32>} : memref<1568xf32, #tpu.memory_space<vmem>>, vector<16xf32>,
    %swap3A_79 = arith.constant 624 : index
    %swap3A_80 = tpu.vector_load %arg17[%swap3A_79] {strides = array<i32>} : memref<1568xf32, #tpu.memory_space<vmem>>, vector<16xf32>,
    tpu.vector_store %arg17[%swap3A_79], %broadcast_in_dim3A_1 {strides = array<i32>} : memref<1568xf32, #tpu.memory_space<vmem>>, vector<16xf32>,
    %swap3A_81 = arith.constant 640 : index
    %swap3A_82 = tpu.vector_load %arg17[%swap3A_81] {strides = array<i32>} : memref<1568xf32, #tpu.memory_space<vmem>>, vector<16xf32>,
    tpu.vector_store %arg17[%swap3A_81], %broadcast_in_dim3A_1 {strides = array<i32>} : memref<1568xf32, #tpu.memory_space<vmem>>, vector<16xf32>,
    %swap3A_83 = arith.constant 656 : index
    %swap3A_84 = tpu.vector_load %arg17[%swap3A_83] {strides = array<i32>} : memref<1568xf32, #tpu.memory_space<vmem>>, vector<16xf32>,
    tpu.vector_store %arg17[%swap3A_83], %broadcast_in_dim3A_1 {strides = array<i32>} : memref<1568xf32, #tpu.memory_space<vmem>>, vector<16xf32>,
    %swap3A_85 = arith.constant 672 : index
    %swap3A_86 = tpu.vector_load %arg17[%swap3A_85] {strides = array<i32>} : memref<1568xf32, #tpu.memory_space<vmem>>, vector<16xf32>,
    tpu.vector_store %arg17[%swap3A_85], %broadcast_in_dim3A_1 {strides = array<i32>} : memref<1568xf32, #tpu.memory_space<vmem>>, vector<16xf32>,
    %swap3A_87 = arith.constant 688 : index
    %swap3A_88 = tpu.vector_load %arg17[%swap3A_87] {strides = array<i32>} : memref<1568xf32, #tpu.memory_space<vmem>>, vector<16xf32>,
    tpu.vector_store %arg17[%swap3A_87], %broadcast_in_dim3A_1 {strides = array<i32>} : memref<1568xf32, #tpu.memory_space<vmem>>, vector<16xf32>,
    %swap3A_89 = arith.constant 704 : index
    %swap3A_90 = tpu.vector_load %arg17[%swap3A_89] {strides = array<i32>} : memref<1568xf32, #tpu.memory_space<vmem>>, vector<16xf32>,
    tpu.vector_store %arg17[%swap3A_89], %broadcast_in_dim3A_1 {strides = array<i32>} : memref<1568xf32, #tpu.memory_space<vmem>>, vector<16xf32>,
    %swap3A_91 = arith.constant 720 : index
    %swap3A_92 = tpu.vector_load %arg17[%swap3A_91] {strides = array<i32>} : memref<1568xf32, #tpu.memory_space<vmem>>, vector<16xf32>,
    tpu.vector_store %arg17[%swap3A_91], %broadcast_in_dim3A_1 {strides = array<i32>} : memref<1568xf32, #tpu.memory_space<vmem>>, vector<16xf32>,
    %swap3A_93 = arith.constant 736 : index
    %swap3A_94 = tpu.vector_load %arg17[%swap3A_93] {strides = array<i32>} : memref<1568xf32, #tpu.memory_space<vmem>>, vector<16xf32>,
    tpu.vector_store %arg17[%swap3A_93], %broadcast_in_dim3A_1 {strides = array<i32>} : memref<1568xf32, #tpu.memory_space<vmem>>, vector<16xf32>,
    %swap3A_95 = arith.constant 752 : index
    %swap3A_96 = tpu.vector_load %arg17[%swap3A_95] {strides = array<i32>} : memref<1568xf32, #tpu.memory_space<vmem>>, vector<16xf32>,
    tpu.vector_store %arg17[%swap3A_95], %broadcast_in_dim3A_1 {strides = array<i32>} : memref<1568xf32, #tpu.memory_space<vmem>>, vector<16xf32>,
    %swap3A_97 = arith.constant 768 : index
    %swap3A_98 = tpu.vector_load %arg17[%swap3A_97] {strides = array<i32>} : memref<1568xf32, #tpu.memory_space<vmem>>, vector<16xf32>,
    tpu.vector_store %arg17[%swap3A_97], %broadcast_in_dim3A_1 {strides = array<i32>} : memref<1568xf32, #tpu.memory_space<vmem>>, vector<16xf32>,
    %swap3A_99 = arith.constant 784 : index
    %swap3A_100 = tpu.vector_load %arg17[%swap3A_99] {strides = array<i32>} : memref<1568xf32, #tpu.memory_space<vmem>>, vector<16xf32>,
    tpu.vector_store %arg17[%swap3A_99], %broadcast_in_dim3A_1 {strides = array<i32>} : memref<1568xf32, #tpu.memory_space<vmem>>, vector<16xf32>,
    %swap3A_101 = arith.constant 800 : index
    %swap3A_102 = tpu.vector_load %arg17[%swap3A_101] {strides = array<i32>} : memref<1568xf32, #tpu.memory_space<vmem>>, vector<16xf32>,
    tpu.vector_store %arg17[%swap3A_101], %broadcast_in_dim3A_1 {strides = array<i32>} : memref<1568xf32, #tpu.memory_space<vmem>>, vector<16xf32>,
    %swap3A_103 = arith.constant 816 : index
    %swap3A_104 = tpu.vector_load %arg17[%swap3A_103] {strides = array<i32>} : memref<1568xf32, #tpu.memory_space<vmem>>, vector<16xf32>,
    tpu.vector_store %arg17[%swap3A_103], %broadcast_in_dim3A_1 {strides = array<i32>} : memref<1568xf32, #tpu.memory_space<vmem>>, vector<16xf32>,
    %swap3A_105 = arith.constant 832 : index
    %swap3A_106 = tpu.vector_load %arg17[%swap3A_105] {strides = array<i32>} : memref<1568xf32, #tpu.memory_space<vmem>>, vector<16xf32>,
    tpu.vector_store %arg17[%swap3A_105], %broadcast_in_dim3A_1 {strides = array<i32>} : memref<1568xf32, #tpu.memory_space<vmem>>, vector<16xf32>,
    %swap3A_107 = arith.constant 848 : index
    %swap3A_108 = tpu.vector_load %arg17[%swap3A_107] {strides = array<i32>} : memref<1568xf32, #tpu.memory_space<vmem>>, vector<16xf32>,
    tpu.vector_store %arg17[%swap3A_107], %broadcast_in_dim3A_1 {strides = array<i32>} : memref<1568xf32, #tpu.memory_space<vmem>>, vector<16xf32>,
    %swap3A_109 = arith.constant 864 : index
    %swap3A_110 = tpu.vector_load %arg17[%swap3A_109] {strides = array<i32>} : memref<1568xf32, #tpu.memory_space<vmem>>, vector<16xf32>,
    tpu.vector_store %arg17[%swap3A_109], %broadcast_in_dim3A_1 {strides = array<i32>} : memref<1568xf32, #tpu.memory_space<vmem>>, vector<16xf32>,
    %swap3A_111 = arith.constant 880 : index
    %swap3A_112 = tpu.vector_load %arg17[%swap3A_111] {strides = array<i32>} : memref<1568xf32, #tpu.memory_space<vmem>>, vector<16xf32>,
    tpu.vector_store %arg17[%swap3A_111], %broadcast_in_dim3A_1 {strides = array<i32>} : memref<1568xf32, #tpu.memory_space<vmem>>, vector<16xf32>,
    %swap3A_113 = arith.constant 896 : index
    %swap3A_114 = tpu.vector_load %arg17[%swap3A_113] {strides = array<i32>} : memref<1568xf32, #tpu.memory_space<vmem>>, vector<16xf32>,
    tpu.vector_store %arg17[%swap3A_113], %broadcast_in_dim3A_1 {strides = array<i32>} : memref<1568xf32, #tpu.memory_space<vmem>>, vector<16xf32>,
    %swap3A_115 = arith.constant 912 : index
    %swap3A_116 = tpu.vector_load %arg17[%swap3A_115] {strides = array<i32>} : memref<1568xf32, #tpu.memory_space<vmem>>, vector<16xf32>,
    tpu.vector_store %arg17[%swap3A_115], %broadcast_in_dim3A_1 {strides = array<i32>} : memref<1568xf32, #tpu.memory_space<vmem>>, vector<16xf32>,
    %swap3A_117 = arith.constant 928 : index
    %swap3A_118 = tpu.vector_load %arg17[%swap3A_117] {strides = array<i32>} : memref<1568xf32, #tpu.memory_space<vmem>>, vector<16xf32>,
    tpu.vector_store %arg17[%swap3A_117], %broadcast_in_dim3A_1 {strides = array<i32>} : memref<1568xf32, #tpu.memory_space<vmem>>, vector<16xf32>,
    %swap3A_119 = arith.constant 944 : index
    %swap3A_120 = tpu.vector_load %arg17[%swap3A_119] {strides = array<i32>} : memref<1568xf32, #tpu.memory_space<vmem>>, vector<16xf32>,
    tpu.vector_store %arg17[%swap3A_119], %broadcast_in_dim3A_1 {strides = array<i32>} : memref<1568xf32, #tpu.memory_space<vmem>>, vector<16xf32>,
    %swap3A_121 = arith.constant 960 : index
    %swap3A_122 = tpu.vector_load %arg17[%swap3A_121] {strides = array<i32>} : memref<1568xf32, #tpu.memory_space<vmem>>, vector<16xf32>,
    tpu.vector_store %arg17[%swap3A_121], %broadcast_in_dim3A_1 {strides = array<i32>} : memref<1568xf32, #tpu.memory_space<vmem>>, vector<16xf32>,
    %swap3A_123 = arith.constant 976 : index
    %swap3A_124 = tpu.vector_load %arg17[%swap3A_123] {strides = array<i32>} : memref<1568xf32, #tpu.memory_space<vmem>>, vector<16xf32>,
    tpu.vector_store %arg17[%swap3A_123], %broadcast_in_dim3A_1 {strides = array<i32>} : memref<1568xf32, #tpu.memory_space<vmem>>, vector<16xf32>,
    %swap3A_125 = arith.constant 992 : index
    %swap3A_126 = tpu.vector_load %arg17[%swap3A_125] {strides = array<i32>} : memref<1568xf32, #tpu.memory_space<vmem>>, vector<16xf32>,
    tpu.vector_store %arg17[%swap3A_125], %broadcast_in_dim3A_1 {strides = array<i32>} : memref<1568xf32, #tpu.memory_space<vmem>>, vector<16xf32>,
    %swap3A_127 = arith.constant 1008 : index
    %swap3A_128 = tpu.vector_load %arg17[%swap3A_127] {strides = array<i32>} : memref<1568xf32, #tpu.memory_space<vmem>>, vector<16xf32>,
    tpu.vector_store %arg17[%swap3A_127], %broadcast_in_dim3A_1 {strides = array<i32>} : memref<1568xf32, #tpu.memory_space<vmem>>, vector<16xf32>,
    %swap3A_129 = arith.constant 1024 : index
    %swap3A_130 = tpu.vector_load %arg17[%swap3A_129] {strides = array<i32>} : memref<1568xf32, #tpu.memory_space<vmem>>, vector<16xf32>,
    tpu.vector_store %arg17[%swap3A_129], %broadcast_in_dim3A_1 {strides = array<i32>} : memref<1568xf32, #tpu.memory_space<vmem>>, vector<16xf32>,
    %swap3A_131 = arith.constant 1040 : index
    %swap3A_132 = tpu.vector_load %arg17[%swap3A_131] {strides = array<i32>} : memref<1568xf32, #tpu.memory_space<vmem>>, vector<16xf32>,
    tpu.vector_store %arg17[%swap3A_131], %broadcast_in_dim3A_1 {strides = array<i32>} : memref<1568xf32, #tpu.memory_space<vmem>>, vector<16xf32>,
    %swap3A_133 = arith.constant 1056 : index
    %swap3A_134 = tpu.vector_load %arg17[%swap3A_133] {strides = array<i32>} : memref<1568xf32, #tpu.memory_space<vmem>>, vector<16xf32>,
    tpu.vector_store %arg17[%swap3A_133], %broadcast_in_dim3A_1 {strides = array<i32>} : memref<1568xf32, #tpu.memory_space<vmem>>, vector<16xf32>,
    %swap3A_135 = arith.constant 1072 : index
    %swap3A_136 = tpu.vector_load %arg17[%swap3A_135] {strides = array<i32>} : memref<1568xf32, #tpu.memory_space<vmem>>, vector<16xf32>,
    tpu.vector_store %arg17[%swap3A_135], %broadcast_in_dim3A_1 {strides = array<i32>} : memref<1568xf32, #tpu.memory_space<vmem>>, vector<16xf32>,
    %swap3A_137 = arith.constant 1088 : index
    %swap3A_138 = tpu.vector_load %arg17[%swap3A_137] {strides = array<i32>} : memref<1568xf32, #tpu.memory_space<vmem>>, vector<16xf32>,
    tpu.vector_store %arg17[%swap3A_137], %broadcast_in_dim3A_1 {strides = array<i32>} : memref<1568xf32, #tpu.memory_space<vmem>>, vector<16xf32>,
    %swap3A_139 = arith.constant 1104 : index
    %swap3A_140 = tpu.vector_load %arg17[%swap3A_139] {strides = array<i32>} : memref<1568xf32, #tpu.memory_space<vmem>>, vector<16xf32>,
    tpu.vector_store %arg17[%swap3A_139], %broadcast_in_dim3A_1 {strides = array<i32>} : memref<1568xf32, #tpu.memory_space<vmem>>, vector<16xf32>,
    %swap3A_141 = arith.constant 1120 : index
    %swap3A_142 = tpu.vector_load %arg17[%swap3A_141] {strides = array<i32>} : memref<1568xf32, #tpu.memory_space<vmem>>, vector<16xf32>,
    tpu.vector_store %arg17[%swap3A_141], %broadcast_in_dim3A_1 {strides = array<i32>} : memref<1568xf32, #tpu.memory_space<vmem>>, vector<16xf32>,
    %swap3A_143 = arith.constant 1136 : index
    %swap3A_144 = tpu.vector_load %arg17[%swap3A_143] {strides = array<i32>} : memref<1568xf32, #tpu.memory_space<vmem>>, vector<16xf32>,
    tpu.vector_store %arg17[%swap3A_143], %broadcast_in_dim3A_1 {strides = array<i32>} : memref<1568xf32, #tpu.memory_space<vmem>>, vector<16xf32>,
    %swap3A_145 = arith.constant 1152 : index
    %swap3A_146 = tpu.vector_load %arg17[%swap3A_145] {strides = array<i32>} : memref<1568xf32, #tpu.memory_space<vmem>>, vector<16xf32>,
    tpu.vector_store %arg17[%swap3A_145], %broadcast_in_dim3A_1 {strides = array<i32>} : memref<1568xf32, #tpu.memory_space<vmem>>, vector<16xf32>,
    %swap3A_147 = arith.constant 1168 : index
    %swap3A_148 = tpu.vector_load %arg17[%swap3A_147] {strides = array<i32>} : memref<1568xf32, #tpu.memory_space<vmem>>, vector<16xf32>,
    tpu.vector_store %arg17[%swap3A_147], %broadcast_in_dim3A_1 {strides = array<i32>} : memref<1568xf32, #tpu.memory_space<vmem>>, vector<16xf32>,
    %swap3A_149 = arith.constant 1184 : index
    %swap3A_150 = tpu.vector_load %arg17[%swap3A_149] {strides = array<i32>} : memref<1568xf32, #tpu.memory_space<vmem>>, vector<16xf32>,
    tpu.vector_store %arg17[%swap3A_149], %broadcast_in_dim3A_1 {strides = array<i32>} : memref<1568xf32, #tpu.memory_space<vmem>>, vector<16xf32>,
    %swap3A_151 = arith.constant 1200 : index
    %swap3A_152 = tpu.vector_load %arg17[%swap3A_151] {strides = array<i32>} : memref<1568xf32, #tpu.memory_space<vmem>>, vector<16xf32>,
    tpu.vector_store %arg17[%swap3A_151], %broadcast_in_dim3A_1 {strides = array<i32>} : memref<1568xf32, #tpu.memory_space<vmem>>, vector<16xf32>,
    %swap3A_153 = arith.constant 1216 : index
    %swap3A_154 = tpu.vector_load %arg17[%swap3A_153] {strides = array<i32>} : memref<1568xf32, #tpu.memory_space<vmem>>, vector<16xf32>,
    tpu.vector_store %arg17[%swap3A_153], %broadcast_in_dim3A_1 {strides = array<i32>} : memref<1568xf32, #tpu.memory_space<vmem>>, vector<16xf32>,
    %swap3A_155 = arith.constant 1232 : index
    %swap3A_156 = tpu.vector_load %arg17[%swap3A_155] {strides = array<i32>} : memref<1568xf32, #tpu.memory_space<vmem>>, vector<16xf32>,
    tpu.vector_store %arg17[%swap3A_155], %broadcast_in_dim3A_1 {strides = array<i32>} : memref<1568xf32, #tpu.memory_space<vmem>>, vector<16xf32>,
    %swap3A_157 = arith.constant 1248 : index
    %swap3A_158 = tpu.vector_load %arg17[%swap3A_157] {strides = array<i32>} : memref<1568xf32, #tpu.memory_space<vmem>>, vector<16xf32>,
    tpu.vector_store %arg17[%swap3A_157], %broadcast_in_dim3A_1 {strides = array<i32>} : memref<1568xf32, #tpu.memory_space<vmem>>, vector<16xf32>,
    %swap3A_159 = arith.constant 1264 : index
    %swap3A_160 = tpu.vector_load %arg17[%swap3A_159] {strides = array<i32>} : memref<1568xf32, #tpu.memory_space<vmem>>, vector<16xf32>,
    tpu.vector_store %arg17[%swap3A_159], %broadcast_in_dim3A_1 {strides = array<i32>} : memref<1568xf32, #tpu.memory_space<vmem>>, vector<16xf32>,
    %swap3A_161 = arith.constant 1280 : index
    %swap3A_162 = tpu.vector_load %arg17[%swap3A_161] {strides = array<i32>} : memref<1568xf32, #tpu.memory_space<vmem>>, vector<16xf32>,
    tpu.vector_store %arg17[%swap3A_161], %broadcast_in_dim3A_1 {strides = array<i32>} : memref<1568xf32, #tpu.memory_space<vmem>>, vector<16xf32>,
    %swap3A_163 = arith.constant 1296 : index
    %swap3A_164 = tpu.vector_load %arg17[%swap3A_163] {strides = array<i32>} : memref<1568xf32, #tpu.memory_space<vmem>>, vector<16xf32>,
    tpu.vector_store %arg17[%swap3A_163], %broadcast_in_dim3A_1 {strides = array<i32>} : memref<1568xf32, #tpu.memory_space<vmem>>, vector<16xf32>,
    %swap3A_165 = arith.constant 1312 : index
    %swap3A_166 = tpu.vector_load %arg17[%swap3A_165] {strides = array<i32>} : memref<1568xf32, #tpu.memory_space<vmem>>, vector<16xf32>,
    tpu.vector_store %arg17[%swap3A_165], %broadcast_in_dim3A_1 {strides = array<i32>} : memref<1568xf32, #tpu.memory_space<vmem>>, vector<16xf32>,
    %swap3A_167 = arith.constant 1328 : index
    %swap3A_168 = tpu.vector_load %arg17[%swap3A_167] {strides = array<i32>} : memref<1568xf32, #tpu.memory_space<vmem>>, vector<16xf32>,
    tpu.vector_store %arg17[%swap3A_167], %broadcast_in_dim3A_1 {strides = array<i32>} : memref<1568xf32, #tpu.memory_space<vmem>>, vector<16xf32>,
    %swap3A_169 = arith.constant 1344 : index
    %swap3A_170 = tpu.vector_load %arg17[%swap3A_169] {strides = array<i32>} : memref<1568xf32, #tpu.memory_space<vmem>>, vector<16xf32>,
    tpu.vector_store %arg17[%swap3A_169], %broadcast_in_dim3A_1 {strides = array<i32>} : memref<1568xf32, #tpu.memory_space<vmem>>, vector<16xf32>,
    %swap3A_171 = arith.constant 1360 : index
    %swap3A_172 = tpu.vector_load %arg17[%swap3A_171] {strides = array<i32>} : memref<1568xf32, #tpu.memory_space<vmem>>, vector<16xf32>,
    tpu.vector_store %arg17[%swap3A_171], %broadcast_in_dim3A_1 {strides = array<i32>} : memref<1568xf32, #tpu.memory_space<vmem>>, vector<16xf32>,
    %swap3A_173 = arith.constant 1376 : index
    %swap3A_174 = tpu.vector_load %arg17[%swap3A_173] {strides = array<i32>} : memref<1568xf32, #tpu.memory_space<vmem>>, vector<16xf32>,
    tpu.vector_store %arg17[%swap3A_173], %broadcast_in_dim3A_1 {strides = array<i32>} : memref<1568xf32, #tpu.memory_space<vmem>>, vector<16xf32>,
    %swap3A_175 = arith.constant 1392 : index
    %swap3A_176 = tpu.vector_load %arg17[%swap3A_175] {strides = array<i32>} : memref<1568xf32, #tpu.memory_space<vmem>>, vector<16xf32>,
    tpu.vector_store %arg17[%swap3A_175], %broadcast_in_dim3A_1 {strides = array<i32>} : memref<1568xf32, #tpu.memory_space<vmem>>, vector<16xf32>,
    %swap3A_177 = arith.constant 1408 : index
    %swap3A_178 = tpu.vector_load %arg17[%swap3A_177] {strides = array<i32>} : memref<1568xf32, #tpu.memory_space<vmem>>, vector<16xf32>,
    tpu.vector_store %arg17[%swap3A_177], %broadcast_in_dim3A_1 {strides = array<i32>} : memref<1568xf32, #tpu.memory_space<vmem>>, vector<16xf32>,
    %swap3A_179 = arith.constant 1424 : index
    %swap3A_180 = tpu.vector_load %arg17[%swap3A_179] {strides = array<i32>} : memref<1568xf32, #tpu.memory_space<vmem>>, vector<16xf32>,
    tpu.vector_store %arg17[%swap3A_179], %broadcast_in_dim3A_1 {strides = array<i32>} : memref<1568xf32, #tpu.memory_space<vmem>>, vector<16xf32>,
    %swap3A_181 = arith.constant 1440 : index
    %swap3A_182 = tpu.vector_load %arg17[%swap3A_181] {strides = array<i32>} : memref<1568xf32, #tpu.memory_space<vmem>>, vector<16xf32>,
    tpu.vector_store %arg17[%swap3A_181], %broadcast_in_dim3A_1 {strides = array<i32>} : memref<1568xf32, #tpu.memory_space<vmem>>, vector<16xf32>,
    %swap3A_183 = arith.constant 1456 : index
    %swap3A_184 = tpu.vector_load %arg17[%swap3A_183] {strides = array<i32>} : memref<1568xf32, #tpu.memory_space<vmem>>, vector<16xf32>,
    tpu.vector_store %arg17[%swap3A_183], %broadcast_in_dim3A_1 {strides = array<i32>} : memref<1568xf32, #tpu.memory_space<vmem>>, vector<16xf32>,
    %swap3A_185 = arith.constant 1472 : index
    %swap3A_186 = tpu.vector_load %arg17[%swap3A_185] {strides = array<i32>} : memref<1568xf32, #tpu.memory_space<vmem>>, vector<16xf32>,
    tpu.vector_store %arg17[%swap3A_185], %broadcast_in_dim3A_1 {strides = array<i32>} : memref<1568xf32, #tpu.memory_space<vmem>>, vector<16xf32>,
    %swap3A_187 = arith.constant 1488 : index
    %swap3A_188 = tpu.vector_load %arg17[%swap3A_187] {strides = array<i32>} : memref<1568xf32, #tpu.memory_space<vmem>>, vector<16xf32>,
    tpu.vector_store %arg17[%swap3A_187], %broadcast_in_dim3A_1 {strides = array<i32>} : memref<1568xf32, #tpu.memory_space<vmem>>, vector<16xf32>,
    %swap3A_189 = arith.constant 1504 : index
    %swap3A_190 = tpu.vector_load %arg17[%swap3A_189] {strides = array<i32>} : memref<1568xf32, #tpu.memory_space<vmem>>, vector<16xf32>,
    tpu.vector_store %arg17[%swap3A_189], %broadcast_in_dim3A_1 {strides = array<i32>} : memref<1568xf32, #tpu.memory_space<vmem>>, vector<16xf32>,
    %swap3A_191 = arith.constant 1520 : index
    %swap3A_192 = tpu.vector_load %arg17[%swap3A_191] {strides = array<i32>} : memref<1568xf32, #tpu.memory_space<vmem>>, vector<16xf32>,
    tpu.vector_store %arg17[%swap3A_191], %broadcast_in_dim3A_1 {strides = array<i32>} : memref<1568xf32, #tpu.memory_space<vmem>>, vector<16xf32>,
    %swap3A_193 = arith.constant 1536 : index
    %swap3A_194 = tpu.vector_load %arg17[%swap3A_193] {strides = array<i32>} : memref<1568xf32, #tpu.memory_space<vmem>>, vector<16xf32>,
    tpu.vector_store %arg17[%swap3A_193], %broadcast_in_dim3A_1 {strides = array<i32>} : memref<1568xf32, #tpu.memory_space<vmem>>, vector<16xf32>,
    %swap3A_195 = arith.constant 1552 : index
    %swap3A_196 = tpu.vector_load %arg17[%swap3A_195] {strides = array<i32>} : memref<1568xf32, #tpu.memory_space<vmem>>, vector<16xf32>,
    tpu.vector_store %arg17[%swap3A_195], %broadcast_in_dim3A_1 {strides = array<i32>} : memref<1568xf32, #tpu.memory_space<vmem>>, vector<16xf32>,
    %mul3A_197 = arith.constant 6272 : i32
    %mul3A_198 = arith.muli %arg1, %mul3A_197 : i32
    %add3A_199 = arith.constant 0 : i32
    %add3A_200 = arith.addi %mul3A_198, %add3A_199 : i32
    "tpu.region"() ({
      %run_scoped3A = tpu.sem_alloc : memref<!tpu.dma_semaphore, #tpu.memory_space<semaphore_mem>>
      %dma_start3A_252 = tpu.memref_slice %arg18[%add3A_200] : memref<100352xf32, #tpu.memory_space<vmem_shared>> -> memref<1568xf32, #tpu.memory_space<vmem_shared>>
      %dma_start3A_253 = tpu.memref_slice %arg18[%add3A_200] : memref<100352xf32, #tpu.memory_space<vmem_shared>> -> memref<1568xf32, #tpu.memory_space<vmem_shared>>
      tpu.enqueue_dma source(%arg17 : memref<1568xf32, #tpu.memory_space<vmem>>) target(%dma_start3A_253 : memref<1568xf32, #tpu.memory_space<vmem_shared>>) target_semaphore(%run_scoped3A : memref<!tpu.dma_semaphore, #tpu.memory_space<semaphore_mem>>)
      %dma_wait3A_254 = tpu.memref_slice %arg18[%add3A_200] : memref<100352xf32, #tpu.memory_space<vmem_shared>> -> memref<1568xf32, #tpu.memory_space<vmem_shared>>
      %dma_wait3A_255 = tpu.memref_slice %arg18[%add3A_200] : memref<100352xf32, #tpu.memory_space<vmem_shared>> -> memref<1568xf32, #tpu.memory_space<vmem_shared>>
      tpu.wait_dma2 semaphore(%run_scoped3A : memref<!tpu.dma_semaphore, #tpu.memory_space<semaphore_mem>>) src(%arg17 : memref<1568xf32, #tpu.memory_space<vmem>>) dst(%dma_wait3A_255 : memref<1568xf32, #tpu.memory_space<vmem_shared>>)
      tpu.yield
    }) : () -> ()
    %add3A_201 = arith.constant 1568 : i32
    %add3A_202 = arith.addi %mul3A_198, %add3A_201 : i32
    "tpu.region"() ({
      %run_scoped3A = tpu.sem_alloc : memref<!tpu.dma_semaphore, #tpu.memory_space<semaphore_mem>>
      %dma_start3A_252 = tpu.memref_slice %arg18[%add3A_202] : memref<100352xf32, #tpu.memory_space<vmem_shared>> -> memref<1568xf32, #tpu.memory_space<vmem_shared>>
      %dma_start3A_253 = tpu.memref_slice %arg18[%add3A_202] : memref<100352xf32, #tpu.memory_space<vmem_shared>> -> memref<1568xf32, #tpu.memory_space<vmem_shared>>
      tpu.enqueue_dma source(%arg17 : memref<1568xf32, #tpu.memory_space<vmem>>) target(%dma_start3A_253 : memref<1568xf32, #tpu.memory_space<vmem_shared>>) target_semaphore(%run_scoped3A : memref<!tpu.dma_semaphore, #tpu.memory_space<semaphore_mem>>)
      %dma_wait3A_254 = tpu.memref_slice %arg18[%add3A_202] : memref<100352xf32, #tpu.memory_space<vmem_shared>> -> memref<1568xf32, #tpu.memory_space<vmem_shared>>
      %dma_wait3A_255 = tpu.memref_slice %arg18[%add3A_202] : memref<100352xf32, #tpu.memory_space<vmem_shared>> -> memref<1568xf32, #tpu.memory_space<vmem_shared>>
      tpu.wait_dma2 semaphore(%run_scoped3A : memref<!tpu.dma_semaphore, #tpu.memory_space<semaphore_mem>>) src(%arg17 : memref<1568xf32, #tpu.memory_space<vmem>>) dst(%dma_wait3A_255 : memref<1568xf32, #tpu.memory_space<vmem_shared>>)
      tpu.yield
    }) : () -> ()
    %add3A_203 = arith.constant 3136 : i32
    %add3A_204 = arith.addi %mul3A_198, %add3A_203 : i32
    "tpu.region"() ({
      %run_scoped3A = tpu.sem_alloc : memref<!tpu.dma_semaphore, #tpu.memory_space<semaphore_mem>>
      %dma_start3A_252 = tpu.memref_slice %arg18[%add3A_204] : memref<100352xf32, #tpu.memory_space<vmem_shared>> -> memref<1568xf32, #tpu.memory_space<vmem_shared>>
      %dma_start3A_253 = tpu.memref_slice %arg18[%add3A_204] : memref<100352xf32, #tpu.memory_space<vmem_shared>> -> memref<1568xf32, #tpu.memory_space<vmem_shared>>
      tpu.enqueue_dma source(%arg17 : memref<1568xf32, #tpu.memory_space<vmem>>) target(%dma_start3A_253 : memref<1568xf32, #tpu.memory_space<vmem_shared>>) target_semaphore(%run_scoped3A : memref<!tpu.dma_semaphore, #tpu.memory_space<semaphore_mem>>)
      %dma_wait3A_254 = tpu.memref_slice %arg18[%add3A_204] : memref<100352xf32, #tpu.memory_space<vmem_shared>> -> memref<1568xf32, #tpu.memory_space<vmem_shared>>
      %dma_wait3A_255 = tpu.memref_slice %arg18[%add3A_204] : memref<100352xf32, #tpu.memory_space<vmem_shared>> -> memref<1568xf32, #tpu.memory_space<vmem_shared>>
      tpu.wait_dma2 semaphore(%run_scoped3A : memref<!tpu.dma_semaphore, #tpu.memory_space<semaphore_mem>>) src(%arg17 : memref<1568xf32, #tpu.memory_space<vmem>>) dst(%dma_wait3A_255 : memref<1568xf32, #tpu.memory_space<vmem_shared>>)
      tpu.yield
    }) : () -> ()
    %add3A_205 = arith.constant 4704 : i32
    %add3A_206 = arith.addi %mul3A_198, %add3A_205 : i32
    "tpu.region"() ({
      %run_scoped3A = tpu.sem_alloc : memref<!tpu.dma_semaphore, #tpu.memory_space<semaphore_mem>>
      %dma_start3A_252 = tpu.memref_slice %arg18[%add3A_206] : memref<100352xf32, #tpu.memory_space<vmem_shared>> -> memref<1568xf32, #tpu.memory_space<vmem_shared>>
      %dma_start3A_253 = tpu.memref_slice %arg18[%add3A_206] : memref<100352xf32, #tpu.memory_space<vmem_shared>> -> memref<1568xf32, #tpu.memory_space<vmem_shared>>
      tpu.enqueue_dma source(%arg17 : memref<1568xf32, #tpu.memory_space<vmem>>) target(%dma_start3A_253 : memref<1568xf32, #tpu.memory_space<vmem_shared>>) target_semaphore(%run_scoped3A : memref<!tpu.dma_semaphore, #tpu.memory_space<semaphore_mem>>)
      %dma_wait3A_254 = tpu.memref_slice %arg18[%add3A_206] : memref<100352xf32, #tpu.memory_space<vmem_shared>> -> memref<1568xf32, #tpu.memory_space<vmem_shared>>
      %dma_wait3A_255 = tpu.memref_slice %arg18[%add3A_206] : memref<100352xf32, #tpu.memory_space<vmem_shared>> -> memref<1568xf32, #tpu.memory_space<vmem_shared>>
      tpu.wait_dma2 semaphore(%run_scoped3A : memref<!tpu.dma_semaphore, #tpu.memory_space<semaphore_mem>>) src(%arg17 : memref<1568xf32, #tpu.memory_space<vmem>>) dst(%dma_wait3A_255 : memref<1568xf32, #tpu.memory_space<vmem_shared>>)
      tpu.yield
    }) : () -> ()
    %barrier3A = arith.constant 0 : index
    tpu.barrier barrier_id(%barrier3A)
    %lt3A = arith.constant 21 : i32
    %lt3A_207 = arith.cmpi slt, %add3A, %lt3A : i32
    %jit3A = arith.constant 98 : i32
    %jit3A_208 = arith.constant 97 : i32
    %select_n3A = arith.select %lt3A_207, %jit3A, %jit3A_208 : i32
    %add3A_209 = arith.constant 0 : i32
    %add3A_210 = arith.addi %add3A, %add3A_209 : i32
    %dma_start3A = arith.constant 0 : i32
    %dma_start3A_211 = arith.constant 0 : i32
    %dma_start3A_212 = tpu.memref_slice %arg2[%add3A_210, %dma_start3A, %dma_start3A_211] : memref<3125x32x128xi32, #tpu.memory_space<hbm>> -> memref<1x32x128xi32, #tpu.memory_space<hbm>>
    %dma_start3A_213 = tpu.memref_squeeze %dma_start3A_212 : memref<1x32x128xi32, #tpu.memory_space<hbm>> -> memref<32x128xi32, #tpu.memory_space<hbm>>
    %dma_start3A_214 = arith.constant 0 : i32
    %dma_start3A_215 = arith.constant 0 : i32
    %dma_start3A_216 = tpu.memref_slice %arg2[%add3A_210, %dma_start3A_214, %dma_start3A_215] : memref<3125x32x128xi32, #tpu.memory_space<hbm>> -> memref<1x32x128xi32, #tpu.memory_space<hbm>>
    %dma_start3A_217 = tpu.memref_squeeze %dma_start3A_216 : memref<1x32x128xi32, #tpu.memory_space<hbm>> -> memref<32x128xi32, #tpu.memory_space<hbm>>
    tpu.enqueue_dma source(%dma_start3A_217 : memref<32x128xi32, #tpu.memory_space<hbm>>) target(%arg9 : memref<32x128xi32, #tpu.memory_space<vmem>>) target_semaphore(%arg19 : memref<!tpu.dma_semaphore, #tpu.memory_space<semaphore_mem>>)
    %dma_start3A_218 = arith.constant 0 : i32
    %dma_start3A_219 = arith.constant 0 : i32
    %dma_start3A_220 = tpu.memref_slice %arg3[%add3A_210, %dma_start3A_218, %dma_start3A_219] : memref<3125x16x128xf32, #tpu.memory_space<hbm>> -> memref<1x16x128xf32, #tpu.memory_space<hbm>>
    %dma_start3A_221 = tpu.memref_squeeze %dma_start3A_220 : memref<1x16x128xf32, #tpu.memory_space<hbm>> -> memref<16x128xf32, #tpu.memory_space<hbm>>
    %dma_start3A_222 = arith.constant 0 : i32
    %dma_start3A_223 = arith.constant 0 : i32
    %dma_start3A_224 = tpu.memref_slice %arg3[%add3A_210, %dma_start3A_222, %dma_start3A_223] : memref<3125x16x128xf32, #tpu.memory_space<hbm>> -> memref<1x16x128xf32, #tpu.memory_space<hbm>>
    %dma_start3A_225 = tpu.memref_squeeze %dma_start3A_224 : memref<1x16x128xf32, #tpu.memory_space<hbm>> -> memref<16x128xf32, #tpu.memory_space<hbm>>
    tpu.enqueue_dma source(%dma_start3A_225 : memref<16x128xf32, #tpu.memory_space<hbm>>) target(%arg10 : memref<16x128xf32, #tpu.memory_space<vmem>>) target_semaphore(%arg19 : memref<!tpu.dma_semaphore, #tpu.memory_space<semaphore_mem>>)
    %add3A_226 = arith.constant 32 : i32
    %add3A_227 = arith.addi %add3A, %add3A_226 : i32
    %dma_start3A_228 = arith.constant 0 : i32
    %dma_start3A_229 = arith.constant 0 : i32
    %dma_start3A_230 = tpu.memref_slice %arg2[%add3A_227, %dma_start3A_228, %dma_start3A_229] : memref<3125x32x128xi32, #tpu.memory_space<hbm>> -> memref<1x32x128xi32, #tpu.memory_space<hbm>>
    %dma_start3A_231 = tpu.memref_squeeze %dma_start3A_230 : memref<1x32x128xi32, #tpu.memory_space<hbm>> -> memref<32x128xi32, #tpu.memory_space<hbm>>
    %dma_start3A_232 = arith.constant 0 : i32
    %dma_start3A_233 = arith.constant 0 : i32
    %dma_start3A_234 = tpu.memref_slice %arg2[%add3A_227, %dma_start3A_232, %dma_start3A_233] : memref<3125x32x128xi32, #tpu.memory_space<hbm>> -> memref<1x32x128xi32, #tpu.memory_space<hbm>>
    %dma_start3A_235 = tpu.memref_squeeze %dma_start3A_234 : memref<1x32x128xi32, #tpu.memory_space<hbm>> -> memref<32x128xi32, #tpu.memory_space<hbm>>
    tpu.enqueue_dma source(%dma_start3A_235 : memref<32x128xi32, #tpu.memory_space<hbm>>) target(%arg11 : memref<32x128xi32, #tpu.memory_space<vmem>>) target_semaphore(%arg20 : memref<!tpu.dma_semaphore, #tpu.memory_space<semaphore_mem>>)
    %dma_start3A_236 = arith.constant 0 : i32
    %dma_start3A_237 = arith.constant 0 : i32
    %dma_start3A_238 = tpu.memref_slice %arg3[%add3A_227, %dma_start3A_236, %dma_start3A_237] : memref<3125x16x128xf32, #tpu.memory_space<hbm>> -> memref<1x16x128xf32, #tpu.memory_space<hbm>>
    %dma_start3A_239 = tpu.memref_squeeze %dma_start3A_238 : memref<1x16x128xf32, #tpu.memory_space<hbm>> -> memref<16x128xf32, #tpu.memory_space<hbm>>
    %dma_start3A_240 = arith.constant 0 : i32
    %dma_start3A_241 = arith.constant 0 : i32
    %dma_start3A_242 = tpu.memref_slice %arg3[%add3A_227, %dma_start3A_240, %dma_start3A_241] : memref<3125x16x128xf32, #tpu.memory_space<hbm>> -> memref<1x16x128xf32, #tpu.memory_space<hbm>>
    %dma_start3A_243 = tpu.memref_squeeze %dma_start3A_242 : memref<1x16x128xf32, #tpu.memory_space<hbm>> -> memref<16x128xf32, #tpu.memory_space<hbm>>
    tpu.enqueue_dma source(%dma_start3A_243 : memref<16x128xf32, #tpu.memory_space<hbm>>) target(%arg12 : memref<16x128xf32, #tpu.memory_space<vmem>>) target_semaphore(%arg20 : memref<!tpu.dma_semaphore, #tpu.memory_space<semaphore_mem>>)
    %scan3A = arith.constant 0 : i32
    %scan3A_244 = arith.constant 49 : i32
    %scan3A_245 = arith.addi %scan3A, %scan3A_244 : i32
    %scan3A_246 = arith.constant 1 : i32
    scf.for %scan3A_252 = %scan3A to %scan3A_245 step %scan3A_246  : i32 {
      %mul3A_253 = arith.constant 2 : i32
      %mul3A_254 = arith.muli %mul3A_253, %scan3A_252 : i32
      %add3A_255 = arith.constant 0 : i32
      %add3A_256 = arith.addi %mul3A_254, %add3A_255 : i32
      %lt3A_257 = arith.cmpi slt, %add3A_256, %select_n3A : i32
      %convert_element_type3A = arith.extui %lt3A_257 : i1 to i32
      %cond3A = arith.constant 0 : i32
      %cond3A_258 = arith.cmpi ne, %convert_element_type3A, %cond3A : i32
      scf.if %cond3A_258 {
        %mul3A_267 = arith.constant 32 : i32
        %mul3A_268 = arith.muli %add3A_256, %mul3A_267 : i32
        %add3A_269 = arith.addi %add3A, %mul3A_268 : i32
        %dma_wait3A_270 = arith.constant 0 : i32
        %dma_wait3A_271 = arith.constant 0 : i32
        %dma_wait3A_272 = tpu.memref_slice %arg2[%add3A_269, %dma_wait3A_270, %dma_wait3A_271] : memref<3125x32x128xi32, #tpu.memory_space<hbm>> -> memref<1x32x128xi32, #tpu.memory_space<hbm>>
        %dma_wait3A_273 = tpu.memref_squeeze %dma_wait3A_272 : memref<1x32x128xi32, #tpu.memory_space<hbm>> -> memref<32x128xi32, #tpu.memory_space<hbm>>
        %dma_wait3A_274 = arith.constant 0 : i32
        %dma_wait3A_275 = arith.constant 0 : i32
        %dma_wait3A_276 = tpu.memref_slice %arg2[%add3A_269, %dma_wait3A_274, %dma_wait3A_275] : memref<3125x32x128xi32, #tpu.memory_space<hbm>> -> memref<1x32x128xi32, #tpu.memory_space<hbm>>
        %dma_wait3A_277 = tpu.memref_squeeze %dma_wait3A_276 : memref<1x32x128xi32, #tpu.memory_space<hbm>> -> memref<32x128xi32, #tpu.memory_space<hbm>>
        tpu.wait_dma2 semaphore(%arg19 : memref<!tpu.dma_semaphore, #tpu.memory_space<semaphore_mem>>) src(%dma_wait3A_277 : memref<32x128xi32, #tpu.memory_space<hbm>>) dst(%arg9 : memref<32x128xi32, #tpu.memory_space<vmem>>)
        %dma_wait3A_278 = arith.constant 0 : i32
        %dma_wait3A_279 = arith.constant 0 : i32
        %dma_wait3A_280 = tpu.memref_slice %arg3[%add3A_269, %dma_wait3A_278, %dma_wait3A_279] : memref<3125x16x128xf32, #tpu.memory_space<hbm>> -> memref<1x16x128xf32, #tpu.memory_space<hbm>>
        %dma_wait3A_281 = tpu.memref_squeeze %dma_wait3A_280 : memref<1x16x128xf32, #tpu.memory_space<hbm>> -> memref<16x128xf32, #tpu.memory_space<hbm>>
        %dma_wait3A_282 = arith.constant 0 : i32
        %dma_wait3A_283 = arith.constant 0 : i32
        %dma_wait3A_284 = tpu.memref_slice %arg3[%add3A_269, %dma_wait3A_282, %dma_wait3A_283] : memref<3125x16x128xf32, #tpu.memory_space<hbm>> -> memref<1x16x128xf32, #tpu.memory_space<hbm>>
        %dma_wait3A_285 = tpu.memref_squeeze %dma_wait3A_284 : memref<1x16x128xf32, #tpu.memory_space<hbm>> -> memref<16x128xf32, #tpu.memory_space<hbm>>
        tpu.wait_dma2 semaphore(%arg19 : memref<!tpu.dma_semaphore, #tpu.memory_space<semaphore_mem>>) src(%dma_wait3A_285 : memref<16x128xf32, #tpu.memory_space<hbm>>) dst(%arg10 : memref<16x128xf32, #tpu.memory_space<vmem>>)
        %ge3A = arith.constant 2 : i32
        %ge3A_286 = arith.cmpi sge, %add3A_256, %ge3A : i32
        %convert_element_type3A_287 = arith.extui %ge3A_286 : i1 to i32
        %cond3A_288 = arith.constant 0 : i32
        %cond3A_289 = arith.cmpi ne, %convert_element_type3A_287, %cond3A_288 : i32
        scf.if %cond3A_289 {
          %dma_wait3A_300 = arith.constant 0 : i32
          %dma_wait3A_301 = tpu.memref_slice %arg18[%dma_wait3A_300] : memref<100352xf32, #tpu.memory_space<vmem_shared>> -> memref<100352xf32, #tpu.memory_space<vmem_shared>>
          tpu.wait_indirect_dma semaphore(%arg21 : memref<!tpu.dma_semaphore, #tpu.memory_space<semaphore_mem>>) src(%arg13 : memref<2048xf32, #tpu.memory_space<vmem>>) dst(%dma_wait3A_301 : memref<100352xf32, #tpu.memory_space<vmem_shared>>)
        } else {
        }
        %parallel_loop3A = arith.constant 0 : i32
        %parallel_loop3A_290 = arith.constant 16 : i32
        %parallel_loop3A_291 = arith.constant 1 : i32
        scf.for %parallel_loop3A_300 = %parallel_loop3A to %parallel_loop3A_290 step %parallel_loop3A_291  : i32 {
          %parallel_loop3A_301 = arith.constant 128 : i32
          %parallel_loop3A_302 = arith.muli %parallel_loop3A_300, %parallel_loop3A_301 : i32
          %parallel_loop3A_303 = arith.constant 2 : i32
          %parallel_loop3A_304 = arith.muli %parallel_loop3A_303, %parallel_loop3A_300 : i32
          %parallel_loop3A_305 = arith.index_cast %parallel_loop3A_304 : i32 to index
          %parallel_loop3A_306 = arith.constant 0 : index
          %parallel_loop3A_307 = tpu.vector_load %arg9[%parallel_loop3A_305, %parallel_loop3A_306] {strides = array<i32>} : memref<32x128xi32, #tpu.memory_space<vmem>>, vector<16xi32>,
          %parallel_loop3A_308 = arith.constant 2 : i32
          %parallel_loop3A_309 = arith.muli %parallel_loop3A_308, %parallel_loop3A_300 : i32
          %parallel_loop3A_310 = arith.constant 1 : i32
          %parallel_loop3A_311 = arith.addi %parallel_loop3A_309, %parallel_loop3A_310 : i32
          %parallel_loop3A_312 = arith.index_cast %parallel_loop3A_311 : i32 to index
          %parallel_loop3A_313 = arith.constant 0 : index
          %parallel_loop3A_314 = tpu.vector_load %arg9[%parallel_loop3A_312, %parallel_loop3A_313] {strides = array<i32>} : memref<32x128xi32, #tpu.memory_space<vmem>>, vector<16xi32>,
          %parallel_loop3A_315 = tpu.vector_load_idx %arg7[%parallel_loop3A_307] : memref<100000xi32, #tpu.memory_space<vmem>>[vector<16xi32>], vector<16xi32>,
          %parallel_loop3A_316 = tpu.vector_load_idx %arg7[%parallel_loop3A_314] : memref<100000xi32, #tpu.memory_space<vmem>>[vector<16xi32>], vector<16xi32>,
          %parallel_loop3A_317 = arith.constant 16 : i32
          %parallel_loop3A_318 = vector.broadcast %parallel_loop3A_317 : i32 to vector<16xi32>
          %parallel_loop3A_319 = arith.muli %parallel_loop3A_315, %parallel_loop3A_318 : vector<16xi32>
          %parallel_loop3A_320 = arith.addi %parallel_loop3A_319, %parallel_loop3A_316 : vector<16xi32>
          %parallel_loop3A_321 = tpu.vector_load_idx %arg8[%parallel_loop3A_320] : memref<256xf32, #tpu.memory_space<vmem>>[vector<16xi32>], vector<16xf32>,
          %parallel_loop3A_322 = arith.index_cast %parallel_loop3A_300 : i32 to index
          %parallel_loop3A_323 = arith.constant 0 : index
          %parallel_loop3A_324 = tpu.vector_load %arg10[%parallel_loop3A_322, %parallel_loop3A_323] {strides = array<i32>} : memref<16x128xf32, #tpu.memory_space<vmem>>, vector<16xf32>,
          %parallel_loop3A_325 = arith.mulf %parallel_loop3A_324, %parallel_loop3A_321 : vector<16xf32>
          %parallel_loop3A_326 = arith.constant 0 : i32
          %parallel_loop3A_327 = arith.addi %parallel_loop3A_302, %parallel_loop3A_326 : i32
          %parallel_loop3A_328 = arith.index_cast %parallel_loop3A_327 : i32 to index
          %parallel_loop3A_329 = tpu.vector_load %arg13[%parallel_loop3A_328] {strides = array<i32>} : memref<2048xf32, #tpu.memory_space<vmem>>, vector<16xf32>,
          tpu.vector_store %arg13[%parallel_loop3A_328], %parallel_loop3A_325 {strides = array<i32>} : memref<2048xf32, #tpu.memory_space<vmem>>, vector<16xf32>,
          %parallel_loop3A_330 = arith.constant 0 : i32
          %parallel_loop3A_331 = arith.addi %parallel_loop3A_302, %parallel_loop3A_330 : i32
          %parallel_loop3A_332 = arith.index_cast %parallel_loop3A_331 : i32 to index
          %parallel_loop3A_333 = tpu.vector_load %arg14[%parallel_loop3A_332] {strides = array<i32>} : memref<2048xi32, #tpu.memory_space<vmem>>, vector<16xi32>,
          tpu.vector_store %arg14[%parallel_loop3A_332], %parallel_loop3A_307 {strides = array<i32>} : memref<2048xi32, #tpu.memory_space<vmem>>, vector<16xi32>,
          %parallel_loop3A_334 = arith.constant 2 : i32
          %parallel_loop3A_335 = arith.muli %parallel_loop3A_334, %parallel_loop3A_300 : i32
          %parallel_loop3A_336 = arith.index_cast %parallel_loop3A_335 : i32 to index
          %parallel_loop3A_337 = arith.constant 16 : index
          %parallel_loop3A_338 = tpu.vector_load %arg9[%parallel_loop3A_336, %parallel_loop3A_337] {strides = array<i32>} : memref<32x128xi32, #tpu.memory_space<vmem>>, vector<16xi32>,
          %parallel_loop3A_339 = arith.constant 2 : i32
          %parallel_loop3A_340 = arith.muli %parallel_loop3A_339, %parallel_loop3A_300 : i32
          %parallel_loop3A_341 = arith.constant 1 : i32
          %parallel_loop3A_342 = arith.addi %parallel_loop3A_340, %parallel_loop3A_341 : i32
          %parallel_loop3A_343 = arith.index_cast %parallel_loop3A_342 : i32 to index
          %parallel_loop3A_344 = arith.constant 16 : index
          %parallel_loop3A_345 = tpu.vector_load %arg9[%parallel_loop3A_343, %parallel_loop3A_344] {strides = array<i32>} : memref<32x128xi32, #tpu.memory_space<vmem>>, vector<16xi32>,
          %parallel_loop3A_346 = tpu.vector_load_idx %arg7[%parallel_loop3A_338] : memref<100000xi32, #tpu.memory_space<vmem>>[vector<16xi32>], vector<16xi32>,
          %parallel_loop3A_347 = tpu.vector_load_idx %arg7[%parallel_loop3A_345] : memref<100000xi32, #tpu.memory_space<vmem>>[vector<16xi32>], vector<16xi32>,
          %parallel_loop3A_348 = arith.constant 16 : i32
          %parallel_loop3A_349 = vector.broadcast %parallel_loop3A_348 : i32 to vector<16xi32>
          %parallel_loop3A_350 = arith.muli %parallel_loop3A_346, %parallel_loop3A_349 : vector<16xi32>
          %parallel_loop3A_351 = arith.addi %parallel_loop3A_350, %parallel_loop3A_347 : vector<16xi32>
          %parallel_loop3A_352 = tpu.vector_load_idx %arg8[%parallel_loop3A_351] : memref<256xf32, #tpu.memory_space<vmem>>[vector<16xi32>], vector<16xf32>,
          %parallel_loop3A_353 = arith.index_cast %parallel_loop3A_300 : i32 to index
          %parallel_loop3A_354 = arith.constant 16 : index
          %parallel_loop3A_355 = tpu.vector_load %arg10[%parallel_loop3A_353, %parallel_loop3A_354] {strides = array<i32>} : memref<16x128xf32, #tpu.memory_space<vmem>>, vector<16xf32>,
          %parallel_loop3A_356 = arith.mulf %parallel_loop3A_355, %parallel_loop3A_352 : vector<16xf32>
          %parallel_loop3A_357 = arith.constant 16 : i32
          %parallel_loop3A_358 = arith.addi %parallel_loop3A_302, %parallel_loop3A_357 : i32
          %parallel_loop3A_359 = arith.index_cast %parallel_loop3A_358 : i32 to index
          %parallel_loop3A_360 = tpu.vector_load %arg13[%parallel_loop3A_359] {strides = array<i32>} : memref<2048xf32, #tpu.memory_space<vmem>>, vector<16xf32>,
          tpu.vector_store %arg13[%parallel_loop3A_359], %parallel_loop3A_356 {strides = array<i32>} : memref<2048xf32, #tpu.memory_space<vmem>>, vector<16xf32>,
          %parallel_loop3A_361 = arith.constant 16 : i32
          %parallel_loop3A_362 = arith.addi %parallel_loop3A_302, %parallel_loop3A_361 : i32
          %parallel_loop3A_363 = arith.index_cast %parallel_loop3A_362 : i32 to index
          %parallel_loop3A_364 = tpu.vector_load %arg14[%parallel_loop3A_363] {strides = array<i32>} : memref<2048xi32, #tpu.memory_space<vmem>>, vector<16xi32>,
          tpu.vector_store %arg14[%parallel_loop3A_363], %parallel_loop3A_338 {strides = array<i32>} : memref<2048xi32, #tpu.memory_space<vmem>>, vector<16xi32>,
          %parallel_loop3A_365 = arith.constant 2 : i32
          %parallel_loop3A_366 = arith.muli %parallel_loop3A_365, %parallel_loop3A_300 : i32
          %parallel_loop3A_367 = arith.index_cast %parallel_loop3A_366 : i32 to index
          %parallel_loop3A_368 = arith.constant 32 : index
          %parallel_loop3A_369 = tpu.vector_load %arg9[%parallel_loop3A_367, %parallel_loop3A_368] {strides = array<i32>} : memref<32x128xi32, #tpu.memory_space<vmem>>, vector<16xi32>,
          %parallel_loop3A_370 = arith.constant 2 : i32
          %parallel_loop3A_371 = arith.muli %parallel_loop3A_370, %parallel_loop3A_300 : i32
          %parallel_loop3A_372 = arith.constant 1 : i32
          %parallel_loop3A_373 = arith.addi %parallel_loop3A_371, %parallel_loop3A_372 : i32
          %parallel_loop3A_374 = arith.index_cast %parallel_loop3A_373 : i32 to index
          %parallel_loop3A_375 = arith.constant 32 : index
          %parallel_loop3A_376 = tpu.vector_load %arg9[%parallel_loop3A_374, %parallel_loop3A_375] {strides = array<i32>} : memref<32x128xi32, #tpu.memory_space<vmem>>, vector<16xi32>,
          %parallel_loop3A_377 = tpu.vector_load_idx %arg7[%parallel_loop3A_369] : memref<100000xi32, #tpu.memory_space<vmem>>[vector<16xi32>], vector<16xi32>,
          %parallel_loop3A_378 = tpu.vector_load_idx %arg7[%parallel_loop3A_376] : memref<100000xi32, #tpu.memory_space<vmem>>[vector<16xi32>], vector<16xi32>,
          %parallel_loop3A_379 = arith.constant 16 : i32
          %parallel_loop3A_380 = vector.broadcast %parallel_loop3A_379 : i32 to vector<16xi32>
          %parallel_loop3A_381 = arith.muli %parallel_loop3A_377, %parallel_loop3A_380 : vector<16xi32>
          %parallel_loop3A_382 = arith.addi %parallel_loop3A_381, %parallel_loop3A_378 : vector<16xi32>
          %parallel_loop3A_383 = tpu.vector_load_idx %arg8[%parallel_loop3A_382] : memref<256xf32, #tpu.memory_space<vmem>>[vector<16xi32>], vector<16xf32>,
          %parallel_loop3A_384 = arith.index_cast %parallel_loop3A_300 : i32 to index
          %parallel_loop3A_385 = arith.constant 32 : index
          %parallel_loop3A_386 = tpu.vector_load %arg10[%parallel_loop3A_384, %parallel_loop3A_385] {strides = array<i32>} : memref<16x128xf32, #tpu.memory_space<vmem>>, vector<16xf32>,
          %parallel_loop3A_387 = arith.mulf %parallel_loop3A_386, %parallel_loop3A_383 : vector<16xf32>
          %parallel_loop3A_388 = arith.constant 32 : i32
          %parallel_loop3A_389 = arith.addi %parallel_loop3A_302, %parallel_loop3A_388 : i32
          %parallel_loop3A_390 = arith.index_cast %parallel_loop3A_389 : i32 to index
          %parallel_loop3A_391 = tpu.vector_load %arg13[%parallel_loop3A_390] {strides = array<i32>} : memref<2048xf32, #tpu.memory_space<vmem>>, vector<16xf32>,
          tpu.vector_store %arg13[%parallel_loop3A_390], %parallel_loop3A_387 {strides = array<i32>} : memref<2048xf32, #tpu.memory_space<vmem>>, vector<16xf32>,
          %parallel_loop3A_392 = arith.constant 32 : i32
          %parallel_loop3A_393 = arith.addi %parallel_loop3A_302, %parallel_loop3A_392 : i32
          %parallel_loop3A_394 = arith.index_cast %parallel_loop3A_393 : i32 to index
          %parallel_loop3A_395 = tpu.vector_load %arg14[%parallel_loop3A_394] {strides = array<i32>} : memref<2048xi32, #tpu.memory_space<vmem>>, vector<16xi32>,
          tpu.vector_store %arg14[%parallel_loop3A_394], %parallel_loop3A_369 {strides = array<i32>} : memref<2048xi32, #tpu.memory_space<vmem>>, vector<16xi32>,
          %parallel_loop3A_396 = arith.constant 2 : i32
          %parallel_loop3A_397 = arith.muli %parallel_loop3A_396, %parallel_loop3A_300 : i32
          %parallel_loop3A_398 = arith.index_cast %parallel_loop3A_397 : i32 to index
          %parallel_loop3A_399 = arith.constant 48 : index
          %parallel_loop3A_400 = tpu.vector_load %arg9[%parallel_loop3A_398, %parallel_loop3A_399] {strides = array<i32>} : memref<32x128xi32, #tpu.memory_space<vmem>>, vector<16xi32>,
          %parallel_loop3A_401 = arith.constant 2 : i32
          %parallel_loop3A_402 = arith.muli %parallel_loop3A_401, %parallel_loop3A_300 : i32
          %parallel_loop3A_403 = arith.constant 1 : i32
          %parallel_loop3A_404 = arith.addi %parallel_loop3A_402, %parallel_loop3A_403 : i32
          %parallel_loop3A_405 = arith.index_cast %parallel_loop3A_404 : i32 to index
          %parallel_loop3A_406 = arith.constant 48 : index
          %parallel_loop3A_407 = tpu.vector_load %arg9[%parallel_loop3A_405, %parallel_loop3A_406] {strides = array<i32>} : memref<32x128xi32, #tpu.memory_space<vmem>>, vector<16xi32>,
          %parallel_loop3A_408 = tpu.vector_load_idx %arg7[%parallel_loop3A_400] : memref<100000xi32, #tpu.memory_space<vmem>>[vector<16xi32>], vector<16xi32>,
          %parallel_loop3A_409 = tpu.vector_load_idx %arg7[%parallel_loop3A_407] : memref<100000xi32, #tpu.memory_space<vmem>>[vector<16xi32>], vector<16xi32>,
          %parallel_loop3A_410 = arith.constant 16 : i32
          %parallel_loop3A_411 = vector.broadcast %parallel_loop3A_410 : i32 to vector<16xi32>
          %parallel_loop3A_412 = arith.muli %parallel_loop3A_408, %parallel_loop3A_411 : vector<16xi32>
          %parallel_loop3A_413 = arith.addi %parallel_loop3A_412, %parallel_loop3A_409 : vector<16xi32>
          %parallel_loop3A_414 = tpu.vector_load_idx %arg8[%parallel_loop3A_413] : memref<256xf32, #tpu.memory_space<vmem>>[vector<16xi32>], vector<16xf32>,
          %parallel_loop3A_415 = arith.index_cast %parallel_loop3A_300 : i32 to index
          %parallel_loop3A_416 = arith.constant 48 : index
          %parallel_loop3A_417 = tpu.vector_load %arg10[%parallel_loop3A_415, %parallel_loop3A_416] {strides = array<i32>} : memref<16x128xf32, #tpu.memory_space<vmem>>, vector<16xf32>,
          %parallel_loop3A_418 = arith.mulf %parallel_loop3A_417, %parallel_loop3A_414 : vector<16xf32>
          %parallel_loop3A_419 = arith.constant 48 : i32
          %parallel_loop3A_420 = arith.addi %parallel_loop3A_302, %parallel_loop3A_419 : i32
          %parallel_loop3A_421 = arith.index_cast %parallel_loop3A_420 : i32 to index
          %parallel_loop3A_422 = tpu.vector_load %arg13[%parallel_loop3A_421] {strides = array<i32>} : memref<2048xf32, #tpu.memory_space<vmem>>, vector<16xf32>,
          tpu.vector_store %arg13[%parallel_loop3A_421], %parallel_loop3A_418 {strides = array<i32>} : memref<2048xf32, #tpu.memory_space<vmem>>, vector<16xf32>,
          %parallel_loop3A_423 = arith.constant 48 : i32
          %parallel_loop3A_424 = arith.addi %parallel_loop3A_302, %parallel_loop3A_423 : i32
          %parallel_loop3A_425 = arith.index_cast %parallel_loop3A_424 : i32 to index
          %parallel_loop3A_426 = tpu.vector_load %arg14[%parallel_loop3A_425] {strides = array<i32>} : memref<2048xi32, #tpu.memory_space<vmem>>, vector<16xi32>,
          tpu.vector_store %arg14[%parallel_loop3A_425], %parallel_loop3A_400 {strides = array<i32>} : memref<2048xi32, #tpu.memory_space<vmem>>, vector<16xi32>,
          %parallel_loop3A_427 = arith.constant 2 : i32
          %parallel_loop3A_428 = arith.muli %parallel_loop3A_427, %parallel_loop3A_300 : i32
          %parallel_loop3A_429 = arith.index_cast %parallel_loop3A_428 : i32 to index
          %parallel_loop3A_430 = arith.constant 64 : index
          %parallel_loop3A_431 = tpu.vector_load %arg9[%parallel_loop3A_429, %parallel_loop3A_430] {strides = array<i32>} : memref<32x128xi32, #tpu.memory_space<vmem>>, vector<16xi32>,
          %parallel_loop3A_432 = arith.constant 2 : i32
          %parallel_loop3A_433 = arith.muli %parallel_loop3A_432, %parallel_loop3A_300 : i32
          %parallel_loop3A_434 = arith.constant 1 : i32
          %parallel_loop3A_435 = arith.addi %parallel_loop3A_433, %parallel_loop3A_434 : i32
          %parallel_loop3A_436 = arith.index_cast %parallel_loop3A_435 : i32 to index
          %parallel_loop3A_437 = arith.constant 64 : index
          %parallel_loop3A_438 = tpu.vector_load %arg9[%parallel_loop3A_436, %parallel_loop3A_437] {strides = array<i32>} : memref<32x128xi32, #tpu.memory_space<vmem>>, vector<16xi32>,
          %parallel_loop3A_439 = tpu.vector_load_idx %arg7[%parallel_loop3A_431] : memref<100000xi32, #tpu.memory_space<vmem>>[vector<16xi32>], vector<16xi32>,
          %parallel_loop3A_440 = tpu.vector_load_idx %arg7[%parallel_loop3A_438] : memref<100000xi32, #tpu.memory_space<vmem>>[vector<16xi32>], vector<16xi32>,
          %parallel_loop3A_441 = arith.constant 16 : i32
          %parallel_loop3A_442 = vector.broadcast %parallel_loop3A_441 : i32 to vector<16xi32>
          %parallel_loop3A_443 = arith.muli %parallel_loop3A_439, %parallel_loop3A_442 : vector<16xi32>
          %parallel_loop3A_444 = arith.addi %parallel_loop3A_443, %parallel_loop3A_440 : vector<16xi32>
          %parallel_loop3A_445 = tpu.vector_load_idx %arg8[%parallel_loop3A_444] : memref<256xf32, #tpu.memory_space<vmem>>[vector<16xi32>], vector<16xf32>,
          %parallel_loop3A_446 = arith.index_cast %parallel_loop3A_300 : i32 to index
          %parallel_loop3A_447 = arith.constant 64 : index
          %parallel_loop3A_448 = tpu.vector_load %arg10[%parallel_loop3A_446, %parallel_loop3A_447] {strides = array<i32>} : memref<16x128xf32, #tpu.memory_space<vmem>>, vector<16xf32>,
          %parallel_loop3A_449 = arith.mulf %parallel_loop3A_448, %parallel_loop3A_445 : vector<16xf32>
          %parallel_loop3A_450 = arith.constant 64 : i32
          %parallel_loop3A_451 = arith.addi %parallel_loop3A_302, %parallel_loop3A_450 : i32
          %parallel_loop3A_452 = arith.index_cast %parallel_loop3A_451 : i32 to index
          %parallel_loop3A_453 = tpu.vector_load %arg13[%parallel_loop3A_452] {strides = array<i32>} : memref<2048xf32, #tpu.memory_space<vmem>>, vector<16xf32>,
          tpu.vector_store %arg13[%parallel_loop3A_452], %parallel_loop3A_449 {strides = array<i32>} : memref<2048xf32, #tpu.memory_space<vmem>>, vector<16xf32>,
          %parallel_loop3A_454 = arith.constant 64 : i32
          %parallel_loop3A_455 = arith.addi %parallel_loop3A_302, %parallel_loop3A_454 : i32
          %parallel_loop3A_456 = arith.index_cast %parallel_loop3A_455 : i32 to index
          %parallel_loop3A_457 = tpu.vector_load %arg14[%parallel_loop3A_456] {strides = array<i32>} : memref<2048xi32, #tpu.memory_space<vmem>>, vector<16xi32>,
          tpu.vector_store %arg14[%parallel_loop3A_456], %parallel_loop3A_431 {strides = array<i32>} : memref<2048xi32, #tpu.memory_space<vmem>>, vector<16xi32>,
          %parallel_loop3A_458 = arith.constant 2 : i32
          %parallel_loop3A_459 = arith.muli %parallel_loop3A_458, %parallel_loop3A_300 : i32
          %parallel_loop3A_460 = arith.index_cast %parallel_loop3A_459 : i32 to index
          %parallel_loop3A_461 = arith.constant 80 : index
          %parallel_loop3A_462 = tpu.vector_load %arg9[%parallel_loop3A_460, %parallel_loop3A_461] {strides = array<i32>} : memref<32x128xi32, #tpu.memory_space<vmem>>, vector<16xi32>,
          %parallel_loop3A_463 = arith.constant 2 : i32
          %parallel_loop3A_464 = arith.muli %parallel_loop3A_463, %parallel_loop3A_300 : i32
          %parallel_loop3A_465 = arith.constant 1 : i32
          %parallel_loop3A_466 = arith.addi %parallel_loop3A_464, %parallel_loop3A_465 : i32
          %parallel_loop3A_467 = arith.index_cast %parallel_loop3A_466 : i32 to index
          %parallel_loop3A_468 = arith.constant 80 : index
          %parallel_loop3A_469 = tpu.vector_load %arg9[%parallel_loop3A_467, %parallel_loop3A_468] {strides = array<i32>} : memref<32x128xi32, #tpu.memory_space<vmem>>, vector<16xi32>,
          %parallel_loop3A_470 = tpu.vector_load_idx %arg7[%parallel_loop3A_462] : memref<100000xi32, #tpu.memory_space<vmem>>[vector<16xi32>], vector<16xi32>,
          %parallel_loop3A_471 = tpu.vector_load_idx %arg7[%parallel_loop3A_469] : memref<100000xi32, #tpu.memory_space<vmem>>[vector<16xi32>], vector<16xi32>,
          %parallel_loop3A_472 = arith.constant 16 : i32
          %parallel_loop3A_473 = vector.broadcast %parallel_loop3A_472 : i32 to vector<16xi32>
          %parallel_loop3A_474 = arith.muli %parallel_loop3A_470, %parallel_loop3A_473 : vector<16xi32>
          %parallel_loop3A_475 = arith.addi %parallel_loop3A_474, %parallel_loop3A_471 : vector<16xi32>
          %parallel_loop3A_476 = tpu.vector_load_idx %arg8[%parallel_loop3A_475] : memref<256xf32, #tpu.memory_space<vmem>>[vector<16xi32>], vector<16xf32>,
          %parallel_loop3A_477 = arith.index_cast %parallel_loop3A_300 : i32 to index
          %parallel_loop3A_478 = arith.constant 80 : index
          %parallel_loop3A_479 = tpu.vector_load %arg10[%parallel_loop3A_477, %parallel_loop3A_478] {strides = array<i32>} : memref<16x128xf32, #tpu.memory_space<vmem>>, vector<16xf32>,
          %parallel_loop3A_480 = arith.mulf %parallel_loop3A_479, %parallel_loop3A_476 : vector<16xf32>
          %parallel_loop3A_481 = arith.constant 80 : i32
          %parallel_loop3A_482 = arith.addi %parallel_loop3A_302, %parallel_loop3A_481 : i32
          %parallel_loop3A_483 = arith.index_cast %parallel_loop3A_482 : i32 to index
          %parallel_loop3A_484 = tpu.vector_load %arg13[%parallel_loop3A_483] {strides = array<i32>} : memref<2048xf32, #tpu.memory_space<vmem>>, vector<16xf32>,
          tpu.vector_store %arg13[%parallel_loop3A_483], %parallel_loop3A_480 {strides = array<i32>} : memref<2048xf32, #tpu.memory_space<vmem>>, vector<16xf32>,
          %parallel_loop3A_485 = arith.constant 80 : i32
          %parallel_loop3A_486 = arith.addi %parallel_loop3A_302, %parallel_loop3A_485 : i32
          %parallel_loop3A_487 = arith.index_cast %parallel_loop3A_486 : i32 to index
          %parallel_loop3A_488 = tpu.vector_load %arg14[%parallel_loop3A_487] {strides = array<i32>} : memref<2048xi32, #tpu.memory_space<vmem>>, vector<16xi32>,
          tpu.vector_store %arg14[%parallel_loop3A_487], %parallel_loop3A_462 {strides = array<i32>} : memref<2048xi32, #tpu.memory_space<vmem>>, vector<16xi32>,
          %parallel_loop3A_489 = arith.constant 2 : i32
          %parallel_loop3A_490 = arith.muli %parallel_loop3A_489, %parallel_loop3A_300 : i32
          %parallel_loop3A_491 = arith.index_cast %parallel_loop3A_490 : i32 to index
          %parallel_loop3A_492 = arith.constant 96 : index
          %parallel_loop3A_493 = tpu.vector_load %arg9[%parallel_loop3A_491, %parallel_loop3A_492] {strides = array<i32>} : memref<32x128xi32, #tpu.memory_space<vmem>>, vector<16xi32>,
          %parallel_loop3A_494 = arith.constant 2 : i32
          %parallel_loop3A_495 = arith.muli %parallel_loop3A_494, %parallel_loop3A_300 : i32
          %parallel_loop3A_496 = arith.constant 1 : i32
          %parallel_loop3A_497 = arith.addi %parallel_loop3A_495, %parallel_loop3A_496 : i32
          %parallel_loop3A_498 = arith.index_cast %parallel_loop3A_497 : i32 to index
          %parallel_loop3A_499 = arith.constant 96 : index
          %parallel_loop3A_500 = tpu.vector_load %arg9[%parallel_loop3A_498, %parallel_loop3A_499] {strides = array<i32>} : memref<32x128xi32, #tpu.memory_space<vmem>>, vector<16xi32>,
          %parallel_loop3A_501 = tpu.vector_load_idx %arg7[%parallel_loop3A_493] : memref<100000xi32, #tpu.memory_space<vmem>>[vector<16xi32>], vector<16xi32>,
          %parallel_loop3A_502 = tpu.vector_load_idx %arg7[%parallel_loop3A_500] : memref<100000xi32, #tpu.memory_space<vmem>>[vector<16xi32>], vector<16xi32>,
          %parallel_loop3A_503 = arith.constant 16 : i32
          %parallel_loop3A_504 = vector.broadcast %parallel_loop3A_503 : i32 to vector<16xi32>
          %parallel_loop3A_505 = arith.muli %parallel_loop3A_501, %parallel_loop3A_504 : vector<16xi32>
          %parallel_loop3A_506 = arith.addi %parallel_loop3A_505, %parallel_loop3A_502 : vector<16xi32>
          %parallel_loop3A_507 = tpu.vector_load_idx %arg8[%parallel_loop3A_506] : memref<256xf32, #tpu.memory_space<vmem>>[vector<16xi32>], vector<16xf32>,
          %parallel_loop3A_508 = arith.index_cast %parallel_loop3A_300 : i32 to index
          %parallel_loop3A_509 = arith.constant 96 : index
          %parallel_loop3A_510 = tpu.vector_load %arg10[%parallel_loop3A_508, %parallel_loop3A_509] {strides = array<i32>} : memref<16x128xf32, #tpu.memory_space<vmem>>, vector<16xf32>,
          %parallel_loop3A_511 = arith.mulf %parallel_loop3A_510, %parallel_loop3A_507 : vector<16xf32>
          %parallel_loop3A_512 = arith.constant 96 : i32
          %parallel_loop3A_513 = arith.addi %parallel_loop3A_302, %parallel_loop3A_512 : i32
          %parallel_loop3A_514 = arith.index_cast %parallel_loop3A_513 : i32 to index
          %parallel_loop3A_515 = tpu.vector_load %arg13[%parallel_loop3A_514] {strides = array<i32>} : memref<2048xf32, #tpu.memory_space<vmem>>, vector<16xf32>,
          tpu.vector_store %arg13[%parallel_loop3A_514], %parallel_loop3A_511 {strides = array<i32>} : memref<2048xf32, #tpu.memory_space<vmem>>, vector<16xf32>,
          %parallel_loop3A_516 = arith.constant 96 : i32
          %parallel_loop3A_517 = arith.addi %parallel_loop3A_302, %parallel_loop3A_516 : i32
          %parallel_loop3A_518 = arith.index_cast %parallel_loop3A_517 : i32 to index
          %parallel_loop3A_519 = tpu.vector_load %arg14[%parallel_loop3A_518] {strides = array<i32>} : memref<2048xi32, #tpu.memory_space<vmem>>, vector<16xi32>,
          tpu.vector_store %arg14[%parallel_loop3A_518], %parallel_loop3A_493 {strides = array<i32>} : memref<2048xi32, #tpu.memory_space<vmem>>, vector<16xi32>,
          %parallel_loop3A_520 = arith.constant 2 : i32
          %parallel_loop3A_521 = arith.muli %parallel_loop3A_520, %parallel_loop3A_300 : i32
          %parallel_loop3A_522 = arith.index_cast %parallel_loop3A_521 : i32 to index
          %parallel_loop3A_523 = arith.constant 112 : index
          %parallel_loop3A_524 = tpu.vector_load %arg9[%parallel_loop3A_522, %parallel_loop3A_523] {strides = array<i32>} : memref<32x128xi32, #tpu.memory_space<vmem>>, vector<16xi32>,
          %parallel_loop3A_525 = arith.constant 2 : i32
          %parallel_loop3A_526 = arith.muli %parallel_loop3A_525, %parallel_loop3A_300 : i32
          %parallel_loop3A_527 = arith.constant 1 : i32
          %parallel_loop3A_528 = arith.addi %parallel_loop3A_526, %parallel_loop3A_527 : i32
          %parallel_loop3A_529 = arith.index_cast %parallel_loop3A_528 : i32 to index
          %parallel_loop3A_530 = arith.constant 112 : index
          %parallel_loop3A_531 = tpu.vector_load %arg9[%parallel_loop3A_529, %parallel_loop3A_530] {strides = array<i32>} : memref<32x128xi32, #tpu.memory_space<vmem>>, vector<16xi32>,
          %parallel_loop3A_532 = tpu.vector_load_idx %arg7[%parallel_loop3A_524] : memref<100000xi32, #tpu.memory_space<vmem>>[vector<16xi32>], vector<16xi32>,
          %parallel_loop3A_533 = tpu.vector_load_idx %arg7[%parallel_loop3A_531] : memref<100000xi32, #tpu.memory_space<vmem>>[vector<16xi32>], vector<16xi32>,
          %parallel_loop3A_534 = arith.constant 16 : i32
          %parallel_loop3A_535 = vector.broadcast %parallel_loop3A_534 : i32 to vector<16xi32>
          %parallel_loop3A_536 = arith.muli %parallel_loop3A_532, %parallel_loop3A_535 : vector<16xi32>
          %parallel_loop3A_537 = arith.addi %parallel_loop3A_536, %parallel_loop3A_533 : vector<16xi32>
          %parallel_loop3A_538 = tpu.vector_load_idx %arg8[%parallel_loop3A_537] : memref<256xf32, #tpu.memory_space<vmem>>[vector<16xi32>], vector<16xf32>,
          %parallel_loop3A_539 = arith.index_cast %parallel_loop3A_300 : i32 to index
          %parallel_loop3A_540 = arith.constant 112 : index
          %parallel_loop3A_541 = tpu.vector_load %arg10[%parallel_loop3A_539, %parallel_loop3A_540] {strides = array<i32>} : memref<16x128xf32, #tpu.memory_space<vmem>>, vector<16xf32>,
          %parallel_loop3A_542 = arith.mulf %parallel_loop3A_541, %parallel_loop3A_538 : vector<16xf32>
          %parallel_loop3A_543 = arith.constant 112 : i32
          %parallel_loop3A_544 = arith.addi %parallel_loop3A_302, %parallel_loop3A_543 : i32
          %parallel_loop3A_545 = arith.index_cast %parallel_loop3A_544 : i32 to index
          %parallel_loop3A_546 = tpu.vector_load %arg13[%parallel_loop3A_545] {strides = array<i32>} : memref<2048xf32, #tpu.memory_space<vmem>>, vector<16xf32>,
          tpu.vector_store %arg13[%parallel_loop3A_545], %parallel_loop3A_542 {strides = array<i32>} : memref<2048xf32, #tpu.memory_space<vmem>>, vector<16xf32>,
          %parallel_loop3A_547 = arith.constant 112 : i32
          %parallel_loop3A_548 = arith.addi %parallel_loop3A_302, %parallel_loop3A_547 : i32
          %parallel_loop3A_549 = arith.index_cast %parallel_loop3A_548 : i32 to index
          %parallel_loop3A_550 = tpu.vector_load %arg14[%parallel_loop3A_549] {strides = array<i32>} : memref<2048xi32, #tpu.memory_space<vmem>>, vector<16xi32>,
          tpu.vector_store %arg14[%parallel_loop3A_549], %parallel_loop3A_524 {strides = array<i32>} : memref<2048xi32, #tpu.memory_space<vmem>>, vector<16xi32>,
        } {sc.loop_unroll_factor = 4 : i64, sc.parallel_access}
        %dma_start3A_292 = arith.constant 0 : i32
        %dma_start3A_293 = tpu.memref_slice %arg18[%dma_start3A_292] : memref<100352xf32, #tpu.memory_space<vmem_shared>> -> memref<100352xf32, #tpu.memory_space<vmem_shared>>
        tpu.enqueue_indirect_dma source(%arg13 : memref<2048xf32, #tpu.memory_space<vmem>>) target(%dma_start3A_293 : memref<100352xf32, #tpu.memory_space<vmem_shared>>) offsets(%arg14 : memref<2048xi32, #tpu.memory_space<vmem>>) semaphore(%arg21 : memref<!tpu.dma_semaphore, #tpu.memory_space<semaphore_mem>>) {add = true}
        %add3A_294 = arith.constant 2 : i32
        %add3A_295 = arith.addi %add3A_256, %add3A_294 : i32
        %lt3A_296 = arith.cmpi slt, %add3A_295, %select_n3A : i32
        %convert_element_type3A_297 = arith.extui %lt3A_296 : i1 to i32
        %cond3A_298 = arith.constant 0 : i32
        %cond3A_299 = arith.cmpi ne, %convert_element_type3A_297, %cond3A_298 : i32
        scf.if %cond3A_299 {
          %add3A_300 = arith.constant 2 : i32
          %add3A_301 = arith.addi %add3A_256, %add3A_300 : i32
          %mul3A_302 = arith.constant 32 : i32
          %mul3A_303 = arith.muli %add3A_301, %mul3A_302 : i32
          %add3A_304 = arith.addi %add3A, %mul3A_303 : i32
          %dma_start3A_305 = arith.constant 0 : i32
          %dma_start3A_306 = arith.constant 0 : i32
          %dma_start3A_307 = tpu.memref_slice %arg2[%add3A_304, %dma_start3A_305, %dma_start3A_306] : memref<3125x32x128xi32, #tpu.memory_space<hbm>> -> memref<1x32x128xi32, #tpu.memory_space<hbm>>
          %dma_start3A_308 = tpu.memref_squeeze %dma_start3A_307 : memref<1x32x128xi32, #tpu.memory_space<hbm>> -> memref<32x128xi32, #tpu.memory_space<hbm>>
          %dma_start3A_309 = arith.constant 0 : i32
          %dma_start3A_310 = arith.constant 0 : i32
          %dma_start3A_311 = tpu.memref_slice %arg2[%add3A_304, %dma_start3A_309, %dma_start3A_310] : memref<3125x32x128xi32, #tpu.memory_space<hbm>> -> memref<1x32x128xi32, #tpu.memory_space<hbm>>
          %dma_start3A_312 = tpu.memref_squeeze %dma_start3A_311 : memref<1x32x128xi32, #tpu.memory_space<hbm>> -> memref<32x128xi32, #tpu.memory_space<hbm>>
          tpu.enqueue_dma source(%dma_start3A_312 : memref<32x128xi32, #tpu.memory_space<hbm>>) target(%arg9 : memref<32x128xi32, #tpu.memory_space<vmem>>) target_semaphore(%arg19 : memref<!tpu.dma_semaphore, #tpu.memory_space<semaphore_mem>>)
          %dma_start3A_313 = arith.constant 0 : i32
          %dma_start3A_314 = arith.constant 0 : i32
          %dma_start3A_315 = tpu.memref_slice %arg3[%add3A_304, %dma_start3A_313, %dma_start3A_314] : memref<3125x16x128xf32, #tpu.memory_space<hbm>> -> memref<1x16x128xf32, #tpu.memory_space<hbm>>
          %dma_start3A_316 = tpu.memref_squeeze %dma_start3A_315 : memref<1x16x128xf32, #tpu.memory_space<hbm>> -> memref<16x128xf32, #tpu.memory_space<hbm>>
          %dma_start3A_317 = arith.constant 0 : i32
          %dma_start3A_318 = arith.constant 0 : i32
          %dma_start3A_319 = tpu.memref_slice %arg3[%add3A_304, %dma_start3A_317, %dma_start3A_318] : memref<3125x16x128xf32, #tpu.memory_space<hbm>> -> memref<1x16x128xf32, #tpu.memory_space<hbm>>
          %dma_start3A_320 = tpu.memref_squeeze %dma_start3A_319 : memref<1x16x128xf32, #tpu.memory_space<hbm>> -> memref<16x128xf32, #tpu.memory_space<hbm>>
          tpu.enqueue_dma source(%dma_start3A_320 : memref<16x128xf32, #tpu.memory_space<hbm>>) target(%arg10 : memref<16x128xf32, #tpu.memory_space<vmem>>) target_semaphore(%arg19 : memref<!tpu.dma_semaphore, #tpu.memory_space<semaphore_mem>>)
        } else {
        }
      } else {
      }
      %mul3A_259 = arith.constant 2 : i32
      %mul3A_260 = arith.muli %mul3A_259, %scan3A_252 : i32
      %add3A_261 = arith.constant 1 : i32
      %add3A_262 = arith.addi %mul3A_260, %add3A_261 : i32
      %lt3A_263 = arith.cmpi slt, %add3A_262, %select_n3A : i32
      %convert_element_type3A_264 = arith.extui %lt3A_263 : i1 to i32
      %cond3A_265 = arith.constant 0 : i32
      %cond3A_266 = arith.cmpi ne, %convert_element_type3A_264, %cond3A_265 : i32
      scf.if %cond3A_266 {
        %mul3A_267 = arith.constant 32 : i32
        %mul3A_268 = arith.muli %add3A_262, %mul3A_267 : i32
        %add3A_269 = arith.addi %add3A, %mul3A_268 : i32
        %dma_wait3A_270 = arith.constant 0 : i32
        %dma_wait3A_271 = arith.constant 0 : i32
        %dma_wait3A_272 = tpu.memref_slice %arg2[%add3A_269, %dma_wait3A_270, %dma_wait3A_271] : memref<3125x32x128xi32, #tpu.memory_space<hbm>> -> memref<1x32x128xi32, #tpu.memory_space<hbm>>
        %dma_wait3A_273 = tpu.memref_squeeze %dma_wait3A_272 : memref<1x32x128xi32, #tpu.memory_space<hbm>> -> memref<32x128xi32, #tpu.memory_space<hbm>>
        %dma_wait3A_274 = arith.constant 0 : i32
        %dma_wait3A_275 = arith.constant 0 : i32
        %dma_wait3A_276 = tpu.memref_slice %arg2[%add3A_269, %dma_wait3A_274, %dma_wait3A_275] : memref<3125x32x128xi32, #tpu.memory_space<hbm>> -> memref<1x32x128xi32, #tpu.memory_space<hbm>>
        %dma_wait3A_277 = tpu.memref_squeeze %dma_wait3A_276 : memref<1x32x128xi32, #tpu.memory_space<hbm>> -> memref<32x128xi32, #tpu.memory_space<hbm>>
        tpu.wait_dma2 semaphore(%arg20 : memref<!tpu.dma_semaphore, #tpu.memory_space<semaphore_mem>>) src(%dma_wait3A_277 : memref<32x128xi32, #tpu.memory_space<hbm>>) dst(%arg11 : memref<32x128xi32, #tpu.memory_space<vmem>>)
        %dma_wait3A_278 = arith.constant 0 : i32
        %dma_wait3A_279 = arith.constant 0 : i32
        %dma_wait3A_280 = tpu.memref_slice %arg3[%add3A_269, %dma_wait3A_278, %dma_wait3A_279] : memref<3125x16x128xf32, #tpu.memory_space<hbm>> -> memref<1x16x128xf32, #tpu.memory_space<hbm>>
        %dma_wait3A_281 = tpu.memref_squeeze %dma_wait3A_280 : memref<1x16x128xf32, #tpu.memory_space<hbm>> -> memref<16x128xf32, #tpu.memory_space<hbm>>
        %dma_wait3A_282 = arith.constant 0 : i32
        %dma_wait3A_283 = arith.constant 0 : i32
        %dma_wait3A_284 = tpu.memref_slice %arg3[%add3A_269, %dma_wait3A_282, %dma_wait3A_283] : memref<3125x16x128xf32, #tpu.memory_space<hbm>> -> memref<1x16x128xf32, #tpu.memory_space<hbm>>
        %dma_wait3A_285 = tpu.memref_squeeze %dma_wait3A_284 : memref<1x16x128xf32, #tpu.memory_space<hbm>> -> memref<16x128xf32, #tpu.memory_space<hbm>>
        tpu.wait_dma2 semaphore(%arg20 : memref<!tpu.dma_semaphore, #tpu.memory_space<semaphore_mem>>) src(%dma_wait3A_285 : memref<16x128xf32, #tpu.memory_space<hbm>>) dst(%arg12 : memref<16x128xf32, #tpu.memory_space<vmem>>)
        %ge3A = arith.constant 2 : i32
        %ge3A_286 = arith.cmpi sge, %add3A_262, %ge3A : i32
        %convert_element_type3A_287 = arith.extui %ge3A_286 : i1 to i32
        %cond3A_288 = arith.constant 0 : i32
        %cond3A_289 = arith.cmpi ne, %convert_element_type3A_287, %cond3A_288 : i32
        scf.if %cond3A_289 {
          %dma_wait3A_300 = arith.constant 0 : i32
          %dma_wait3A_301 = tpu.memref_slice %arg18[%dma_wait3A_300] : memref<100352xf32, #tpu.memory_space<vmem_shared>> -> memref<100352xf32, #tpu.memory_space<vmem_shared>>
          tpu.wait_indirect_dma semaphore(%arg22 : memref<!tpu.dma_semaphore, #tpu.memory_space<semaphore_mem>>) src(%arg15 : memref<2048xf32, #tpu.memory_space<vmem>>) dst(%dma_wait3A_301 : memref<100352xf32, #tpu.memory_space<vmem_shared>>)
        } else {
        }
        %parallel_loop3A = arith.constant 0 : i32
        %parallel_loop3A_290 = arith.constant 16 : i32
        %parallel_loop3A_291 = arith.constant 1 : i32
        scf.for %parallel_loop3A_300 = %parallel_loop3A to %parallel_loop3A_290 step %parallel_loop3A_291  : i32 {
          %parallel_loop3A_301 = arith.constant 128 : i32
          %parallel_loop3A_302 = arith.muli %parallel_loop3A_300, %parallel_loop3A_301 : i32
          %parallel_loop3A_303 = arith.constant 2 : i32
          %parallel_loop3A_304 = arith.muli %parallel_loop3A_303, %parallel_loop3A_300 : i32
          %parallel_loop3A_305 = arith.index_cast %parallel_loop3A_304 : i32 to index
          %parallel_loop3A_306 = arith.constant 0 : index
          %parallel_loop3A_307 = tpu.vector_load %arg11[%parallel_loop3A_305, %parallel_loop3A_306] {strides = array<i32>} : memref<32x128xi32, #tpu.memory_space<vmem>>, vector<16xi32>,
          %parallel_loop3A_308 = arith.constant 2 : i32
          %parallel_loop3A_309 = arith.muli %parallel_loop3A_308, %parallel_loop3A_300 : i32
          %parallel_loop3A_310 = arith.constant 1 : i32
          %parallel_loop3A_311 = arith.addi %parallel_loop3A_309, %parallel_loop3A_310 : i32
          %parallel_loop3A_312 = arith.index_cast %parallel_loop3A_311 : i32 to index
          %parallel_loop3A_313 = arith.constant 0 : index
          %parallel_loop3A_314 = tpu.vector_load %arg11[%parallel_loop3A_312, %parallel_loop3A_313] {strides = array<i32>} : memref<32x128xi32, #tpu.memory_space<vmem>>, vector<16xi32>,
          %parallel_loop3A_315 = tpu.vector_load_idx %arg7[%parallel_loop3A_307] : memref<100000xi32, #tpu.memory_space<vmem>>[vector<16xi32>], vector<16xi32>,
          %parallel_loop3A_316 = tpu.vector_load_idx %arg7[%parallel_loop3A_314] : memref<100000xi32, #tpu.memory_space<vmem>>[vector<16xi32>], vector<16xi32>,
          %parallel_loop3A_317 = arith.constant 16 : i32
          %parallel_loop3A_318 = vector.broadcast %parallel_loop3A_317 : i32 to vector<16xi32>
          %parallel_loop3A_319 = arith.muli %parallel_loop3A_315, %parallel_loop3A_318 : vector<16xi32>
          %parallel_loop3A_320 = arith.addi %parallel_loop3A_319, %parallel_loop3A_316 : vector<16xi32>
          %parallel_loop3A_321 = tpu.vector_load_idx %arg8[%parallel_loop3A_320] : memref<256xf32, #tpu.memory_space<vmem>>[vector<16xi32>], vector<16xf32>,
          %parallel_loop3A_322 = arith.index_cast %parallel_loop3A_300 : i32 to index
          %parallel_loop3A_323 = arith.constant 0 : index
          %parallel_loop3A_324 = tpu.vector_load %arg12[%parallel_loop3A_322, %parallel_loop3A_323] {strides = array<i32>} : memref<16x128xf32, #tpu.memory_space<vmem>>, vector<16xf32>,
          %parallel_loop3A_325 = arith.mulf %parallel_loop3A_324, %parallel_loop3A_321 : vector<16xf32>
          %parallel_loop3A_326 = arith.constant 0 : i32
          %parallel_loop3A_327 = arith.addi %parallel_loop3A_302, %parallel_loop3A_326 : i32
          %parallel_loop3A_328 = arith.index_cast %parallel_loop3A_327 : i32 to index
          %parallel_loop3A_329 = tpu.vector_load %arg15[%parallel_loop3A_328] {strides = array<i32>} : memref<2048xf32, #tpu.memory_space<vmem>>, vector<16xf32>,
          tpu.vector_store %arg15[%parallel_loop3A_328], %parallel_loop3A_325 {strides = array<i32>} : memref<2048xf32, #tpu.memory_space<vmem>>, vector<16xf32>,
          %parallel_loop3A_330 = arith.constant 0 : i32
          %parallel_loop3A_331 = arith.addi %parallel_loop3A_302, %parallel_loop3A_330 : i32
          %parallel_loop3A_332 = arith.index_cast %parallel_loop3A_331 : i32 to index
          %parallel_loop3A_333 = tpu.vector_load %arg16[%parallel_loop3A_332] {strides = array<i32>} : memref<2048xi32, #tpu.memory_space<vmem>>, vector<16xi32>,
          tpu.vector_store %arg16[%parallel_loop3A_332], %parallel_loop3A_307 {strides = array<i32>} : memref<2048xi32, #tpu.memory_space<vmem>>, vector<16xi32>,
          %parallel_loop3A_334 = arith.constant 2 : i32
          %parallel_loop3A_335 = arith.muli %parallel_loop3A_334, %parallel_loop3A_300 : i32
          %parallel_loop3A_336 = arith.index_cast %parallel_loop3A_335 : i32 to index
          %parallel_loop3A_337 = arith.constant 16 : index
          %parallel_loop3A_338 = tpu.vector_load %arg11[%parallel_loop3A_336, %parallel_loop3A_337] {strides = array<i32>} : memref<32x128xi32, #tpu.memory_space<vmem>>, vector<16xi32>,
          %parallel_loop3A_339 = arith.constant 2 : i32
          %parallel_loop3A_340 = arith.muli %parallel_loop3A_339, %parallel_loop3A_300 : i32
          %parallel_loop3A_341 = arith.constant 1 : i32
          %parallel_loop3A_342 = arith.addi %parallel_loop3A_340, %parallel_loop3A_341 : i32
          %parallel_loop3A_343 = arith.index_cast %parallel_loop3A_342 : i32 to index
          %parallel_loop3A_344 = arith.constant 16 : index
          %parallel_loop3A_345 = tpu.vector_load %arg11[%parallel_loop3A_343, %parallel_loop3A_344] {strides = array<i32>} : memref<32x128xi32, #tpu.memory_space<vmem>>, vector<16xi32>,
          %parallel_loop3A_346 = tpu.vector_load_idx %arg7[%parallel_loop3A_338] : memref<100000xi32, #tpu.memory_space<vmem>>[vector<16xi32>], vector<16xi32>,
          %parallel_loop3A_347 = tpu.vector_load_idx %arg7[%parallel_loop3A_345] : memref<100000xi32, #tpu.memory_space<vmem>>[vector<16xi32>], vector<16xi32>,
          %parallel_loop3A_348 = arith.constant 16 : i32
          %parallel_loop3A_349 = vector.broadcast %parallel_loop3A_348 : i32 to vector<16xi32>
          %parallel_loop3A_350 = arith.muli %parallel_loop3A_346, %parallel_loop3A_349 : vector<16xi32>
          %parallel_loop3A_351 = arith.addi %parallel_loop3A_350, %parallel_loop3A_347 : vector<16xi32>
          %parallel_loop3A_352 = tpu.vector_load_idx %arg8[%parallel_loop3A_351] : memref<256xf32, #tpu.memory_space<vmem>>[vector<16xi32>], vector<16xf32>,
          %parallel_loop3A_353 = arith.index_cast %parallel_loop3A_300 : i32 to index
          %parallel_loop3A_354 = arith.constant 16 : index
          %parallel_loop3A_355 = tpu.vector_load %arg12[%parallel_loop3A_353, %parallel_loop3A_354] {strides = array<i32>} : memref<16x128xf32, #tpu.memory_space<vmem>>, vector<16xf32>,
          %parallel_loop3A_356 = arith.mulf %parallel_loop3A_355, %parallel_loop3A_352 : vector<16xf32>
          %parallel_loop3A_357 = arith.constant 16 : i32
          %parallel_loop3A_358 = arith.addi %parallel_loop3A_302, %parallel_loop3A_357 : i32
          %parallel_loop3A_359 = arith.index_cast %parallel_loop3A_358 : i32 to index
          %parallel_loop3A_360 = tpu.vector_load %arg15[%parallel_loop3A_359] {strides = array<i32>} : memref<2048xf32, #tpu.memory_space<vmem>>, vector<16xf32>,
          tpu.vector_store %arg15[%parallel_loop3A_359], %parallel_loop3A_356 {strides = array<i32>} : memref<2048xf32, #tpu.memory_space<vmem>>, vector<16xf32>,
          %parallel_loop3A_361 = arith.constant 16 : i32
          %parallel_loop3A_362 = arith.addi %parallel_loop3A_302, %parallel_loop3A_361 : i32
          %parallel_loop3A_363 = arith.index_cast %parallel_loop3A_362 : i32 to index
          %parallel_loop3A_364 = tpu.vector_load %arg16[%parallel_loop3A_363] {strides = array<i32>} : memref<2048xi32, #tpu.memory_space<vmem>>, vector<16xi32>,
          tpu.vector_store %arg16[%parallel_loop3A_363], %parallel_loop3A_338 {strides = array<i32>} : memref<2048xi32, #tpu.memory_space<vmem>>, vector<16xi32>,
          %parallel_loop3A_365 = arith.constant 2 : i32
          %parallel_loop3A_366 = arith.muli %parallel_loop3A_365, %parallel_loop3A_300 : i32
          %parallel_loop3A_367 = arith.index_cast %parallel_loop3A_366 : i32 to index
          %parallel_loop3A_368 = arith.constant 32 : index
          %parallel_loop3A_369 = tpu.vector_load %arg11[%parallel_loop3A_367, %parallel_loop3A_368] {strides = array<i32>} : memref<32x128xi32, #tpu.memory_space<vmem>>, vector<16xi32>,
          %parallel_loop3A_370 = arith.constant 2 : i32
          %parallel_loop3A_371 = arith.muli %parallel_loop3A_370, %parallel_loop3A_300 : i32
          %parallel_loop3A_372 = arith.constant 1 : i32
          %parallel_loop3A_373 = arith.addi %parallel_loop3A_371, %parallel_loop3A_372 : i32
          %parallel_loop3A_374 = arith.index_cast %parallel_loop3A_373 : i32 to index
          %parallel_loop3A_375 = arith.constant 32 : index
          %parallel_loop3A_376 = tpu.vector_load %arg11[%parallel_loop3A_374, %parallel_loop3A_375] {strides = array<i32>} : memref<32x128xi32, #tpu.memory_space<vmem>>, vector<16xi32>,
          %parallel_loop3A_377 = tpu.vector_load_idx %arg7[%parallel_loop3A_369] : memref<100000xi32, #tpu.memory_space<vmem>>[vector<16xi32>], vector<16xi32>,
          %parallel_loop3A_378 = tpu.vector_load_idx %arg7[%parallel_loop3A_376] : memref<100000xi32, #tpu.memory_space<vmem>>[vector<16xi32>], vector<16xi32>,
          %parallel_loop3A_379 = arith.constant 16 : i32
          %parallel_loop3A_380 = vector.broadcast %parallel_loop3A_379 : i32 to vector<16xi32>
          %parallel_loop3A_381 = arith.muli %parallel_loop3A_377, %parallel_loop3A_380 : vector<16xi32>
          %parallel_loop3A_382 = arith.addi %parallel_loop3A_381, %parallel_loop3A_378 : vector<16xi32>
          %parallel_loop3A_383 = tpu.vector_load_idx %arg8[%parallel_loop3A_382] : memref<256xf32, #tpu.memory_space<vmem>>[vector<16xi32>], vector<16xf32>,
          %parallel_loop3A_384 = arith.index_cast %parallel_loop3A_300 : i32 to index
          %parallel_loop3A_385 = arith.constant 32 : index
          %parallel_loop3A_386 = tpu.vector_load %arg12[%parallel_loop3A_384, %parallel_loop3A_385] {strides = array<i32>} : memref<16x128xf32, #tpu.memory_space<vmem>>, vector<16xf32>,
          %parallel_loop3A_387 = arith.mulf %parallel_loop3A_386, %parallel_loop3A_383 : vector<16xf32>
          %parallel_loop3A_388 = arith.constant 32 : i32
          %parallel_loop3A_389 = arith.addi %parallel_loop3A_302, %parallel_loop3A_388 : i32
          %parallel_loop3A_390 = arith.index_cast %parallel_loop3A_389 : i32 to index
          %parallel_loop3A_391 = tpu.vector_load %arg15[%parallel_loop3A_390] {strides = array<i32>} : memref<2048xf32, #tpu.memory_space<vmem>>, vector<16xf32>,
          tpu.vector_store %arg15[%parallel_loop3A_390], %parallel_loop3A_387 {strides = array<i32>} : memref<2048xf32, #tpu.memory_space<vmem>>, vector<16xf32>,
          %parallel_loop3A_392 = arith.constant 32 : i32
          %parallel_loop3A_393 = arith.addi %parallel_loop3A_302, %parallel_loop3A_392 : i32
          %parallel_loop3A_394 = arith.index_cast %parallel_loop3A_393 : i32 to index
          %parallel_loop3A_395 = tpu.vector_load %arg16[%parallel_loop3A_394] {strides = array<i32>} : memref<2048xi32, #tpu.memory_space<vmem>>, vector<16xi32>,
          tpu.vector_store %arg16[%parallel_loop3A_394], %parallel_loop3A_369 {strides = array<i32>} : memref<2048xi32, #tpu.memory_space<vmem>>, vector<16xi32>,
          %parallel_loop3A_396 = arith.constant 2 : i32
          %parallel_loop3A_397 = arith.muli %parallel_loop3A_396, %parallel_loop3A_300 : i32
          %parallel_loop3A_398 = arith.index_cast %parallel_loop3A_397 : i32 to index
          %parallel_loop3A_399 = arith.constant 48 : index
          %parallel_loop3A_400 = tpu.vector_load %arg11[%parallel_loop3A_398, %parallel_loop3A_399] {strides = array<i32>} : memref<32x128xi32, #tpu.memory_space<vmem>>, vector<16xi32>,
          %parallel_loop3A_401 = arith.constant 2 : i32
          %parallel_loop3A_402 = arith.muli %parallel_loop3A_401, %parallel_loop3A_300 : i32
          %parallel_loop3A_403 = arith.constant 1 : i32
          %parallel_loop3A_404 = arith.addi %parallel_loop3A_402, %parallel_loop3A_403 : i32
          %parallel_loop3A_405 = arith.index_cast %parallel_loop3A_404 : i32 to index
          %parallel_loop3A_406 = arith.constant 48 : index
          %parallel_loop3A_407 = tpu.vector_load %arg11[%parallel_loop3A_405, %parallel_loop3A_406] {strides = array<i32>} : memref<32x128xi32, #tpu.memory_space<vmem>>, vector<16xi32>,
          %parallel_loop3A_408 = tpu.vector_load_idx %arg7[%parallel_loop3A_400] : memref<100000xi32, #tpu.memory_space<vmem>>[vector<16xi32>], vector<16xi32>,
          %parallel_loop3A_409 = tpu.vector_load_idx %arg7[%parallel_loop3A_407] : memref<100000xi32, #tpu.memory_space<vmem>>[vector<16xi32>], vector<16xi32>,
          %parallel_loop3A_410 = arith.constant 16 : i32
          %parallel_loop3A_411 = vector.broadcast %parallel_loop3A_410 : i32 to vector<16xi32>
          %parallel_loop3A_412 = arith.muli %parallel_loop3A_408, %parallel_loop3A_411 : vector<16xi32>
          %parallel_loop3A_413 = arith.addi %parallel_loop3A_412, %parallel_loop3A_409 : vector<16xi32>
          %parallel_loop3A_414 = tpu.vector_load_idx %arg8[%parallel_loop3A_413] : memref<256xf32, #tpu.memory_space<vmem>>[vector<16xi32>], vector<16xf32>,
          %parallel_loop3A_415 = arith.index_cast %parallel_loop3A_300 : i32 to index
          %parallel_loop3A_416 = arith.constant 48 : index
          %parallel_loop3A_417 = tpu.vector_load %arg12[%parallel_loop3A_415, %parallel_loop3A_416] {strides = array<i32>} : memref<16x128xf32, #tpu.memory_space<vmem>>, vector<16xf32>,
          %parallel_loop3A_418 = arith.mulf %parallel_loop3A_417, %parallel_loop3A_414 : vector<16xf32>
          %parallel_loop3A_419 = arith.constant 48 : i32
          %parallel_loop3A_420 = arith.addi %parallel_loop3A_302, %parallel_loop3A_419 : i32
          %parallel_loop3A_421 = arith.index_cast %parallel_loop3A_420 : i32 to index
          %parallel_loop3A_422 = tpu.vector_load %arg15[%parallel_loop3A_421] {strides = array<i32>} : memref<2048xf32, #tpu.memory_space<vmem>>, vector<16xf32>,
          tpu.vector_store %arg15[%parallel_loop3A_421], %parallel_loop3A_418 {strides = array<i32>} : memref<2048xf32, #tpu.memory_space<vmem>>, vector<16xf32>,
          %parallel_loop3A_423 = arith.constant 48 : i32
          %parallel_loop3A_424 = arith.addi %parallel_loop3A_302, %parallel_loop3A_423 : i32
          %parallel_loop3A_425 = arith.index_cast %parallel_loop3A_424 : i32 to index
          %parallel_loop3A_426 = tpu.vector_load %arg16[%parallel_loop3A_425] {strides = array<i32>} : memref<2048xi32, #tpu.memory_space<vmem>>, vector<16xi32>,
          tpu.vector_store %arg16[%parallel_loop3A_425], %parallel_loop3A_400 {strides = array<i32>} : memref<2048xi32, #tpu.memory_space<vmem>>, vector<16xi32>,
          %parallel_loop3A_427 = arith.constant 2 : i32
          %parallel_loop3A_428 = arith.muli %parallel_loop3A_427, %parallel_loop3A_300 : i32
          %parallel_loop3A_429 = arith.index_cast %parallel_loop3A_428 : i32 to index
          %parallel_loop3A_430 = arith.constant 64 : index
          %parallel_loop3A_431 = tpu.vector_load %arg11[%parallel_loop3A_429, %parallel_loop3A_430] {strides = array<i32>} : memref<32x128xi32, #tpu.memory_space<vmem>>, vector<16xi32>,
          %parallel_loop3A_432 = arith.constant 2 : i32
          %parallel_loop3A_433 = arith.muli %parallel_loop3A_432, %parallel_loop3A_300 : i32
          %parallel_loop3A_434 = arith.constant 1 : i32
          %parallel_loop3A_435 = arith.addi %parallel_loop3A_433, %parallel_loop3A_434 : i32
          %parallel_loop3A_436 = arith.index_cast %parallel_loop3A_435 : i32 to index
          %parallel_loop3A_437 = arith.constant 64 : index
          %parallel_loop3A_438 = tpu.vector_load %arg11[%parallel_loop3A_436, %parallel_loop3A_437] {strides = array<i32>} : memref<32x128xi32, #tpu.memory_space<vmem>>, vector<16xi32>,
          %parallel_loop3A_439 = tpu.vector_load_idx %arg7[%parallel_loop3A_431] : memref<100000xi32, #tpu.memory_space<vmem>>[vector<16xi32>], vector<16xi32>,
          %parallel_loop3A_440 = tpu.vector_load_idx %arg7[%parallel_loop3A_438] : memref<100000xi32, #tpu.memory_space<vmem>>[vector<16xi32>], vector<16xi32>,
          %parallel_loop3A_441 = arith.constant 16 : i32
          %parallel_loop3A_442 = vector.broadcast %parallel_loop3A_441 : i32 to vector<16xi32>
          %parallel_loop3A_443 = arith.muli %parallel_loop3A_439, %parallel_loop3A_442 : vector<16xi32>
          %parallel_loop3A_444 = arith.addi %parallel_loop3A_443, %parallel_loop3A_440 : vector<16xi32>
          %parallel_loop3A_445 = tpu.vector_load_idx %arg8[%parallel_loop3A_444] : memref<256xf32, #tpu.memory_space<vmem>>[vector<16xi32>], vector<16xf32>,
          %parallel_loop3A_446 = arith.index_cast %parallel_loop3A_300 : i32 to index
          %parallel_loop3A_447 = arith.constant 64 : index
          %parallel_loop3A_448 = tpu.vector_load %arg12[%parallel_loop3A_446, %parallel_loop3A_447] {strides = array<i32>} : memref<16x128xf32, #tpu.memory_space<vmem>>, vector<16xf32>,
          %parallel_loop3A_449 = arith.mulf %parallel_loop3A_448, %parallel_loop3A_445 : vector<16xf32>
          %parallel_loop3A_450 = arith.constant 64 : i32
          %parallel_loop3A_451 = arith.addi %parallel_loop3A_302, %parallel_loop3A_450 : i32
          %parallel_loop3A_452 = arith.index_cast %parallel_loop3A_451 : i32 to index
          %parallel_loop3A_453 = tpu.vector_load %arg15[%parallel_loop3A_452] {strides = array<i32>} : memref<2048xf32, #tpu.memory_space<vmem>>, vector<16xf32>,
          tpu.vector_store %arg15[%parallel_loop3A_452], %parallel_loop3A_449 {strides = array<i32>} : memref<2048xf32, #tpu.memory_space<vmem>>, vector<16xf32>,
          %parallel_loop3A_454 = arith.constant 64 : i32
          %parallel_loop3A_455 = arith.addi %parallel_loop3A_302, %parallel_loop3A_454 : i32
          %parallel_loop3A_456 = arith.index_cast %parallel_loop3A_455 : i32 to index
          %parallel_loop3A_457 = tpu.vector_load %arg16[%parallel_loop3A_456] {strides = array<i32>} : memref<2048xi32, #tpu.memory_space<vmem>>, vector<16xi32>,
          tpu.vector_store %arg16[%parallel_loop3A_456], %parallel_loop3A_431 {strides = array<i32>} : memref<2048xi32, #tpu.memory_space<vmem>>, vector<16xi32>,
          %parallel_loop3A_458 = arith.constant 2 : i32
          %parallel_loop3A_459 = arith.muli %parallel_loop3A_458, %parallel_loop3A_300 : i32
          %parallel_loop3A_460 = arith.index_cast %parallel_loop3A_459 : i32 to index
          %parallel_loop3A_461 = arith.constant 80 : index
          %parallel_loop3A_462 = tpu.vector_load %arg11[%parallel_loop3A_460, %parallel_loop3A_461] {strides = array<i32>} : memref<32x128xi32, #tpu.memory_space<vmem>>, vector<16xi32>,
          %parallel_loop3A_463 = arith.constant 2 : i32
          %parallel_loop3A_464 = arith.muli %parallel_loop3A_463, %parallel_loop3A_300 : i32
          %parallel_loop3A_465 = arith.constant 1 : i32
          %parallel_loop3A_466 = arith.addi %parallel_loop3A_464, %parallel_loop3A_465 : i32
          %parallel_loop3A_467 = arith.index_cast %parallel_loop3A_466 : i32 to index
          %parallel_loop3A_468 = arith.constant 80 : index
          %parallel_loop3A_469 = tpu.vector_load %arg11[%parallel_loop3A_467, %parallel_loop3A_468] {strides = array<i32>} : memref<32x128xi32, #tpu.memory_space<vmem>>, vector<16xi32>,
          %parallel_loop3A_470 = tpu.vector_load_idx %arg7[%parallel_loop3A_462] : memref<100000xi32, #tpu.memory_space<vmem>>[vector<16xi32>], vector<16xi32>,
          %parallel_loop3A_471 = tpu.vector_load_idx %arg7[%parallel_loop3A_469] : memref<100000xi32, #tpu.memory_space<vmem>>[vector<16xi32>], vector<16xi32>,
          %parallel_loop3A_472 = arith.constant 16 : i32
          %parallel_loop3A_473 = vector.broadcast %parallel_loop3A_472 : i32 to vector<16xi32>
          %parallel_loop3A_474 = arith.muli %parallel_loop3A_470, %parallel_loop3A_473 : vector<16xi32>
          %parallel_loop3A_475 = arith.addi %parallel_loop3A_474, %parallel_loop3A_471 : vector<16xi32>
          %parallel_loop3A_476 = tpu.vector_load_idx %arg8[%parallel_loop3A_475] : memref<256xf32, #tpu.memory_space<vmem>>[vector<16xi32>], vector<16xf32>,
          %parallel_loop3A_477 = arith.index_cast %parallel_loop3A_300 : i32 to index
          %parallel_loop3A_478 = arith.constant 80 : index
          %parallel_loop3A_479 = tpu.vector_load %arg12[%parallel_loop3A_477, %parallel_loop3A_478] {strides = array<i32>} : memref<16x128xf32, #tpu.memory_space<vmem>>, vector<16xf32>,
          %parallel_loop3A_480 = arith.mulf %parallel_loop3A_479, %parallel_loop3A_476 : vector<16xf32>
          %parallel_loop3A_481 = arith.constant 80 : i32
          %parallel_loop3A_482 = arith.addi %parallel_loop3A_302, %parallel_loop3A_481 : i32
          %parallel_loop3A_483 = arith.index_cast %parallel_loop3A_482 : i32 to index
          %parallel_loop3A_484 = tpu.vector_load %arg15[%parallel_loop3A_483] {strides = array<i32>} : memref<2048xf32, #tpu.memory_space<vmem>>, vector<16xf32>,
          tpu.vector_store %arg15[%parallel_loop3A_483], %parallel_loop3A_480 {strides = array<i32>} : memref<2048xf32, #tpu.memory_space<vmem>>, vector<16xf32>,
          %parallel_loop3A_485 = arith.constant 80 : i32
          %parallel_loop3A_486 = arith.addi %parallel_loop3A_302, %parallel_loop3A_485 : i32
          %parallel_loop3A_487 = arith.index_cast %parallel_loop3A_486 : i32 to index
          %parallel_loop3A_488 = tpu.vector_load %arg16[%parallel_loop3A_487] {strides = array<i32>} : memref<2048xi32, #tpu.memory_space<vmem>>, vector<16xi32>,
          tpu.vector_store %arg16[%parallel_loop3A_487], %parallel_loop3A_462 {strides = array<i32>} : memref<2048xi32, #tpu.memory_space<vmem>>, vector<16xi32>,
          %parallel_loop3A_489 = arith.constant 2 : i32
          %parallel_loop3A_490 = arith.muli %parallel_loop3A_489, %parallel_loop3A_300 : i32
          %parallel_loop3A_491 = arith.index_cast %parallel_loop3A_490 : i32 to index
          %parallel_loop3A_492 = arith.constant 96 : index
          %parallel_loop3A_493 = tpu.vector_load %arg11[%parallel_loop3A_491, %parallel_loop3A_492] {strides = array<i32>} : memref<32x128xi32, #tpu.memory_space<vmem>>, vector<16xi32>,
          %parallel_loop3A_494 = arith.constant 2 : i32
          %parallel_loop3A_495 = arith.muli %parallel_loop3A_494, %parallel_loop3A_300 : i32
          %parallel_loop3A_496 = arith.constant 1 : i32
          %parallel_loop3A_497 = arith.addi %parallel_loop3A_495, %parallel_loop3A_496 : i32
          %parallel_loop3A_498 = arith.index_cast %parallel_loop3A_497 : i32 to index
          %parallel_loop3A_499 = arith.constant 96 : index
          %parallel_loop3A_500 = tpu.vector_load %arg11[%parallel_loop3A_498, %parallel_loop3A_499] {strides = array<i32>} : memref<32x128xi32, #tpu.memory_space<vmem>>, vector<16xi32>,
          %parallel_loop3A_501 = tpu.vector_load_idx %arg7[%parallel_loop3A_493] : memref<100000xi32, #tpu.memory_space<vmem>>[vector<16xi32>], vector<16xi32>,
          %parallel_loop3A_502 = tpu.vector_load_idx %arg7[%parallel_loop3A_500] : memref<100000xi32, #tpu.memory_space<vmem>>[vector<16xi32>], vector<16xi32>,
          %parallel_loop3A_503 = arith.constant 16 : i32
          %parallel_loop3A_504 = vector.broadcast %parallel_loop3A_503 : i32 to vector<16xi32>
          %parallel_loop3A_505 = arith.muli %parallel_loop3A_501, %parallel_loop3A_504 : vector<16xi32>
          %parallel_loop3A_506 = arith.addi %parallel_loop3A_505, %parallel_loop3A_502 : vector<16xi32>
          %parallel_loop3A_507 = tpu.vector_load_idx %arg8[%parallel_loop3A_506] : memref<256xf32, #tpu.memory_space<vmem>>[vector<16xi32>], vector<16xf32>,
          %parallel_loop3A_508 = arith.index_cast %parallel_loop3A_300 : i32 to index
          %parallel_loop3A_509 = arith.constant 96 : index
          %parallel_loop3A_510 = tpu.vector_load %arg12[%parallel_loop3A_508, %parallel_loop3A_509] {strides = array<i32>} : memref<16x128xf32, #tpu.memory_space<vmem>>, vector<16xf32>,
          %parallel_loop3A_511 = arith.mulf %parallel_loop3A_510, %parallel_loop3A_507 : vector<16xf32>
          %parallel_loop3A_512 = arith.constant 96 : i32
          %parallel_loop3A_513 = arith.addi %parallel_loop3A_302, %parallel_loop3A_512 : i32
          %parallel_loop3A_514 = arith.index_cast %parallel_loop3A_513 : i32 to index
          %parallel_loop3A_515 = tpu.vector_load %arg15[%parallel_loop3A_514] {strides = array<i32>} : memref<2048xf32, #tpu.memory_space<vmem>>, vector<16xf32>,
          tpu.vector_store %arg15[%parallel_loop3A_514], %parallel_loop3A_511 {strides = array<i32>} : memref<2048xf32, #tpu.memory_space<vmem>>, vector<16xf32>,
          %parallel_loop3A_516 = arith.constant 96 : i32
          %parallel_loop3A_517 = arith.addi %parallel_loop3A_302, %parallel_loop3A_516 : i32
          %parallel_loop3A_518 = arith.index_cast %parallel_loop3A_517 : i32 to index
          %parallel_loop3A_519 = tpu.vector_load %arg16[%parallel_loop3A_518] {strides = array<i32>} : memref<2048xi32, #tpu.memory_space<vmem>>, vector<16xi32>,
          tpu.vector_store %arg16[%parallel_loop3A_518], %parallel_loop3A_493 {strides = array<i32>} : memref<2048xi32, #tpu.memory_space<vmem>>, vector<16xi32>,
          %parallel_loop3A_520 = arith.constant 2 : i32
          %parallel_loop3A_521 = arith.muli %parallel_loop3A_520, %parallel_loop3A_300 : i32
          %parallel_loop3A_522 = arith.index_cast %parallel_loop3A_521 : i32 to index
          %parallel_loop3A_523 = arith.constant 112 : index
          %parallel_loop3A_524 = tpu.vector_load %arg11[%parallel_loop3A_522, %parallel_loop3A_523] {strides = array<i32>} : memref<32x128xi32, #tpu.memory_space<vmem>>, vector<16xi32>,
          %parallel_loop3A_525 = arith.constant 2 : i32
          %parallel_loop3A_526 = arith.muli %parallel_loop3A_525, %parallel_loop3A_300 : i32
          %parallel_loop3A_527 = arith.constant 1 : i32
          %parallel_loop3A_528 = arith.addi %parallel_loop3A_526, %parallel_loop3A_527 : i32
          %parallel_loop3A_529 = arith.index_cast %parallel_loop3A_528 : i32 to index
          %parallel_loop3A_530 = arith.constant 112 : index
          %parallel_loop3A_531 = tpu.vector_load %arg11[%parallel_loop3A_529, %parallel_loop3A_530] {strides = array<i32>} : memref<32x128xi32, #tpu.memory_space<vmem>>, vector<16xi32>,
          %parallel_loop3A_532 = tpu.vector_load_idx %arg7[%parallel_loop3A_524] : memref<100000xi32, #tpu.memory_space<vmem>>[vector<16xi32>], vector<16xi32>,
          %parallel_loop3A_533 = tpu.vector_load_idx %arg7[%parallel_loop3A_531] : memref<100000xi32, #tpu.memory_space<vmem>>[vector<16xi32>], vector<16xi32>,
          %parallel_loop3A_534 = arith.constant 16 : i32
          %parallel_loop3A_535 = vector.broadcast %parallel_loop3A_534 : i32 to vector<16xi32>
          %parallel_loop3A_536 = arith.muli %parallel_loop3A_532, %parallel_loop3A_535 : vector<16xi32>
          %parallel_loop3A_537 = arith.addi %parallel_loop3A_536, %parallel_loop3A_533 : vector<16xi32>
          %parallel_loop3A_538 = tpu.vector_load_idx %arg8[%parallel_loop3A_537] : memref<256xf32, #tpu.memory_space<vmem>>[vector<16xi32>], vector<16xf32>,
          %parallel_loop3A_539 = arith.index_cast %parallel_loop3A_300 : i32 to index
          %parallel_loop3A_540 = arith.constant 112 : index
          %parallel_loop3A_541 = tpu.vector_load %arg12[%parallel_loop3A_539, %parallel_loop3A_540] {strides = array<i32>} : memref<16x128xf32, #tpu.memory_space<vmem>>, vector<16xf32>,
          %parallel_loop3A_542 = arith.mulf %parallel_loop3A_541, %parallel_loop3A_538 : vector<16xf32>
          %parallel_loop3A_543 = arith.constant 112 : i32
          %parallel_loop3A_544 = arith.addi %parallel_loop3A_302, %parallel_loop3A_543 : i32
          %parallel_loop3A_545 = arith.index_cast %parallel_loop3A_544 : i32 to index
          %parallel_loop3A_546 = tpu.vector_load %arg15[%parallel_loop3A_545] {strides = array<i32>} : memref<2048xf32, #tpu.memory_space<vmem>>, vector<16xf32>,
          tpu.vector_store %arg15[%parallel_loop3A_545], %parallel_loop3A_542 {strides = array<i32>} : memref<2048xf32, #tpu.memory_space<vmem>>, vector<16xf32>,
          %parallel_loop3A_547 = arith.constant 112 : i32
          %parallel_loop3A_548 = arith.addi %parallel_loop3A_302, %parallel_loop3A_547 : i32
          %parallel_loop3A_549 = arith.index_cast %parallel_loop3A_548 : i32 to index
          %parallel_loop3A_550 = tpu.vector_load %arg16[%parallel_loop3A_549] {strides = array<i32>} : memref<2048xi32, #tpu.memory_space<vmem>>, vector<16xi32>,
          tpu.vector_store %arg16[%parallel_loop3A_549], %parallel_loop3A_524 {strides = array<i32>} : memref<2048xi32, #tpu.memory_space<vmem>>, vector<16xi32>,
        } {sc.loop_unroll_factor = 4 : i64, sc.parallel_access}
        %dma_start3A_292 = arith.constant 0 : i32
        %dma_start3A_293 = tpu.memref_slice %arg18[%dma_start3A_292] : memref<100352xf32, #tpu.memory_space<vmem_shared>> -> memref<100352xf32, #tpu.memory_space<vmem_shared>>
        tpu.enqueue_indirect_dma source(%arg15 : memref<2048xf32, #tpu.memory_space<vmem>>) target(%dma_start3A_293 : memref<100352xf32, #tpu.memory_space<vmem_shared>>) offsets(%arg16 : memref<2048xi32, #tpu.memory_space<vmem>>) semaphore(%arg22 : memref<!tpu.dma_semaphore, #tpu.memory_space<semaphore_mem>>) {add = true}
        %add3A_294 = arith.constant 2 : i32
        %add3A_295 = arith.addi %add3A_262, %add3A_294 : i32
        %lt3A_296 = arith.cmpi slt, %add3A_295, %select_n3A : i32
        %convert_element_type3A_297 = arith.extui %lt3A_296 : i1 to i32
        %cond3A_298 = arith.constant 0 : i32
        %cond3A_299 = arith.cmpi ne, %convert_element_type3A_297, %cond3A_298 : i32
        scf.if %cond3A_299 {
          %add3A_300 = arith.constant 2 : i32
          %add3A_301 = arith.addi %add3A_262, %add3A_300 : i32
          %mul3A_302 = arith.constant 32 : i32
          %mul3A_303 = arith.muli %add3A_301, %mul3A_302 : i32
          %add3A_304 = arith.addi %add3A, %mul3A_303 : i32
          %dma_start3A_305 = arith.constant 0 : i32
          %dma_start3A_306 = arith.constant 0 : i32
          %dma_start3A_307 = tpu.memref_slice %arg2[%add3A_304, %dma_start3A_305, %dma_start3A_306] : memref<3125x32x128xi32, #tpu.memory_space<hbm>> -> memref<1x32x128xi32, #tpu.memory_space<hbm>>
          %dma_start3A_308 = tpu.memref_squeeze %dma_start3A_307 : memref<1x32x128xi32, #tpu.memory_space<hbm>> -> memref<32x128xi32, #tpu.memory_space<hbm>>
          %dma_start3A_309 = arith.constant 0 : i32
          %dma_start3A_310 = arith.constant 0 : i32
          %dma_start3A_311 = tpu.memref_slice %arg2[%add3A_304, %dma_start3A_309, %dma_start3A_310] : memref<3125x32x128xi32, #tpu.memory_space<hbm>> -> memref<1x32x128xi32, #tpu.memory_space<hbm>>
          %dma_start3A_312 = tpu.memref_squeeze %dma_start3A_311 : memref<1x32x128xi32, #tpu.memory_space<hbm>> -> memref<32x128xi32, #tpu.memory_space<hbm>>
          tpu.enqueue_dma source(%dma_start3A_312 : memref<32x128xi32, #tpu.memory_space<hbm>>) target(%arg11 : memref<32x128xi32, #tpu.memory_space<vmem>>) target_semaphore(%arg20 : memref<!tpu.dma_semaphore, #tpu.memory_space<semaphore_mem>>)
          %dma_start3A_313 = arith.constant 0 : i32
          %dma_start3A_314 = arith.constant 0 : i32
          %dma_start3A_315 = tpu.memref_slice %arg3[%add3A_304, %dma_start3A_313, %dma_start3A_314] : memref<3125x16x128xf32, #tpu.memory_space<hbm>> -> memref<1x16x128xf32, #tpu.memory_space<hbm>>
          %dma_start3A_316 = tpu.memref_squeeze %dma_start3A_315 : memref<1x16x128xf32, #tpu.memory_space<hbm>> -> memref<16x128xf32, #tpu.memory_space<hbm>>
          %dma_start3A_317 = arith.constant 0 : i32
          %dma_start3A_318 = arith.constant 0 : i32
          %dma_start3A_319 = tpu.memref_slice %arg3[%add3A_304, %dma_start3A_317, %dma_start3A_318] : memref<3125x16x128xf32, #tpu.memory_space<hbm>> -> memref<1x16x128xf32, #tpu.memory_space<hbm>>
          %dma_start3A_320 = tpu.memref_squeeze %dma_start3A_319 : memref<1x16x128xf32, #tpu.memory_space<hbm>> -> memref<16x128xf32, #tpu.memory_space<hbm>>
          tpu.enqueue_dma source(%dma_start3A_320 : memref<16x128xf32, #tpu.memory_space<hbm>>) target(%arg12 : memref<16x128xf32, #tpu.memory_space<vmem>>) target_semaphore(%arg20 : memref<!tpu.dma_semaphore, #tpu.memory_space<semaphore_mem>>)
        } else {
        }
      } else {
      }
    }
    %scan3A_247 = arith.constant 49 : i32
    %dma_wait3A = arith.constant 0 : i32
    %dma_wait3A_248 = tpu.memref_slice %arg18[%dma_wait3A] : memref<100352xf32, #tpu.memory_space<vmem_shared>> -> memref<100352xf32, #tpu.memory_space<vmem_shared>>
    tpu.wait_indirect_dma semaphore(%arg21 : memref<!tpu.dma_semaphore, #tpu.memory_space<semaphore_mem>>) src(%arg13 : memref<2048xf32, #tpu.memory_space<vmem>>) dst(%dma_wait3A_248 : memref<100352xf32, #tpu.memory_space<vmem_shared>>)
    %dma_wait3A_249 = arith.constant 0 : i32
    %dma_wait3A_250 = tpu.memref_slice %arg18[%dma_wait3A_249] : memref<100352xf32, #tpu.memory_space<vmem_shared>> -> memref<100352xf32, #tpu.memory_space<vmem_shared>>
    tpu.wait_indirect_dma semaphore(%arg22 : memref<!tpu.dma_semaphore, #tpu.memory_space<semaphore_mem>>) src(%arg15 : memref<2048xf32, #tpu.memory_space<vmem>>) dst(%dma_wait3A_250 : memref<100352xf32, #tpu.memory_space<vmem_shared>>)
    %barrier3A_251 = arith.constant 0 : index
    tpu.barrier barrier_id(%barrier3A_251)
    "tpu.region"() ({
      %run_scoped3A = tpu.sem_alloc : memref<!tpu.dma_semaphore, #tpu.memory_space<semaphore_mem>>
      %dma_start3A_252 = tpu.memref_slice %arg6[%arg0, %mul3A_198] : memref<2x100352xf32, #tpu.memory_space<hbm>> -> memref<1x6272xf32, #tpu.memory_space<hbm>>
      %dma_start3A_253 = tpu.memref_squeeze %dma_start3A_252 : memref<1x6272xf32, #tpu.memory_space<hbm>> -> memref<6272xf32, #tpu.memory_space<hbm>>
      %dma_start3A_254 = tpu.memref_slice %arg18[%mul3A_198] : memref<100352xf32, #tpu.memory_space<vmem_shared>> -> memref<6272xf32, #tpu.memory_space<vmem_shared>>
      tpu.enqueue_dma source(%dma_start3A_254 : memref<6272xf32, #tpu.memory_space<vmem_shared>>) target(%dma_start3A_253 : memref<6272xf32, #tpu.memory_space<hbm>>) target_semaphore(%run_scoped3A : memref<!tpu.dma_semaphore, #tpu.memory_space<semaphore_mem>>)
      %dma_wait3A_255 = tpu.memref_slice %arg6[%arg0, %mul3A_198] : memref<2x100352xf32, #tpu.memory_space<hbm>> -> memref<1x6272xf32, #tpu.memory_space<hbm>>
      %dma_wait3A_256 = tpu.memref_squeeze %dma_wait3A_255 : memref<1x6272xf32, #tpu.memory_space<hbm>> -> memref<6272xf32, #tpu.memory_space<hbm>>
      %dma_wait3A_257 = tpu.memref_slice %arg18[%mul3A_198] : memref<100352xf32, #tpu.memory_space<vmem_shared>> -> memref<6272xf32, #tpu.memory_space<vmem_shared>>
      tpu.wait_dma2 semaphore(%run_scoped3A : memref<!tpu.dma_semaphore, #tpu.memory_space<semaphore_mem>>) src(%dma_wait3A_257 : memref<6272xf32, #tpu.memory_space<vmem_shared>>) dst(%dma_wait3A_256 : memref<6272xf32, #tpu.memory_space<hbm>>)
      tpu.yield
    }) : () -> ()
    return
  }
}

module attributes {stable_mosaic.version = 14 : i64} {
  func.func @_combine_body(%arg0: memref<2x784x128xf32, #tpu.memory_space<vmem>>, %arg1: memref<784x128xf32, #tpu.memory_space<vmem>>) attributes {dimension_semantics = [], scalar_prefetch = 0 : i64, scratch_operands = 0 : i64, tpu.core_type = #tpu.core_type<tc>} {
    %get3A = arith.constant 0 : index
    %get3A_0 = arith.constant 0 : index
    %get3A_1 = arith.constant 0 : index
    %get3A_2 = vector.load %arg0[%get3A, %get3A_0, %get3A_1] : memref<2x784x128xf32, #tpu.memory_space<vmem>>, vector<1x784x128xf32>
    %get3A_3 = vector.shape_cast %get3A_2 : vector<1x784x128xf32> to vector<784x128xf32>
    %get3A_4 = arith.constant 1 : index
    %get3A_5 = arith.constant 0 : index
    %get3A_6 = arith.constant 0 : index
    %get3A_7 = vector.load %arg0[%get3A_4, %get3A_5, %get3A_6] : memref<2x784x128xf32, #tpu.memory_space<vmem>>, vector<1x784x128xf32>
    %get3A_8 = vector.shape_cast %get3A_7 : vector<1x784x128xf32> to vector<784x128xf32>
    %add3A = arith.addf %get3A_3, %get3A_8 : vector<784x128xf32>
    %mul3A = arith.constant 1.250000e-01 : f32
    %mul3A_9 = vector.broadcast %mul3A : f32 to vector<784x128xf32>
    %mul3A_10 = arith.mulf %add3A, %mul3A_9 : vector<784x128xf32>
    %swap3A = arith.constant 0 : index
    %swap3A_11 = arith.constant 0 : index
    %swap3A_12 = vector.load %arg1[%swap3A, %swap3A_11] : memref<784x128xf32, #tpu.memory_space<vmem>>, vector<784x128xf32>
    tpu.vector_store %arg1[%swap3A, %swap3A_11], %mul3A_10 {strides = array<i32>} : memref<784x128xf32, #tpu.memory_space<vmem>>, vector<784x128xf32>,
    return
  }
}

</mosaic_0001>

<sc_bundles>
// kernel: kernel.4.cloned.1.call-start
scs
__scs_entry_jumppad:
0x0: {  	(pc) =	sbr.rel $0x88, $3  }
0x1: {  	(tag) =	ssettag $0x0;
	lr =	simm.s32 $0x1  }
0x2: {  	[smem:$0x3F9D] =	sst lr;
	_ =	strace $0xD0000000  }
0x3: {  	_ = 	snop  }
0x4: {  	_ = 	snop  }
0x5: {  	_ = 	snop  }
0x6: {  	_ = 	snop  }
0x7: {  	_ = 	snop  }
__scs_overlays_trampoline_lowered:
0x8: {  	[smem:$0x3FAC] =	sst s0  }
0x9: {  	[smem:$0x3FAD] =	sst s1  }
0xa: {  	[smem:$0x3FAE] =	sst s2  }
0xb: {  	[smem:$0x3FAF] =	sst s3  }
0xc: {  	[smem:$0x3FB0] =	sst s4  }
0xd: {  	[smem:$0x3FB1] =	sst s5  }
0xe: {  	[smem:$0x3FB2] =	sst s6  }
0xf: {  	[smem:$0x3FB3] =	sst s7  }
0x10: {  	[smem:$0x3FB4] =	sst s8  }
0x11: {  	[smem:$0x3FB5] =	sst s9;
	s0 =	simm.s32 @!p0 $0x0  }
0x12: {  	s1 =	sld [smem:$0x3F9B];
	s0 =	simm.s32 @p0 $0x1  }
0x13: {  	[smem:$0x3FB6] =	sst s0;
	s0 =	simm.s32 @!p1 $0x0  }
0x14: {  	s2 =	sld [smem:$0x3F9A];
	s0 =	simm.s32 @p1 $0x1  }
0x15: {  	[smem:$0x3FB7] =	sst s0;
	s0 =	simm.s32 @!p2 $0x0  }
0x16: {  	s3 =	sld [smem:$0x3FDB];
	s0 =	simm.s32 @p2 $0x1  }
0x17: {  	s4 =	simm.s32 $0x1BF5;
	[smem:$0x3FB9] =	sst s0  }
0x18: {  	s0 =	sld [smem:$0x3F9C];
	_ =	swait.ge [sflag:s4], $0x0  }
0x19: {  	s7 =	sld [smem:$0x3F9D]  }
0x1a: {  	s8 =	sadd.s32 $0xFFFFE003, lr  }
0x1b: {  	s9 =	sadd.s32 $0xFFFFFEF7, lr;
	s5 =	simm.s32 $0xFFFFFFFF;
	p2 =	slt.u32 s8, $0xFFFFF086  }
0x1c: {  	p1 =	slt.u32 s9, $0xF7A;
	s5 =	simm.s32 @!p2 $0x0  }
0x1d: {  	s5 =	simm.s32 @p1 $0x1;
	p0 =	seq.s32 s7, s2  }
0x1e: {  	s7 =	smul.u32 @!p0 $0xF7A, s2;
	p2 =	seq.s32 @!p0 s5, $0x0  }
0x1f: {  	s9 =	smul.u32 $0xF7A, s1;
	s8 =	simm.s32 @!p0 $0x1BF5;
	p2 =	por !p2, p0  }
0x20: {  	[sflag:s8] =	ssyncset.s32 @!p0 $0xFFFFF086;
	s6 =	sadd.s32 @!p0 s3, s7;
	s7 =	simm.s32 @!p0 $0x108  }
0x21: {  	s3 =	sadd.s32 s3, s9;
	s6 =	sadd.s32 @!p0 $0x88, s6;
	s7 =	simm.s32 @p2 $0x1082  }
0x22: {  	[simem:s7], [sflag:s8] =	dma.local @!p0 [hbm:s6], $0xF7A  }
0x23: {  	s9 =	sor.u32 $0xD0000000, s2;
	s6 =	simm.s32 $0x108;
	_ =	swait.ge @!p0 [sflag:s8], $0x0  }
0x24: {  	s3 =	sadd.s32 $0x88, s3;
	s6 =	simm.s32 @!p1 $0x1082;
	[sflag:s4] =	ssyncset.s32 $0xFFFFF086  }
0x25: {  	[simem:s6], [sflag:s4] =	dma.local [hbm:s3], $0xF7A  }
0x26: {  	[smem:$0x3F9D] =	sst s1;
	(tag) =	ssettag s2;
	_ =	strace s9  }
0x27: {  	s1 =	sld [smem:$0x3FAD]  }
0x28: {  	s2 =	sld [smem:$0x3FAE]  }
0x29: {  	s4 =	sld [smem:$0x3FB0]  }
0x2a: {  	p0 =	seq.s32 s5, $0x0;
	s5 =	sld [smem:$0x3FB1]  }
0x2b: {  	s6 =	sld [smem:$0x3FB2]  }
0x2c: {  	s7 =	sld [smem:$0x3FB3]  }
0x2d: {  	s3 =	simm.s32 $0x108;
	s8 =	sld [smem:$0x3FB4]  }
0x2e: {  	s3 =	simm.s32 @!p0 $0x1082;
	s9 =	sld [smem:$0x3FB5]  }
0x2f: {  	lr =	sadd.s32 s0, s3;
	s0 =	sld [smem:$0x3FAC]  }
0x30: {  	s3 =	sld [smem:$0x3FAF]  }
0x31: {  	[smem:$0x3FB8] =	sst s10  }
0x32: {  	s10 =	sld [smem:$0x3FB6];
	_ =	sdelay $0x3  }
0x33: {  	p0 =	seq.s32 s10, $0x1;
	s10 =	sld [smem:$0x3FB8];
	_ =	sdelay $0x3  }
0x34: {  	[smem:$0x3FB8] =	sst s10  }
0x35: {  	s10 =	sld [smem:$0x3FB7];
	_ =	sdelay $0x3  }
0x36: {  	p1 =	seq.s32 s10, $0x1;
	s10 =	sld [smem:$0x3FB8];
	_ =	sdelay $0x3  }
0x37: {  	[smem:$0x3FB8] =	sst s10  }
0x38: {  	s10 =	sld [smem:$0x3FB9]  }
0x39: {  	_ = 	snop;
	(pc) =	sbr.ind lr, $3  }
0x3a: {  	_ = 	snop  }
0x3b: {  	_ = 	snop  }
0x3c: {  	p2 =	seq.s32 s10, $0x1;
	s10 =	sld [smem:$0x3FB8]  }
0x3d: {  	_ =	shalt  }
0x3e: {  	_ =	shalt  }
0x3f: {  	_ =	shalt  }
0x40: {  	_ =	shalt  }
0x41: {  	_ =	shalt  }
0x42: {  	_ =	shalt  }
0x43: {  	_ =	shalt  }
0x44: {  	_ =	shalt  }
0x45: {  	_ =	shalt  }
0x46: {  	_ =	shalt  }
0x47: {  	_ =	shalt  }
0x48: {  	_ =	shalt  }
0x49: {  	_ =	shalt  }
0x4a: {  	_ =	shalt  }
0x4b: {  	_ =	shalt  }
0x4c: {  	_ =	shalt  }
0x4d: {  	_ =	shalt  }
0x4e: {  	_ =	shalt  }
0x4f: {  	_ =	shalt  }
0x50: {  	_ =	shalt  }
0x51: {  	_ =	shalt  }
0x52: {  	_ =	shalt  }
0x53: {  	_ =	shalt  }
0x54: {  	_ =	shalt  }
0x55: {  	_ =	shalt  }
0x56: {  	_ =	shalt  }
0x57: {  	_ =	shalt  }
0x58: {  	_ =	shalt  }
0x59: {  	_ =	shalt  }
0x5a: {  	_ =	shalt  }
0x5b: {  	_ =	shalt  }
0x5c: {  	_ =	shalt  }
0x5d: {  	_ =	shalt  }
0x5e: {  	_ =	shalt  }
0x5f: {  	_ =	shalt  }
0x60: {  	_ =	shalt  }
0x61: {  	_ =	shalt  }
0x62: {  	_ =	shalt  }
0x63: {  	_ =	shalt  }
0x64: {  	_ =	shalt  }
0x65: {  	_ =	shalt  }
0x66: {  	_ =	shalt  }
0x67: {  	_ =	shalt  }
0x68: {  	_ =	shalt  }
0x69: {  	_ =	shalt  }
0x6a: {  	_ =	shalt  }
0x6b: {  	_ =	shalt  }
0x6c: {  	_ =	shalt  }
0x6d: {  	_ =	shalt  }
0x6e: {  	_ =	shalt  }
0x6f: {  	_ =	shalt  }
0x70: {  	_ =	shalt  }
0x71: {  	_ =	shalt  }
0x72: {  	_ =	shalt  }
0x73: {  	_ =	shalt  }
0x74: {  	_ =	shalt  }
0x75: {  	_ =	shalt  }
0x76: {  	_ =	shalt  }
0x77: {  	_ =	shalt  }
0x78: {  	_ =	shalt  }
0x79: {  	_ =	shalt  }
0x7a: {  	_ =	shalt  }
0x7b: {  	_ =	shalt  }
0x7c: {  	_ =	shalt  }
0x7d: {  	_ =	shalt  }
0x7e: {  	_ =	shalt  }
0x7f: {  	_ =	shalt  }
0x80: {  	_ =	shalt  }
0x81: {  	_ =	shalt  }
0x82: {  	_ =	shalt  }
0x83: {  	_ =	shalt  }
0x84: {  	_ =	shalt  }
0x85: {  	_ =	shalt  }
0x86: {  	_ =	shalt  }
0x87: {  	_ =	shalt  }
.Lfunc_end0:
.L_simem_size_0:
called_computation_lowered:
.L_overlay_start_0:
0x88: {  	s2 =	sld [smem:$0x3FD9]  }
0x89: {  	s3 =	sld [smem:$0x3FFE];
	_ =	sdelay $0x1  }
0x8a: {  	s1 =	srdreg.scid  }
0x8b: {  	s0 =	sand.u32 $0x1, s1  }
0x8c: {  	s17 =	sshll.u32 s0, $0xA;
	s2 =	sadd.s32 s3, s2  }
0x8d: {  	s2 =	sadd.s32 s2, s17  }
0x8e: {  	[smem:$0x3FC4] =	sst s2  }
0x8f: {  	_ = 	snop  }
0x90: {  	s2 =	sld [smem:$0x3FC9]  }
0x91: {  	s18 =	sld [smem:$0x3FC7]  }
0x92: {  	s4 =	sld [smem:$0x3FD0];
	(tm) =	ssettm $0x1  }
0x93: {  	s5 =	sld [smem:$0x3FFB];
	_ =	sdelay $0x3  }
0x94: {  	_ =	strace s5  }
0x95: {  	s5 =	sld [smem:$0x3FFC];
	_ =	sdelay $0x3  }
0x96: {  	_ =	strace s5  }
0x97: {  	s5 =	sld [smem:$0x3FFD];
	_ =	sdelay $0x3  }
0x98: {  	_ =	strace s5  }
0x99: {  	_ =	strace $0x8FFFFFFF  }
0x9a: {  	s19 =	sld [smem:$0x3FDB];
	_ =	sdelay $0x1  }
0x9b: {  	s6 =	simm.s32 $_scs_section_size  }
0x9c: {  	s7 =	simm.s32 $_size__tile_overlayer_lowered;
	s8 =	simm.s32 $_tile_overlayer_lowered  }
0x9d: {  	s22 =	simm.s32 $0x1BFF;
	s21 =	sshll.u32 s8, $0x1;
	s5 =	sadd.s32 s6, s19  }
0x9e: {  	s9 =	simm.s32 $0x0;
	s20 =	sshll.u32 s7, $0x1;
	s7 =	sadd.s32 s21, s5  }
0x9f: {  	[timem:s9], [sflag:s22] =	dma.local [hbm:s7], s20  }
0xa0: {  	_ =	swait.ge [sflag:s22], s20  }
0xa1: {  	s6 =	ssub.s32 $0x0, s20;
	[sflag:s22] =	ssyncset.done $0x0  }
0xa2: {  	[sflag:s22] =	ssyncadd.s32 s6;
	_ =	sdelay $0x1  }
0xa3: {  	s23 =	simm.s32 $0x1B8B  }
0xa4: {  	_ =	swait.ge [sflag:s23], $0x1  }
0xa5: {  	[sflag:s23] =	ssyncset.done $0x0  }
0xa6: {  	s25 =	simm.s32 $0x1B8E;
	s24 =	sld [smem:$0x3FFE];
	[sflag:s23] =	ssyncadd.s32 $0xFFFFFFFF  }
0xa7: {  	s26 =	simm.s32 $execute0_lowered;
	[smem:$0x3FD2] =	sst s25  }
0xa8: {  	s7 =	sshll.u32 s26, $0x1;
	_ =	strace $0x80000046;
	[dreg:$0x1] =	wrdreg $0xFFFFFFFF  }
0xa9: {  	s28 =	simm.s32 $_size_execute0_lowered;
	s5 =	sadd.s32 s5, s7;
	[dreg:$0x0] =	wrdreg $0x0  }
0xaa: {  	s7 =	sshll.u32 s28, $0x1;
	[dreg:$0x2] =	wrdreg s5  }
0xab: {  	[dreg:$0x3] =	wrdreg s7  }
0xac: {  	[dreg:$0x4] =	wrdreg $0xC0  }
0xad: {  	_ =	task [dreg:s9], $0x5FFFF  }
0xae: {  	[dreg:$0x1] =	wrdreg $0xFFFFFFFF  }
0xaf: {  	[dreg:$0x0] =	wrdreg $0x60  }
0xb0: {  	[dreg:$0x2] =	wrdreg s18  }
0xb1: {  	[dreg:$0x3] =	wrdreg s2  }
0xb2: {  	[dreg:$0x4] =	wrdreg s24  }
0xb3: {  	[dreg:$0x5] =	wrdreg s4  }
0xb4: {  	[dreg:$0x6] =	wrdreg $0x1DE800  }
0xb5: {  	[dreg:$0x7] =	wrdreg $0x9  }
0xb6: {  	_ =	task.clear_ibuf [dreg:s9], $0x8FFFF;
	_ =	strace $0x90000046  }
0xb7: {  	s29 =	simm.s32 $0x9;
	_ =	strace $0x80000048  }
0xb8: {  	_ =	swait.ge [sflag:s29], $0x1  }
0xb9: {  	[sflag:s29] =	ssyncadd.s32 $0xFFFFFFFF  }
0xba: {  	_ =	strace $0x90000048  }
0xbb: {  	_ =	sfence  }
0xbc: {  	s30 =	sld [smem:$0x0];
	_ =	sdelay $0x2  }
0xbd: {  	s31 =	sshll.u32 s1, $0xD;
	s1 =	sshrl.u32 s1, $0x2  }
0xbe: {  	s3 =	sand.u32 $0x4000, s31;
	s1 =	sadd.s32 s1, s30  }
0xbf: {  	s0 =	sor.u32 s3, s0;
	s1 =	sshll.u32 s1, $0x11  }
0xc0: {  	s0 =	sor.u32 s1, s0  }
0xc1: {  	s0 =	sadd.s32 $0x8F2B, s0  }
0xc2: {  	[sflag:s0] =	ssyncadd.remote.s32 $0x1  }
0xc3: {  	_ =	sfence.sel $0xFFFF  }
0xc4: {  	[dreg:$0x0] =	wrdreg $0xFFFFFFFF;
	(pc) =	sbr.abs _section_cstart, $3  }
0xc5: {  	[dreg:$0x1] =	wrdreg $0xFFFFFFFF  }
0xc6: {  	_ =	task.clear_ibuf [dreg:s9], $0x2FFFF;
	_ =	strace $0x9FFFFFFF  }
0xc7: {  	(tm) =	ssettm $0x7FFFFFFF  }
tec
execute0_lowered:
.L_overlay_start_1:
0x0: {  	(tag) =	ssettag $0x1  }
0x1: {  	s0 =	rddreg [dreg:$0x0]  }
0x2: {  	s2 =	rddreg [dreg:$0x1]  }
0x3: {  	s5 =	rddreg [dreg:$0x2];
	s1 =	srdreg.scid  }
0x4: {  	s8 =	stileid.u32;
	s6 =	rddreg [dreg:$0x4]  }
0x5: {  	s7 =	simm.s32 $0x0;
	s12 =	simm.s32 $0x62;
	s29 =	simm.s32 $0x1  }
0x6: {  	s30 =	simm.s32 $0x800;
	s31 =	simm.s32 $0x1C000;
	s28 =	simm.s32 $0x4  }
0x7: {  	s1 =	sand.u32 $0x1, s1;
	s3 =	smul.u32 $0x3100, s8;
	[smem:$0x7FF] =	sst s7  }
0x8: {  	s14 =	smul.u32 $0x6200, s8;
	s10 =	sshll.u32 s8, $0x1;
	s4 =	sshll.u32 s1, $0x7  }
0x9: {  	_ =	strace $0x80000047;
	s15 =	ssub.s32 $0x2, s1;
	s3 =	sor.u32 s4, s3  }
0xa: {  	s4 =	sshrl.u32 s14, $0x2;
	s9 =	sshrl.u32 s15, $0x1;
	s3 =	sshrl.u32 s3, $0x3  }
0xb: {  	s8 =	sadd.s32 s4, s6;
	s16 =	ssub.s32 s15, s9;
	s9 =	sor.u32 s1, s10  }
0xc: {  	s4 =	simm.s32 $0x1B800;
	s3 =	sadd.s32 s3, s5;
	s17 =	sadd.s32 $0x620, s8  }
0xd: {  	s18 =	sadd.s32 $0xC40, s8;
	p0 =	slt.u32 s9, $0x15;
	s19 =	sadd.s32 $0x1260, s8  }
0xe: {  	s20 =	sshll.u32 s9, $0x9;
	s21 =	sshll.u32 s9, $0x8;
	[dreg:$0x6] =	wrdreg s17  }
0xf: {  	s22 =	sor.u32 $0x20, s9;
	s26 =	smax.u32 s16, $0x1;
	[dreg:$0x7] =	wrdreg s18  }
0x10: {  	[dreg:$0x8] =	wrdreg s19;
	s12 =	simm.s32 @!p0 $0x61;
	s1 =	sadd.s32 s0, s20  }
0x11: {  	s23 =	sshll.u32 s22, $0x9;
	s5 =	sshll.u32 s22, $0x8;
	s25 =	sadd.s32 $0x3200, s3  }
0x12: {  	[dreg:$0xe] =	wrdreg s26;
	s22 =	simm.s32 $0x18700;
	s3 =	simm.s32 $0x0  }
.Ltmp0:
0x13: {  	[dreg:$0x9] =	wrdreg s1;
	s1 =	sadd.s32 s2, s21;
	(pc) =	sbr.rel .LBB2_1-.Ltmp0, $4  }
0x14: {  	s24 =	sadd.s32 s2, s5;
	s18 =	sadd.s32 $0xFFFFFFFF, s12;
	[dreg:$0xd] =	wrdreg s25  }
0x15: {  	s21 =	simm.s32 $0x5;
	s5 =	simm.s32 $0x2;
	[dreg:$0xa] =	wrdreg s1  }
0x16: {  	s25 =	simm.s32 $0x1C800;
	s1 =	sadd.s32 s0, s23;
	[dreg:$0xc] =	wrdreg s24  }
0x17: {  	v0 =	vimm.f32 $0.0e+00;
	s23 =	simm.s32 $0x1D800;
	s24 =	simm.s32 $0x1D000;
	[dreg:$0xb] =	wrdreg s1  }
.LBB2_11:
0x18: {  	s1 =	simm.s32 $0x3  }
0x19: {  	_ =	swait.ge [sflag:s1], $0x800  }
0x1a: {  	[sflag:s1] =	ssyncset.done $0x0  }
0x1b: {  	[sflag:s1] =	ssyncadd.s32 $0xFFFFF800  }
0x1c: {  	_ =	swait.ge [sflag:s28], $0x800  }
0x1d: {  	[sflag:s28] =	ssyncset.done $0x0  }
0x1e: {  	s20 =	stileid.u32;
	s10 =	sshrl.u32 s8, $0x3;
	[sflag:s28] =	ssyncadd.s32 $0xFFFFF800  }
0x1f: {  	s13 =	simm.s32 $0x20;
	s1 =	sshll.u32 s20, $0x6;
	[bflag:$0x0] =	sbarrier.arrive $0xFFFF  }
0x20: {  	s14 =	simm.s32 $0x10;
	s1 =	sor.u32 $0x1C05, s1;
	s11 =	rddreg [dreg:$0xd]  }
0x21: {  	[hbm:s11@s13], [sflag:s1] =	dma.strided [spmem:s10@s14], $0x310, s29, $0x10   }
0x22: {  	_ =	swait.ge [sflag:s21], $0x310  }
0x23: {  	s3 =	sadd.s32 $0x1, s3;
	s26 =	rddreg [dreg:$0xe]  }
0x24: {  	p0 =	sne.s32 s3, s26  }
.Ltmp1:
0x25: {  	_ = 	snop;
	(pc) =	sbr.rel @!p0 .LBB2_12-.Ltmp1, $3  }
0x26: {  	_ =	sdelay $0x1  }
0x27: {  	[sflag:s21] =	ssyncset.done $0x0  }
0x28: {  	[sflag:s21] =	ssyncadd.s32 $0xFFFFFCF0  }
.LBB2_1:
0x29: {  	s1 =	rddreg [dreg:$0x2]  }
0x2a: {  	[tilespmem:s7], [sflag:$0x5] =	stream.linear.gather [hbm4b:s1+s7], $0x18700, $0x38;
	[tilespmem:$0x1F700] =	vst v63  }
0x2b: {  	_ =	swait.ge [sflag:s21], $0x18700  }
0x2c: {  	[sflag:s21] =	ssyncset.done $0x0  }
0x2d: {  	[sflag:s21] =	ssyncadd.s32 $0xFFFE7900  }
0x2e: {  	s26 =	rddreg [dreg:$0x3]  }
0x2f: {  	[tilespmem:s22], [sflag:$0x5] =	stream.linear.gather [hbm4b:s26+s7], $0x100, $0x38;
	[tilespmem:$0x1F700] =	vst v63  }
0x30: {  	_ =	swait.ge [sflag:s21], $0x100  }
0x31: {  	[sflag:s21] =	ssyncset.done $0x0  }
0x32: {  	[sflag:s21] =	ssyncadd.s32 $0xFFFFFF00  }
0x33: {  	[tilespmem:$0x1D800] =	vst v0  }
0x34: {  	[tilespmem:$0x1D810] =	vst v0  }
0x35: {  	[tilespmem:$0x1D820] =	vst v0  }
0x36: {  	[tilespmem:$0x1D830] =	vst v0  }
0x37: {  	[tilespmem:$0x1D840] =	vst v0  }
0x38: {  	[tilespmem:$0x1D850] =	vst v0  }
0x39: {  	[tilespmem:$0x1D860] =	vst v0  }
0x3a: {  	[tilespmem:$0x1D870] =	vst v0  }
0x3b: {  	[tilespmem:$0x1D880] =	vst v0  }
0x3c: {  	[tilespmem:$0x1D890] =	vst v0  }
0x3d: {  	[tilespmem:$0x1D8A0] =	vst v0  }
0x3e: {  	[tilespmem:$0x1D8B0] =	vst v0  }
0x3f: {  	[tilespmem:$0x1D8C0] =	vst v0  }
0x40: {  	[tilespmem:$0x1D8D0] =	vst v0  }
0x41: {  	[tilespmem:$0x1D8E0] =	vst v0  }
0x42: {  	[tilespmem:$0x1D8F0] =	vst v0  }
0x43: {  	[tilespmem:$0x1D900] =	vst v0  }
0x44: {  	[tilespmem:$0x1D910] =	vst v0  }
0x45: {  	[tilespmem:$0x1D920] =	vst v0  }
0x46: {  	[tilespmem:$0x1D930] =	vst v0  }
0x47: {  	[tilespmem:$0x1D940] =	vst v0  }
0x48: {  	[tilespmem:$0x1D950] =	vst v0  }
0x49: {  	[tilespmem:$0x1D960] =	vst v0  }
0x4a: {  	[tilespmem:$0x1D970] =	vst v0  }
0x4b: {  	[tilespmem:$0x1D980] =	vst v0  }
0x4c: {  	[tilespmem:$0x1D990] =	vst v0  }
0x4d: {  	[tilespmem:$0x1D9A0] =	vst v0  }
0x4e: {  	[tilespmem:$0x1D9B0] =	vst v0  }
0x4f: {  	[tilespmem:$0x1D9C0] =	vst v0  }
0x50: {  	[tilespmem:$0x1D9D0] =	vst v0  }
0x51: {  	[tilespmem:$0x1D9E0] =	vst v0  }
0x52: {  	[tilespmem:$0x1D9F0] =	vst v0  }
0x53: {  	[tilespmem:$0x1DA00] =	vst v0  }
0x54: {  	[tilespmem:$0x1DA10] =	vst v0  }
0x55: {  	[tilespmem:$0x1DA20] =	vst v0  }
0x56: {  	[tilespmem:$0x1DA30] =	vst v0  }
0x57: {  	[tilespmem:$0x1DA40] =	vst v0  }
0x58: {  	[tilespmem:$0x1DA50] =	vst v0  }
0x59: {  	[tilespmem:$0x1DA60] =	vst v0  }
0x5a: {  	[tilespmem:$0x1DA70] =	vst v0  }
0x5b: {  	[tilespmem:$0x1DA80] =	vst v0  }
0x5c: {  	[tilespmem:$0x1DA90] =	vst v0  }
0x5d: {  	[tilespmem:$0x1DAA0] =	vst v0  }
0x5e: {  	[tilespmem:$0x1DAB0] =	vst v0  }
0x5f: {  	[tilespmem:$0x1DAC0] =	vst v0  }
0x60: {  	[tilespmem:$0x1DAD0] =	vst v0  }
0x61: {  	[tilespmem:$0x1DAE0] =	vst v0  }
0x62: {  	[tilespmem:$0x1DAF0] =	vst v0  }
0x63: {  	[tilespmem:$0x1DB00] =	vst v0  }
0x64: {  	[tilespmem:$0x1DB10] =	vst v0  }
0x65: {  	[tilespmem:$0x1DB20] =	vst v0  }
0x66: {  	[tilespmem:$0x1DB30] =	vst v0  }
0x67: {  	[tilespmem:$0x1DB40] =	vst v0  }
0x68: {  	[tilespmem:$0x1DB50] =	vst v0  }
0x69: {  	[tilespmem:$0x1DB60] =	vst v0  }
0x6a: {  	[tilespmem:$0x1DB70] =	vst v0  }
0x6b: {  	[tilespmem:$0x1DB80] =	vst v0  }
0x6c: {  	[tilespmem:$0x1DB90] =	vst v0  }
0x6d: {  	[tilespmem:$0x1DBA0] =	vst v0  }
0x6e: {  	[tilespmem:$0x1DBB0] =	vst v0  }
0x6f: {  	[tilespmem:$0x1DBC0] =	vst v0  }
0x70: {  	[tilespmem:$0x1DBD0] =	vst v0  }
0x71: {  	[tilespmem:$0x1DBE0] =	vst v0  }
0x72: {  	[tilespmem:$0x1DBF0] =	vst v0  }
0x73: {  	[tilespmem:$0x1DC00] =	vst v0  }
0x74: {  	[tilespmem:$0x1DC10] =	vst v0  }
0x75: {  	[tilespmem:$0x1DC20] =	vst v0  }
0x76: {  	[tilespmem:$0x1DC30] =	vst v0  }
0x77: {  	[tilespmem:$0x1DC40] =	vst v0  }
0x78: {  	[tilespmem:$0x1DC50] =	vst v0  }
0x79: {  	[tilespmem:$0x1DC60] =	vst v0  }
0x7a: {  	[tilespmem:$0x1DC70] =	vst v0  }
0x7b: {  	[tilespmem:$0x1DC80] =	vst v0  }
0x7c: {  	[tilespmem:$0x1DC90] =	vst v0  }
0x7d: {  	[tilespmem:$0x1DCA0] =	vst v0  }
0x7e: {  	[tilespmem:$0x1DCB0] =	vst v0  }
0x7f: {  	[tilespmem:$0x1DCC0] =	vst v0  }
0x80: {  	[tilespmem:$0x1DCD0] =	vst v0  }
0x81: {  	[tilespmem:$0x1DCE0] =	vst v0  }
0x82: {  	[tilespmem:$0x1DCF0] =	vst v0  }
0x83: {  	[tilespmem:$0x1DD00] =	vst v0  }
0x84: {  	[tilespmem:$0x1DD10] =	vst v0  }
0x85: {  	[tilespmem:$0x1DD20] =	vst v0  }
0x86: {  	[tilespmem:$0x1DD30] =	vst v0  }
0x87: {  	[tilespmem:$0x1DD40] =	vst v0  }
0x88: {  	[tilespmem:$0x1DD50] =	vst v0  }
0x89: {  	[tilespmem:$0x1DD60] =	vst v0  }
0x8a: {  	[tilespmem:$0x1DD70] =	vst v0  }
0x8b: {  	[tilespmem:$0x1DD80] =	vst v0  }
0x8c: {  	[tilespmem:$0x1DD90] =	vst v0  }
0x8d: {  	[tilespmem:$0x1DDA0] =	vst v0  }
0x8e: {  	[tilespmem:$0x1DDB0] =	vst v0  }
0x8f: {  	[tilespmem:$0x1DDC0] =	vst v0  }
0x90: {  	[tilespmem:$0x1DDD0] =	vst v0  }
0x91: {  	[tilespmem:$0x1DDE0] =	vst v0  }
0x92: {  	[tilespmem:$0x1DDF0] =	vst v0  }
0x93: {  	[tilespmem:$0x1DE00] =	vst v0  }
0x94: {  	[tilespmem:$0x1DE10] =	vst v0  }
0x95: {  	[spmem:s8] =	stream.linear.scatter [tilespmem:s23], [sflag:$0x5], $0x620, $0x38;
	[tilespmem:$0x1F700] =	vst v63  }
0x96: {  	_ =	swait.ge [sflag:s21], $0x620  }
0x97: {  	[sflag:s21] =	ssyncset.done $0x0  }
0x98: {  	s10 =	rddreg [dreg:$0x6];
	[sflag:s21] =	ssyncadd.s32 $0xFFFFF9E0  }
0x99: {  	[spmem:s10] =	stream.linear.scatter [tilespmem:s23], [sflag:$0x5], $0x620, $0x38;
	[tilespmem:$0x1F700] =	vst v63  }
0x9a: {  	_ =	swait.ge [sflag:s21], $0x620  }
0x9b: {  	[sflag:s21] =	ssyncset.done $0x0  }
0x9c: {  	s11 =	rddreg [dreg:$0x7];
	[sflag:s21] =	ssyncadd.s32 $0xFFFFF9E0  }
0x9d: {  	[spmem:s11] =	stream.linear.scatter [tilespmem:s23], [sflag:$0x5], $0x620, $0x38;
	[tilespmem:$0x1F700] =	vst v63  }
0x9e: {  	_ =	swait.ge [sflag:s21], $0x620  }
0x9f: {  	[sflag:s21] =	ssyncset.done $0x0  }
0xa0: {  	s13 =	rddreg [dreg:$0x8];
	[sflag:s21] =	ssyncadd.s32 $0xFFFFF9E0  }
0xa1: {  	[spmem:s13] =	stream.linear.scatter [tilespmem:s23], [sflag:$0x5], $0x620, $0x38;
	[tilespmem:$0x1F700] =	vst v63  }
0xa2: {  	_ =	swait.ge [sflag:s21], $0x620  }
0xa3: {  	[sflag:s21] =	ssyncset.done $0x0  }
0xa4: {  	[sflag:s21] =	ssyncadd.s32 $0xFFFFF9E0  }
0xa5: {  	[bflag:$0x0] =	sbarrier.arrive $0xFFFF  }
0xa6: {  	s10 =	simm.s32 $0x18800;
	s14 =	rddreg [dreg:$0x9]  }
0xa7: {  	[tilespmem:s10], [sflag:$0x1] =	stream.linear.gather [hbm4b:s14+s7], $0x1000, $0x38;
	[tilespmem:$0x1F700] =	vst v63  }
0xa8: {  	s16 =	simm.s32 $0x19800;
	s15 =	rddreg [dreg:$0xa]  }
0xa9: {  	[tilespmem:s16], [sflag:$0x1] =	stream.linear.gather [hbm4b:s15+s7], $0x800, $0x38;
	[tilespmem:$0x1F700] =	vst v63  }
.Ltmp2:
0xaa: {  	_ = 	snop;
	(pc) =	sbr.rel .LBB2_2-.Ltmp2, $4  }
0xab: {  	s19 =	simm.s32 $0x1A000;
	s17 =	rddreg [dreg:$0xb]  }
0xac: {  	[tilespmem:s19], [sflag:$0x2] =	stream.linear.gather [hbm4b:s17+s7], $0x1000, $0x38;
	[tilespmem:$0x1F700] =	vst v63  }
0xad: {  	s1 =	simm.s32 $0x0;
	s26 =	simm.s32 $0x1B000;
	s20 =	rddreg [dreg:$0xc]  }
0xae: {  	[tilespmem:s26], [sflag:$0x2] =	stream.linear.gather [hbm4b:s20+s7], $0x800, $0x38;
	[tilespmem:$0x1F700] =	vst v63  }
.LBB2_10:
0xaf: {  	s1 =	sadd.s32 $0x1, s1  }
0xb0: {  	p0 =	sne.s32 s1, $0x31  }
.Ltmp3:
0xb1: {  	_ = 	snop;
	(pc) =	sbr.rel @!p0 .LBB2_11-.Ltmp3, $1  }
0xb2: {  	_ =	sdelay $0x3  }
.LBB2_2:
0xb3: {  	s10 =	sshll.u32 s1, $0x1  }
0xb4: {  	p0 =	sge.u32 s10, s12  }
.Ltmp4:
0xb5: {  	_ = 	snop;
	(pc) =	sbr.rel @p0 .LBB2_6-.Ltmp4, $1  }
0xb6: {  	_ =	sdelay $0x3  }
0xb7: {  	_ =	swait.ge [sflag:s29], $0x1000  }
0xb8: {  	[sflag:s29] =	ssyncset.done $0x0  }
0xb9: {  	[sflag:s29] =	ssyncadd.s32 $0xFFFFF000  }
0xba: {  	_ =	swait.ge [sflag:s29], $0x800  }
0xbb: {  	p0 =	seq.s32 s1, $0x0;
	[sflag:s29] =	ssyncset.done $0x0  }
0xbc: {  	s11 =	simm.s32 @!p0 $0x3;
	[sflag:s29] =	ssyncadd.s32 $0xFFFFF800  }
0xbd: {  	_ =	swait.ge @!p0 [sflag:s11], $0x800  }
0xbe: {  	[sflag:s11] =	ssyncset.done @!p0 $0x0  }
0xbf: {  	s20 =	simm.s32 $0x18A00;
	[sflag:s11] =	ssyncadd.s32 @!p0 $0xFFFFF800  }
0xc0: {  	v1 =	vld [tilespmem:s20+$0x100]  }
0xc1: {  	v2 =	vld [tilespmem:s20+$0x180];
	_ =	sdelay $0x6  }
0xc2: {  	v3 =	vld.idx.msk [tilespmem:v1+s7+$0x0], $0xffff  }
0xc3: {  	v2 =	vld.idx.msk [tilespmem:v2+s7+$0x0], $0xffff;
	_ =	sdelay $0x2  }
0xc4: {  	v5 =	vld [tilespmem:s20+$0xFFFFFE00]  }
0xc5: {  	v6 =	vld [tilespmem:s20+$0xFFFFFE80];
	v3 =	vshll.u32 v3, $0x4  }
0xc6: {  	v4 =	vld [tilespmem:s20+$0xFFFFFF00];
	v2 =	vadd.s32 v2, v3  }
0xc7: {  	v7 =	vld [tilespmem:s20+$0xFFFFFF80]  }
0xc8: {  	v3 =	vld [tilespmem:s20+$0x0]  }
0xc9: {  	s19 =	simm.s32 $0x19900;
	v8 =	vld [tilespmem:s20+$0x80]  }
0xca: {  	v9 =	vld [tilespmem:s19+$0x80]  }
0xcb: {  	v2 =	vld.idx.msk [tilespmem:v2+s22+$0x0], $0xffff  }
0xcc: {  	v11 =	vld.idx.msk [tilespmem:v5+s7+$0x0], $0xffff  }
0xcd: {  	v6 =	vld.idx.msk [tilespmem:v6+s7+$0x0], $0xffff  }
0xce: {  	v10 =	vld.idx.msk [tilespmem:v4+s7+$0x0], $0xffff  }
0xcf: {  	v7 =	vld.idx.msk [tilespmem:v7+s7+$0x0], $0xffff  }
0xd0: {  	v12 =	vld.idx.msk [tilespmem:v3+s7+$0x0], $0xffff;
	v2 =	vmul.f32 v9, v2  }
0xd1: {  	s13 =	simm.s32 $0x1B900;
	v8 =	vld.idx.msk [tilespmem:v8+s7+$0x0], $0xffff;
	v9 =	vshll.u32 v11, $0x4  }
0xd2: {  	s11 =	simm.s32 $0x1C100;
	[tilespmem:s13+$0x80] =	vst v2;
	v2 =	vadd.s32 v6, v9  }
0xd3: {  	[tilespmem:s11+$0x80] =	vst v1;
	v1 =	vshll.u32 v10, $0x4  }
0xd4: {  	v6 =	vld [tilespmem:s20+$0x110];
	v1 =	vadd.s32 v7, v1  }
0xd5: {  	v9 =	vshll.u32 v12, $0x4;
	v7 =	vld [tilespmem:s20+$0x190]  }
0xd6: {  	v10 =	vld [tilespmem:s19+$0xFFFFFF00];
	v8 =	vadd.s32 v8, v9  }
0xd7: {  	v2 =	vld.idx.msk [tilespmem:v2+s22+$0x0], $0xffff  }
0xd8: {  	v9 =	vld [tilespmem:s19+$0xFFFFFF80]  }
0xd9: {  	v1 =	vld.idx.msk [tilespmem:v1+s22+$0x0], $0xffff  }
0xda: {  	v11 =	vld [tilespmem:s19+$0x0]  }
0xdb: {  	v8 =	vld.idx.msk [tilespmem:v8+s22+$0x0], $0xffff  }
0xdc: {  	v12 =	vld.idx.msk [tilespmem:v6+s7+$0x0], $0xffff;
	v2 =	vmul.f32 v10, v2  }
0xdd: {  	v7 =	vld.idx.msk [tilespmem:v7+s7+$0x0], $0xffff  }
0xde: {  	v1 =	vmul.f32 v9, v1;
	[tilespmem:s13+$0xFFFFFF00] =	vst v2  }
0xdf: {  	[tilespmem:s11+$0xFFFFFF00] =	vst v5  }
0xe0: {  	v2 =	vmul.f32 v11, v8;
	v5 =	vld [tilespmem:s20+$0xFFFFFE10];
	[tilespmem:s13+$0xFFFFFF80] =	vst v1  }
0xe1: {  	v8 =	vld [tilespmem:s20+$0xFFFFFE90];
	v1 =	vshll.u32 v12, $0x4;
	[tilespmem:s11+$0xFFFFFF80] =	vst v4  }
0xe2: {  	[tilespmem:s13+$0x0] =	vst v2;
	v1 =	vadd.s32 v7, v1;
	v4 =	vld [tilespmem:s20+$0xFFFFFF10]  }
0xe3: {  	[tilespmem:s11+$0x0] =	vst v3;
	v2 =	vld [tilespmem:s20+$0xFFFFFF90]  }
0xe4: {  	v3 =	vld [tilespmem:s20+$0x10]  }
0xe5: {  	v7 =	vld [tilespmem:s20+$0x90]  }
0xe6: {  	v9 =	vld [tilespmem:s19+$0x90]  }
0xe7: {  	v1 =	vld.idx.msk [tilespmem:v1+s22+$0x0], $0xffff  }
0xe8: {  	v10 =	vld.idx.msk [tilespmem:v5+s7+$0x0], $0xffff  }
0xe9: {  	v8 =	vld.idx.msk [tilespmem:v8+s7+$0x0], $0xffff  }
0xea: {  	v11 =	vld.idx.msk [tilespmem:v4+s7+$0x0], $0xffff  }
0xeb: {  	v2 =	vld.idx.msk [tilespmem:v2+s7+$0x0], $0xffff  }
0xec: {  	v12 =	vld.idx.msk [tilespmem:v3+s7+$0x0], $0xffff;
	v1 =	vmul.f32 v9, v1  }
0xed: {  	v7 =	vld.idx.msk [tilespmem:v7+s7+$0x0], $0xffff;
	v9 =	vshll.u32 v10, $0x4  }
0xee: {  	v8 =	vadd.s32 v8, v9;
	[tilespmem:s13+$0x90] =	vst v1  }
0xef: {  	v1 =	vshll.u32 v11, $0x4;
	[tilespmem:s11+$0x90] =	vst v6  }
0xf0: {  	v1 =	vadd.s32 v2, v1;
	v2 =	vld [tilespmem:s20+$0x120]  }
0xf1: {  	v6 =	vshll.u32 v12, $0x4;
	v9 =	vld [tilespmem:s20+$0x1A0]  }
0xf2: {  	v10 =	vld [tilespmem:s19+$0xFFFFFF10];
	v6 =	vadd.s32 v7, v6  }
0xf3: {  	v7 =	vld.idx.msk [tilespmem:v8+s22+$0x0], $0xffff  }
0xf4: {  	v8 =	vld [tilespmem:s19+$0xFFFFFF90]  }
0xf5: {  	v1 =	vld.idx.msk [tilespmem:v1+s22+$0x0], $0xffff  }
0xf6: {  	v11 =	vld [tilespmem:s19+$0x10]  }
0xf7: {  	v6 =	vld.idx.msk [tilespmem:v6+s22+$0x0], $0xffff  }
0xf8: {  	v7 =	vmul.f32 v10, v7;
	v10 =	vld.idx.msk [tilespmem:v2+s7+$0x0], $0xffff  }
0xf9: {  	v9 =	vld.idx.msk [tilespmem:v9+s7+$0x0], $0xffff  }
0xfa: {  	[tilespmem:s13+$0xFFFFFF10] =	vst v7;
	v1 =	vmul.f32 v8, v1  }
0xfb: {  	[tilespmem:s11+$0xFFFFFF10] =	vst v5  }
0xfc: {  	v5 =	vmul.f32 v11, v6;
	[tilespmem:s13+$0xFFFFFF90] =	vst v1;
	v1 =	vld [tilespmem:s20+$0xFFFFFE20]  }
0xfd: {  	v6 =	vld [tilespmem:s20+$0xFFFFFEA0];
	[tilespmem:s11+$0xFFFFFF90] =	vst v4;
	v4 =	vshll.u32 v10, $0x4  }
0xfe: {  	[tilespmem:s13+$0x10] =	vst v5;
	v4 =	vadd.s32 v9, v4;
	v5 =	vld [tilespmem:s20+$0xFFFFFF20]  }
0xff: {  	v7 =	vld [tilespmem:s20+$0xFFFFFFA0]  }
0x100: {  	[tilespmem:s11+$0x10] =	vst v3;
	v9 =	vld [tilespmem:s19+$0xA0]  }
0x101: {  	v3 =	vld [tilespmem:s20+$0x20]  }
0x102: {  	v8 =	vld [tilespmem:s20+$0xA0]  }
0x103: {  	v4 =	vld.idx.msk [tilespmem:v4+s22+$0x0], $0xffff;
	_ =	sdelay $0x1  }
0x104: {  	v10 =	vld.idx.msk [tilespmem:v1+s7+$0x0], $0xffff  }
0x105: {  	v6 =	vld.idx.msk [tilespmem:v6+s7+$0x0], $0xffff  }
0x106: {  	v11 =	vld.idx.msk [tilespmem:v5+s7+$0x0], $0xffff  }
0x107: {  	v7 =	vld.idx.msk [tilespmem:v7+s7+$0x0], $0xffff;
	v4 =	vmul.f32 v9, v4  }
0x108: {  	v12 =	vld.idx.msk [tilespmem:v3+s7+$0x0], $0xffff  }
0x109: {  	v8 =	vld.idx.msk [tilespmem:v8+s7+$0x0], $0xffff;
	[tilespmem:s13+$0xA0] =	vst v4;
	v4 =	vshll.u32 v10, $0x4  }
0x10a: {  	[tilespmem:s11+$0xA0] =	vst v2;
	v2 =	vadd.s32 v6, v4  }
0x10b: {  	v4 =	vshll.u32 v11, $0x4  }
0x10c: {  	v6 =	vld [tilespmem:s20+$0x130];
	v4 =	vadd.s32 v7, v4  }
0x10d: {  	v9 =	vshll.u32 v12, $0x4;
	v7 =	vld [tilespmem:s20+$0x1B0]  }
0x10e: {  	v10 =	vld [tilespmem:s19+$0xFFFFFF20];
	v8 =	vadd.s32 v8, v9  }
0x10f: {  	v2 =	vld.idx.msk [tilespmem:v2+s22+$0x0], $0xffff  }
0x110: {  	v9 =	vld [tilespmem:s19+$0xFFFFFFA0]  }
0x111: {  	v4 =	vld.idx.msk [tilespmem:v4+s22+$0x0], $0xffff  }
0x112: {  	v11 =	vld [tilespmem:s19+$0x20]  }
0x113: {  	v8 =	vld.idx.msk [tilespmem:v8+s22+$0x0], $0xffff  }
0x114: {  	v12 =	vld.idx.msk [tilespmem:v6+s7+$0x0], $0xffff;
	v2 =	vmul.f32 v10, v2  }
0x115: {  	v7 =	vld.idx.msk [tilespmem:v7+s7+$0x0], $0xffff  }
0x116: {  	[tilespmem:s13+$0xFFFFFF20] =	vst v2;
	v2 =	vmul.f32 v9, v4  }
0x117: {  	[tilespmem:s11+$0xFFFFFF20] =	vst v1  }
0x118: {  	v8 =	vmul.f32 v11, v8;
	v4 =	vld [tilespmem:s20+$0xFFFFFE30];
	[tilespmem:s13+$0xFFFFFFA0] =	vst v2  }
0x119: {  	v1 =	vshll.u32 v12, $0x4;
	v2 =	vld [tilespmem:s20+$0xFFFFFEB0];
	[tilespmem:s11+$0xFFFFFFA0] =	vst v5  }
0x11a: {  	[tilespmem:s13+$0x20] =	vst v8;
	v1 =	vadd.s32 v7, v1;
	v5 =	vld [tilespmem:s20+$0xFFFFFF30]  }
0x11b: {  	[tilespmem:s11+$0x20] =	vst v3;
	v7 =	vld [tilespmem:s20+$0xFFFFFFB0]  }
0x11c: {  	v3 =	vld [tilespmem:s20+$0x30]  }
0x11d: {  	v9 =	vld [tilespmem:s20+$0xB0]  }
0x11e: {  	v8 =	vld [tilespmem:s19+$0xB0]  }
0x11f: {  	v1 =	vld.idx.msk [tilespmem:v1+s22+$0x0], $0xffff  }
0x120: {  	v10 =	vld.idx.msk [tilespmem:v4+s7+$0x0], $0xffff  }
0x121: {  	v2 =	vld.idx.msk [tilespmem:v2+s7+$0x0], $0xffff  }
0x122: {  	v11 =	vld.idx.msk [tilespmem:v5+s7+$0x0], $0xffff  }
0x123: {  	v7 =	vld.idx.msk [tilespmem:v7+s7+$0x0], $0xffff  }
0x124: {  	v1 =	vmul.f32 v8, v1;
	v8 =	vld.idx.msk [tilespmem:v3+s7+$0x0], $0xffff  }
0x125: {  	v9 =	vld.idx.msk [tilespmem:v9+s7+$0x0], $0xffff  }
0x126: {  	[tilespmem:s13+$0xB0] =	vst v1  }
0x127: {  	v1 =	vshll.u32 v10, $0x4;
	[tilespmem:s11+$0xB0] =	vst v6  }
0x128: {  	v1 =	vadd.s32 v2, v1;
	v2 =	vld [tilespmem:s20+$0x140];
	v6 =	vshll.u32 v11, $0x4  }
0x129: {  	v10 =	vld [tilespmem:s20+$0x1C0];
	v6 =	vadd.s32 v7, v6;
	v8 =	vshll.u32 v8, $0x4  }
0x12a: {  	v8 =	vadd.s32 v9, v8  }
0x12b: {  	v11 =	vld [tilespmem:s19+$0xFFFFFFB0]  }
0x12c: {  	v7 =	vld [tilespmem:s19+$0xFFFFFF30]  }
0x12d: {  	v1 =	vld.idx.msk [tilespmem:v1+s22+$0x0], $0xffff  }
0x12e: {  	v6 =	vld.idx.msk [tilespmem:v6+s22+$0x0], $0xffff  }
0x12f: {  	v8 =	vld.idx.msk [tilespmem:v8+s22+$0x0], $0xffff  }
0x130: {  	v9 =	vld.idx.msk [tilespmem:v2+s7+$0x0], $0xffff  }
0x131: {  	v10 =	vld.idx.msk [tilespmem:v10+s7+$0x0], $0xffff  }
0x132: {  	v1 =	vmul.f32 v7, v1;
	v7 =	vld [tilespmem:s19+$0x30];
	_ =	sdelay $0x1  }
0x133: {  	[tilespmem:s13+$0xFFFFFF30] =	vst v1;
	v1 =	vmul.f32 v11, v6  }
0x134: {  	[tilespmem:s11+$0xFFFFFF30] =	vst v4;
	v4 =	vshll.u32 v9, $0x4  }
0x135: {  	[tilespmem:s13+$0xFFFFFFB0] =	vst v1;
	v1 =	vadd.s32 v10, v4;
	v4 =	vld [tilespmem:s20+$0xFFFFFE40]  }
0x136: {  	[tilespmem:s11+$0xFFFFFFB0] =	vst v5;
	v6 =	vmul.f32 v7, v8;
	v7 =	vld [tilespmem:s20+$0xFFFFFEC0]  }
0x137: {  	v5 =	vld [tilespmem:s20+$0xFFFFFF40]  }
0x138: {  	v8 =	vld [tilespmem:s20+$0xFFFFFFC0];
	[tilespmem:s13+$0x30] =	vst v6  }
0x139: {  	[tilespmem:s11+$0x30] =	vst v3;
	v3 =	vld [tilespmem:s19+$0xC0]  }
0x13a: {  	v1 =	vld.idx.msk [tilespmem:v1+s22+$0x0], $0xffff  }
0x13b: {  	v6 =	vld [tilespmem:s20+$0x40]  }
0x13c: {  	v9 =	vld [tilespmem:s20+$0xC0]  }
0x13d: {  	v10 =	vld.idx.msk [tilespmem:v4+s7+$0x0], $0xffff  }
0x13e: {  	v7 =	vld.idx.msk [tilespmem:v7+s7+$0x0], $0xffff  }
0x13f: {  	v11 =	vld.idx.msk [tilespmem:v5+s7+$0x0], $0xffff;
	v1 =	vmul.f32 v3, v1  }
0x140: {  	s14 =	simm.s32 $0x18E00;
	v3 =	vld.idx.msk [tilespmem:v8+s7+$0x0], $0xffff  }
0x141: {  	v16 =	vld [tilespmem:s14+$0x100];
	[tilespmem:s13+$0xC0] =	vst v1  }
0x142: {  	v17 =	vld [tilespmem:s14+$0x180];
	[tilespmem:s11+$0xC0] =	vst v2  }
0x143: {  	v1 =	vshll.u32 v10, $0x4;
	v2 =	vld [tilespmem:s20+$0x150]  }
0x144: {  	v8 =	vshll.u32 v11, $0x4;
	v1 =	vadd.s32 v7, v1;
	v7 =	vld [tilespmem:s20+$0x1D0]  }
0x145: {  	v9 =	vld.idx.msk [tilespmem:v9+s7+$0x0], $0xffff;
	v3 =	vadd.s32 v3, v8  }
0x146: {  	v10 =	vld [tilespmem:s19+$0xFFFFFF40]  }
0x147: {  	v11 =	vld [tilespmem:s19+$0xFFFFFFC0]  }
0x148: {  	v8 =	vld.idx.msk [tilespmem:v6+s7+$0x0], $0xffff  }
0x149: {  	v1 =	vld.idx.msk [tilespmem:v1+s22+$0x0], $0xffff  }
0x14a: {  	v3 =	vld.idx.msk [tilespmem:v3+s22+$0x0], $0xffff  }
0x14b: {  	v12 =	vld.idx.msk [tilespmem:v2+s7+$0x0], $0xffff  }
0x14c: {  	v7 =	vld.idx.msk [tilespmem:v7+s7+$0x0], $0xffff  }
0x14d: {  	v18 =	vld [tilespmem:s14+$0xFFFFFF00]  }
0x14e: {  	v19 =	vld [tilespmem:s14+$0x0];
	v8 =	vshll.u32 v8, $0x4  }
0x14f: {  	v20 =	vld [tilespmem:s14+$0xFFFFFE00];
	v8 =	vadd.s32 v9, v8;
	v1 =	vmul.f32 v10, v1  }
0x150: {  	v21 =	vld [tilespmem:s14+$0xFFFFFE80];
	v9 =	vshll.u32 v12, $0x4  }
0x151: {  	s17 =	simm.s32 $0x19B00;
	v22 =	vld [tilespmem:s14+$0xFFFFFF80];
	[tilespmem:s13+$0xFFFFFF40] =	vst v1;
	v1 =	vmul.f32 v11, v3;
	v3 =	vadd.s32 v7, v9  }
0x152: {  	v53 =	vld [tilespmem:s17+$0x80]  }
0x153: {  	v10 =	vld [tilespmem:s19+$0x40]  }
0x154: {  	v7 =	vld.idx.msk [tilespmem:v8+s22+$0x0], $0xffff;
	[tilespmem:s13+$0xFFFFFFC0] =	vst v1  }
0x155: {  	[tilespmem:s11+$0xFFFFFFC0] =	vst v5;
	v5 =	vld [tilespmem:s19+$0xD0]  }
0x156: {  	v3 =	vld.idx.msk [tilespmem:v3+s22+$0x0], $0xffff  }
0x157: {  	v54 =	vld [tilespmem:s17+$0x0]  }
0x158: {  	v23 =	vld.idx.msk [tilespmem:v16+s7+$0x0], $0xffff;
	[tilespmem:s11+$0xFFFFFF40] =	vst v4  }
0x159: {  	v8 =	vld [tilespmem:s20+$0xFFFFFE50];
	v4 =	vmul.f32 v10, v7  }
0x15a: {  	v1 =	vld [tilespmem:s20+$0xFFFFFED0]  }
0x15b: {  	v9 =	vld [tilespmem:s20+$0xFFFFFF50];
	[tilespmem:s13+$0x40] =	vst v4;
	v3 =	vmul.f32 v5, v3  }
0x15c: {  	v7 =	vld [tilespmem:s20+$0xFFFFFFD0];
	[tilespmem:s11+$0x40] =	vst v6  }
0x15d: {  	v11 =	vld [tilespmem:s20+$0x50];
	[tilespmem:s13+$0xD0] =	vst v3  }
0x15e: {  	v4 =	vld [tilespmem:s20+$0xD0];
	[tilespmem:s11+$0xD0] =	vst v2  }
0x15f: {  	v2 =	vld [tilespmem:s20+$0x160]  }
0x160: {  	v3 =	vld [tilespmem:s20+$0x1E0]  }
0x161: {  	v5 =	vld.idx.msk [tilespmem:v8+s7+$0x0], $0xffff  }
0x162: {  	v1 =	vld.idx.msk [tilespmem:v1+s7+$0x0], $0xffff  }
0x163: {  	v6 =	vld.idx.msk [tilespmem:v9+s7+$0x0], $0xffff  }
0x164: {  	v7 =	vld.idx.msk [tilespmem:v7+s7+$0x0], $0xffff  }
0x165: {  	v14 =	vld.idx.msk [tilespmem:v11+s7+$0x0], $0xffff  }
0x166: {  	v5 =	vshll.u32 v5, $0x4;
	v15 =	vld.idx.msk [tilespmem:v4+s7+$0x0], $0xffff  }
0x167: {  	v1 =	vadd.s32 v1, v5;
	v4 =	vld.idx.msk [tilespmem:v2+s7+$0x0], $0xffff  }
0x168: {  	v3 =	vld.idx.msk [tilespmem:v3+s7+$0x0], $0xffff  }
0x169: {  	v17 =	vld.idx.msk [tilespmem:v17+s7+$0x0], $0xffff;
	v6 =	vshll.u32 v6, $0x4  }
0x16a: {  	v24 =	vld.idx.msk [tilespmem:v18+s7+$0x0], $0xffff;
	v6 =	vadd.s32 v7, v6;
	v7 =	vshll.u32 v14, $0x4  }
0x16b: {  	v10 =	vld [tilespmem:s19+$0xFFFFFF50];
	v7 =	vadd.s32 v15, v7  }
0x16c: {  	v1 =	vld.idx.msk [tilespmem:v1+s22+$0x0], $0xffff;
	v4 =	vshll.u32 v4, $0x4  }
0x16d: {  	v12 =	vld [tilespmem:s19+$0xFFFFFFD0];
	v3 =	vadd.s32 v3, v4  }
0x16e: {  	v13 =	vld [tilespmem:s19+$0x50]  }
0x16f: {  	v4 =	vld [tilespmem:s14+$0x80]  }
0x170: {  	v7 =	vld.idx.msk [tilespmem:v7+s22+$0x0], $0xffff  }
0x171: {  	v25 =	vld [tilespmem:s19+$0xE0];
	v1 =	vmul.f32 v10, v1  }
0x172: {  	v3 =	vld.idx.msk [tilespmem:v3+s22+$0x0], $0xffff  }
0x173: {  	v23 =	vshll.u32 v23, $0x4;
	v5 =	vld.idx.msk [tilespmem:v20+s7+$0x0], $0xffff;
	[tilespmem:s13+$0xFFFFFF50] =	vst v1  }
0x174: {  	v17 =	vadd.s32 v17, v23;
	[tilespmem:s11+$0xFFFFFF50] =	vst v8;
	v8 =	vld.idx.msk [tilespmem:v6+s22+$0x0], $0xffff  }
0x175: {  	v26 =	vld.idx.msk [tilespmem:v19+s7+$0x0], $0xffff;
	v7 =	vmul.f32 v13, v7  }
0x176: {  	v21 =	vld.idx.msk [tilespmem:v21+s7+$0x0], $0xffff  }
0x177: {  	v22 =	vld.idx.msk [tilespmem:v22+s7+$0x0], $0xffff;
	[tilespmem:s13+$0x50] =	vst v7;
	v3 =	vmul.f32 v25, v3  }
0x178: {  	v23 =	vld.idx.msk [tilespmem:v4+s7+$0x0], $0xffff;
	[tilespmem:s11+$0x50] =	vst v11  }
0x179: {  	v8 =	vmul.f32 v12, v8;
	[tilespmem:s13+$0xE0] =	vst v3;
	v3 =	vshll.u32 v5, $0x4;
	v5 =	vld.idx.msk [tilespmem:v17+s22+$0x0], $0xffff  }
0x17a: {  	v58 =	vld [tilespmem:s19+$0x60];
	[tilespmem:s11+$0xE0] =	vst v2  }
0x17b: {  	[tilespmem:s13+$0xFFFFFFD0] =	vst v8;
	v2 =	vshll.u32 v24, $0x4;
	v3 =	vadd.s32 v21, v3;
	v4 =	vld [tilespmem:s20+$0x170]  }
0x17c: {  	[tilespmem:s11+$0xFFFFFFD0] =	vst v9;
	v2 =	vadd.s32 v22, v2;
	v21 =	vld [tilespmem:s20+$0x1F0]  }
0x17d: {  	v11 =	vld [tilespmem:s20+$0xFFFFFF60];
	v17 =	vshll.u32 v26, $0x4  }
0x17e: {  	v17 =	vadd.s32 v23, v17;
	v23 =	vld [tilespmem:s17+$0xFFFFFF80];
	v5 =	vmul.f32 v53, v5  }
0x17f: {  	s15 =	simm.s32 $0x1BB00;
	v22 =	vld [tilespmem:s17+$0xFFFFFF00]  }
0x180: {  	s16 =	simm.s32 $0x1C300;
	v3 =	vld.idx.msk [tilespmem:v3+s22+$0x0], $0xffff;
	[tilespmem:s15+$0x80] =	vst v5  }
0x181: {  	v2 =	vld.idx.msk [tilespmem:v2+s22+$0x0], $0xffff;
	[tilespmem:s16+$0x80] =	vst v16  }
0x182: {  	v15 =	vld [tilespmem:s14+$0x190]  }
0x183: {  	v5 =	vld.idx.msk [tilespmem:v4+s7+$0x0], $0xffff  }
0x184: {  	v10 =	vld.idx.msk [tilespmem:v21+s7+$0x0], $0xffff  }
0x185: {  	v1 =	vmul.f32 v22, v3;
	v3 =	vld [tilespmem:s14+$0x110]  }
0x186: {  	v6 =	vld [tilespmem:s19+$0xF0]  }
0x187: {  	v14 =	vld.idx.msk [tilespmem:v17+s22+$0x0], $0xffff;
	v2 =	vmul.f32 v23, v2;
	[tilespmem:s15+$0xFFFFFF00] =	vst v1  }
0x188: {  	v1 =	vld [tilespmem:s20+$0xFFFFFE60];
	[tilespmem:s16+$0xFFFFFF00] =	vst v20;
	v5 =	vshll.u32 v5, $0x4  }
0x189: {  	[tilespmem:s15+$0xFFFFFF80] =	vst v2;
	v16 =	vld [tilespmem:s14+$0xFFFFFE10];
	v2 =	vadd.s32 v10, v5  }
0x18a: {  	[tilespmem:s16+$0xFFFFFF80] =	vst v18;
	v10 =	vld [tilespmem:s14+$0xFFFFFE90]  }
0x18b: {  	v17 =	vld [tilespmem:s14+$0xFFFFFF10]  }
0x18c: {  	v5 =	vmul.f32 v54, v14;
	v14 =	vld.idx.msk [tilespmem:v15+s7+$0x0], $0xffff  }
0x18d: {  	v15 =	vld.idx.msk [tilespmem:v3+s7+$0x0], $0xffff  }
0x18e: {  	[tilespmem:s15+$0x0] =	vst v5;
	v5 =	vld.idx.msk [tilespmem:v2+s22+$0x0], $0xffff  }
0x18f: {  	v2 =	vld [tilespmem:s14+$0xFFFFFF90]  }
0x190: {  	v22 =	vld [tilespmem:s17+$0xFFFFFF90];
	[tilespmem:s16+$0x0] =	vst v19  }
0x191: {  	v18 =	vld [tilespmem:s14+$0x10]  }
0x192: {  	v19 =	vld [tilespmem:s14+$0x90];
	v15 =	vshll.u32 v15, $0x4  }
0x193: {  	v20 =	vld.idx.msk [tilespmem:v16+s7+$0x0], $0xffff;
	v14 =	vadd.s32 v14, v15  }
0x194: {  	v10 =	vld.idx.msk [tilespmem:v10+s7+$0x0], $0xffff  }
0x195: {  	v7 =	vld [tilespmem:s17+$0x10]  }
0x196: {  	v21 =	vld.idx.msk [tilespmem:v17+s7+$0x0], $0xffff  }
0x197: {  	v12 =	vld.idx.msk [tilespmem:v2+s7+$0x0], $0xffff  }
0x198: {  	v2 =	vshll.u32 v20, $0x4;
	v14 =	vld.idx.msk [tilespmem:v14+s22+$0x0], $0xffff  }
0x199: {  	v8 =	vadd.s32 v10, v2;
	v10 =	vld [tilespmem:s17+$0x90]  }
0x19a: {  	v15 =	vld [tilespmem:s17+$0xFFFFFF10]  }
0x19b: {  	v23 =	vld.idx.msk [tilespmem:v18+s7+$0x0], $0xffff  }
0x19c: {  	v9 =	vld.idx.msk [tilespmem:v19+s7+$0x0], $0xffff  }
0x19d: {  	v13 =	vshll.u32 v21, $0x4;
	v2 =	vld [tilespmem:s20+$0x60]  }
0x19e: {  	v12 =	vadd.s32 v12, v13;
	v13 =	vld [tilespmem:s20+$0xFFFFFEE0];
	v10 =	vmul.f32 v10, v14  }
0x19f: {  	v8 =	vld.idx.msk [tilespmem:v8+s22+$0x0], $0xffff  }
0x1a0: {  	[tilespmem:s15+$0x90] =	vst v10;
	v10 =	vld [tilespmem:s20+$0xFFFFFFE0]  }
0x1a1: {  	v14 =	vshll.u32 v23, $0x4;
	[tilespmem:s16+$0x90] =	vst v3;
	v3 =	vld [tilespmem:s20+$0xE0]  }
0x1a2: {  	v9 =	vadd.s32 v9, v14;
	v14 =	vld [tilespmem:s14+$0x120]  }
0x1a3: {  	v19 =	vld [tilespmem:s14+$0x1A0]  }
0x1a4: {  	v12 =	vld.idx.msk [tilespmem:v12+s22+$0x0], $0xffff  }
0x1a5: {  	v56 =	vld [tilespmem:s17+$0xA0]  }
0x1a6: {  	v8 =	vmul.f32 v15, v8;
	v15 =	vld.idx.msk [tilespmem:v11+s7+$0x0], $0xffff  }
0x1a7: {  	v9 =	vld.idx.msk [tilespmem:v9+s22+$0x0], $0xffff  }
0x1a8: {  	[tilespmem:s15+$0xFFFFFF10] =	vst v8;
	v8 =	vld.idx.msk [tilespmem:v1+s7+$0x0], $0xffff  }
0x1a9: {  	v13 =	vld.idx.msk [tilespmem:v13+s7+$0x0], $0xffff;
	[tilespmem:s16+$0xFFFFFF10] =	vst v16  }
0x1aa: {  	v16 =	vld [tilespmem:s14+$0xFFFFFE20]  }
0x1ab: {  	v20 =	vld [tilespmem:s14+$0xFFFFFEA0];
	v12 =	vmul.f32 v22, v12  }
0x1ac: {  	v10 =	vld.idx.msk [tilespmem:v10+s7+$0x0], $0xffff  }
0x1ad: {  	[tilespmem:s15+$0xFFFFFF90] =	vst v12;
	v12 =	vld.idx.msk [tilespmem:v2+s7+$0x0], $0xffff  }
0x1ae: {  	v3 =	vld.idx.msk [tilespmem:v3+s7+$0x0], $0xffff  }
0x1af: {  	v7 =	vmul.f32 v7, v9;
	v21 =	vld.idx.msk [tilespmem:v14+s7+$0x0], $0xffff  }
0x1b0: {  	v19 =	vld.idx.msk [tilespmem:v19+s7+$0x0], $0xffff;
	[tilespmem:s16+$0xFFFFFF90] =	vst v17  }
0x1b1: {  	v17 =	vld [tilespmem:s14+$0xFFFFFF20];
	[tilespmem:s15+$0x10] =	vst v7  }
0x1b2: {  	v7 =	vld [tilespmem:s14+$0xFFFFFFA0];
	[tilespmem:s16+$0x10] =	vst v18  }
0x1b3: {  	v18 =	vld [tilespmem:s14+$0x20]  }
0x1b4: {  	v22 =	vld [tilespmem:s14+$0xA0];
	v21 =	vshll.u32 v21, $0x4  }
0x1b5: {  	v19 =	vadd.s32 v19, v21;
	v21 =	vld.idx.msk [tilespmem:v16+s7+$0x0], $0xffff  }
0x1b6: {  	v12 =	vshll.u32 v12, $0x4;
	v20 =	vld.idx.msk [tilespmem:v20+s7+$0x0], $0xffff  }
0x1b7: {  	v9 =	vld [tilespmem:s17+$0xFFFFFF20];
	v3 =	vadd.s32 v3, v12  }
0x1b8: {  	v23 =	vld [tilespmem:s17+$0xFFFFFFA0]  }
0x1b9: {  	v57 =	vld.idx.msk [tilespmem:v17+s7+$0x0], $0xffff  }
0x1ba: {  	v19 =	vld.idx.msk [tilespmem:v19+s22+$0x0], $0xffff;
	v21 =	vshll.u32 v21, $0x4  }
0x1bb: {  	v7 =	vld.idx.msk [tilespmem:v7+s7+$0x0], $0xffff;
	v20 =	vadd.s32 v20, v21  }
0x1bc: {  	v8 =	vshll.u32 v8, $0x4;
	v3 =	vld.idx.msk [tilespmem:v3+s22+$0x0], $0xffff  }
0x1bd: {  	v8 =	vadd.s32 v13, v8;
	v21 =	vld.idx.msk [tilespmem:v18+s7+$0x0], $0xffff  }
0x1be: {  	v22 =	vld.idx.msk [tilespmem:v22+s7+$0x0], $0xffff  }
0x1bf: {  	v13 =	vld [tilespmem:s19+$0xFFFFFF60];
	v19 =	vmul.f32 v56, v19  }
0x1c0: {  	v20 =	vld.idx.msk [tilespmem:v20+s22+$0x0], $0xffff  }
0x1c1: {  	v55 =	vld [tilespmem:s17+$0x20];
	v3 =	vmul.f32 v58, v3;
	[tilespmem:s15+$0xA0] =	vst v19;
	v19 =	vshll.u32 v57, $0x4  }
0x1c2: {  	v8 =	vld.idx.msk [tilespmem:v8+s22+$0x0], $0xffff;
	[tilespmem:s16+$0xA0] =	vst v14;
	v14 =	vshll.u32 v21, $0x4;
	v7 =	vadd.s32 v7, v19  }
0x1c3: {  	[tilespmem:s13+$0x60] =	vst v3;
	v19 =	vld [tilespmem:s14+$0x130];
	v14 =	vadd.s32 v22, v14  }
0x1c4: {  	[tilespmem:s11+$0x60] =	vst v2;
	v21 =	vld [tilespmem:s14+$0x1B0]  }
0x1c5: {  	v2 =	vld [tilespmem:s20+$0x70];
	v9 =	vmul.f32 v9, v20  }
0x1c6: {  	v22 =	vld [tilespmem:s19+$0xFFFFFFE0]  }
0x1c7: {  	v7 =	vld.idx.msk [tilespmem:v7+s22+$0x0], $0xffff;
	[tilespmem:s15+$0xFFFFFF20] =	vst v9  }
0x1c8: {  	v15 =	vshll.u32 v15, $0x4;
	v14 =	vld.idx.msk [tilespmem:v14+s22+$0x0], $0xffff;
	[tilespmem:s16+$0xFFFFFF20] =	vst v16  }
0x1c9: {  	v10 =	vadd.s32 v10, v15;
	v15 =	vld [tilespmem:s14+$0xFFFFFE30]  }
0x1ca: {  	v16 =	vld [tilespmem:s14+$0xFFFFFEB0]  }
0x1cb: {  	v9 =	vld.idx.msk [tilespmem:v19+s7+$0x0], $0xffff  }
0x1cc: {  	v12 =	vld.idx.msk [tilespmem:v21+s7+$0x0], $0xffff;
	v7 =	vmul.f32 v23, v7  }
0x1cd: {  	v20 =	vld [tilespmem:s17+$0xFFFFFF30]  }
0x1ce: {  	v60 =	vld.idx.msk [tilespmem:v2+s7+$0x0], $0xffff;
	v14 =	vmul.f32 v55, v14;
	[tilespmem:s15+$0xFFFFFFA0] =	vst v7  }
0x1cf: {  	v7 =	vld.idx.msk [tilespmem:v10+s22+$0x0], $0xffff;
	[tilespmem:s16+$0xFFFFFFA0] =	vst v17  }
0x1d0: {  	[tilespmem:s15+$0x20] =	vst v14;
	v9 =	vshll.u32 v9, $0x4;
	v10 =	vld [tilespmem:s14+$0xFFFFFF30]  }
0x1d1: {  	[tilespmem:s16+$0x20] =	vst v18;
	v9 =	vadd.s32 v12, v9;
	v12 =	vld [tilespmem:s14+$0xFFFFFFB0]  }
0x1d2: {  	v14 =	vld [tilespmem:s14+$0x30]  }
0x1d3: {  	v18 =	vld.idx.msk [tilespmem:v15+s7+$0x0], $0xffff  }
0x1d4: {  	v17 =	vld [tilespmem:s14+$0xB0]  }
0x1d5: {  	v8 =	vmul.f32 v13, v8;
	v21 =	vld [tilespmem:s17+$0xB0]  }
0x1d6: {  	v16 =	vld.idx.msk [tilespmem:v16+s7+$0x0], $0xffff  }
0x1d7: {  	[tilespmem:s13+$0xFFFFFF60] =	vst v8;
	v9 =	vld.idx.msk [tilespmem:v9+s22+$0x0], $0xffff  }
0x1d8: {  	[tilespmem:s11+$0xFFFFFF60] =	vst v1;
	v1 =	vshll.u32 v18, $0x4;
	v18 =	vld [tilespmem:s17+$0x30]  }
0x1d9: {  	v23 =	vld.idx.msk [tilespmem:v10+s7+$0x0], $0xffff  }
0x1da: {  	v7 =	vmul.f32 v22, v7;
	v12 =	vld.idx.msk [tilespmem:v12+s7+$0x0], $0xffff  }
0x1db: {  	v13 =	vld.idx.msk [tilespmem:v14+s7+$0x0], $0xffff  }
0x1dc: {  	[tilespmem:s13+$0xFFFFFFE0] =	vst v7;
	v16 =	vadd.s32 v16, v1;
	v8 =	vld.idx.msk [tilespmem:v17+s7+$0x0], $0xffff;
	v9 =	vmul.f32 v21, v9  }
0x1dd: {  	[tilespmem:s11+$0xFFFFFFE0] =	vst v11;
	v1 =	vld [tilespmem:s20+$0xFFFFFE70]  }
0x1de: {  	v3 =	vld [tilespmem:s20+$0xFFFFFF70];
	[tilespmem:s15+$0xB0] =	vst v9  }
0x1df: {  	v17 =	vld [tilespmem:s17+$0xFFFFFFB0];
	v9 =	vshll.u32 v23, $0x4;
	[tilespmem:s16+$0xB0] =	vst v19  }
0x1e0: {  	v7 =	vadd.s32 v12, v9;
	v11 =	vshll.u32 v13, $0x4;
	v9 =	vld [tilespmem:s14+$0x140]  }
0x1e1: {  	v8 =	vadd.s32 v8, v11;
	v11 =	vld.idx.msk [tilespmem:v16+s22+$0x0], $0xffff  }
0x1e2: {  	v12 =	vld [tilespmem:s14+$0x1C0]  }
0x1e3: {  	v13 =	vld [tilespmem:s20+$0xFFFFFEF0]  }
0x1e4: {  	v19 =	vld [tilespmem:s20+$0xFFFFFFF0]  }
0x1e5: {  	v7 =	vld.idx.msk [tilespmem:v7+s22+$0x0], $0xffff  }
0x1e6: {  	v8 =	vld.idx.msk [tilespmem:v8+s22+$0x0], $0xffff;
	v11 =	vmul.f32 v20, v11  }
0x1e7: {  	v20 =	vld [tilespmem:s17+$0xC0]  }
0x1e8: {  	[tilespmem:s15+$0xFFFFFF30] =	vst v11;
	v11 =	vld [tilespmem:s20+$0xF0]  }
0x1e9: {  	v16 =	vld.idx.msk [tilespmem:v9+s7+$0x0], $0xffff  }
0x1ea: {  	v12 =	vld.idx.msk [tilespmem:v12+s7+$0x0], $0xffff;
	[tilespmem:s16+$0xFFFFFF30] =	vst v15;
	v7 =	vmul.f32 v17, v7  }
0x1eb: {  	v15 =	vld [tilespmem:s14+$0xFFFFFE40]  }
0x1ec: {  	v13 =	vld.idx.msk [tilespmem:v13+s7+$0x0], $0xffff;
	[tilespmem:s15+$0xFFFFFFB0] =	vst v7;
	v7 =	vmul.f32 v18, v8  }
0x1ed: {  	v8 =	vld [tilespmem:s14+$0xFFFFFEC0];
	[tilespmem:s16+$0xFFFFFFB0] =	vst v10  }
0x1ee: {  	v10 =	vshll.u32 v16, $0x4;
	v16 =	vld [tilespmem:s14+$0xFFFFFF40];
	[tilespmem:s15+$0x30] =	vst v7  }
0x1ef: {  	v7 =	vadd.s32 v12, v10;
	v10 =	vld [tilespmem:s14+$0xFFFFFFC0];
	[tilespmem:s16+$0x30] =	vst v14  }
0x1f0: {  	v14 =	vld [tilespmem:s14+$0x40]  }
0x1f1: {  	v12 =	vld [tilespmem:s14+$0xC0]  }
0x1f2: {  	v19 =	vld.idx.msk [tilespmem:v19+s7+$0x0], $0xffff  }
0x1f3: {  	v21 =	vld.idx.msk [tilespmem:v15+s7+$0x0], $0xffff  }
0x1f4: {  	v7 =	vld.idx.msk [tilespmem:v7+s22+$0x0], $0xffff  }
0x1f5: {  	v8 =	vld.idx.msk [tilespmem:v8+s7+$0x0], $0xffff  }
0x1f6: {  	v22 =	vld.idx.msk [tilespmem:v16+s7+$0x0], $0xffff  }
0x1f7: {  	v10 =	vld.idx.msk [tilespmem:v10+s7+$0x0], $0xffff  }
0x1f8: {  	v23 =	vld.idx.msk [tilespmem:v14+s7+$0x0], $0xffff  }
0x1f9: {  	v12 =	vld.idx.msk [tilespmem:v12+s7+$0x0], $0xffff;
	v7 =	vmul.f32 v20, v7  }
0x1fa: {  	v17 =	vld.idx.msk [tilespmem:v1+s7+$0x0], $0xffff  }
0x1fb: {  	v18 =	vld [tilespmem:s17+$0xFFFFFF40];
	[tilespmem:s15+$0xC0] =	vst v7;
	v7 =	vshll.u32 v21, $0x4  }
0x1fc: {  	v20 =	vld [tilespmem:s17+$0xFFFFFFC0];
	[tilespmem:s16+$0xC0] =	vst v9;
	v7 =	vadd.s32 v8, v7;
	v8 =	vshll.u32 v22, $0x4  }
0x1fd: {  	v59 =	vld [tilespmem:s14+$0x150];
	v8 =	vadd.s32 v10, v8;
	v10 =	vshll.u32 v23, $0x4  }
0x1fe: {  	v9 =	vld [tilespmem:s14+$0x1D0];
	v10 =	vadd.s32 v12, v10  }
0x1ff: {  	v21 =	vld [tilespmem:s17+$0x40]  }
0x200: {  	v22 =	vld.idx.msk [tilespmem:v3+s7+$0x0], $0xffff  }
0x201: {  	v7 =	vld.idx.msk [tilespmem:v7+s22+$0x0], $0xffff  }
0x202: {  	v8 =	vld.idx.msk [tilespmem:v8+s22+$0x0], $0xffff  }
0x203: {  	v61 =	vld.idx.msk [tilespmem:v10+s22+$0x0], $0xffff  }
0x204: {  	v10 =	vld [tilespmem:s19+$0xFFFFFF70]  }
0x205: {  	v12 =	vld.idx.msk [tilespmem:v59+s7+$0x0], $0xffff  }
0x206: {  	v23 =	vld.idx.msk [tilespmem:v9+s7+$0x0], $0xffff;
	v7 =	vmul.f32 v18, v7  }
0x207: {  	v9 =	vld [tilespmem:s19+$0x70]  }
0x208: {  	v18 =	vld.idx.msk [tilespmem:v11+s7+$0x0], $0xffff;
	[tilespmem:s15+$0xFFFFFF40] =	vst v7  }
0x209: {  	v11 =	vld [tilespmem:s19+$0xFFFFFFF0];
	v7 =	vmul.f32 v20, v8;
	[tilespmem:s16+$0xFFFFFF40] =	vst v15  }
0x20a: {  	v8 =	vshll.u32 v12, $0x4;
	v12 =	vld [tilespmem:s14+$0xFFFFFE50]  }
0x20b: {  	[tilespmem:s15+$0xFFFFFFC0] =	vst v7;
	v20 =	vld [tilespmem:s14+$0xFFFFFED0];
	v8 =	vadd.s32 v23, v8  }
0x20c: {  	v15 =	vld [tilespmem:s17+$0xFFFFFF50];
	[tilespmem:s16+$0xFFFFFFC0] =	vst v16;
	v16 =	vmul.f32 v21, v61  }
0x20d: {  	v7 =	vld [tilespmem:s14+$0xFFFFFF50]  }
0x20e: {  	v21 =	vld [tilespmem:s14+$0xFFFFFFD0];
	[tilespmem:s15+$0x40] =	vst v16  }
0x20f: {  	[tilespmem:s16+$0x40] =	vst v14;
	v14 =	vld [tilespmem:s17+$0xD0]  }
0x210: {  	v16 =	vld.idx.msk [tilespmem:v8+s22+$0x0], $0xffff  }
0x211: {  	v23 =	vld [tilespmem:s14+$0xD0]  }
0x212: {  	v8 =	vld [tilespmem:s14+$0x50]  }
0x213: {  	v62 =	vld.idx.msk [tilespmem:v12+s7+$0x0], $0xffff  }
0x214: {  	v28 =	vld.idx.msk [tilespmem:v20+s7+$0x0], $0xffff  }
0x215: {  	v27 =	vld.idx.msk [tilespmem:v7+s7+$0x0], $0xffff;
	v14 =	vmul.f32 v14, v16  }
0x216: {  	v29 =	vld.idx.msk [tilespmem:v21+s7+$0x0], $0xffff;
	v16 =	vshll.u32 v17, $0x4  }
0x217: {  	v20 =	vshll.u32 v60, $0x4;
	v17 =	vshll.u32 v22, $0x4;
	v22 =	vadd.s32 v13, v16;
	v13 =	vld [tilespmem:s17+$0x50];
	[tilespmem:s15+$0xD0] =	vst v14  }
0x218: {  	v25 =	vadd.s32 v18, v20;
	v14 =	vld [tilespmem:s17+$0xFFFFFFD0];
	[tilespmem:s16+$0xD0] =	vst v59  }
0x219: {  	v16 =	vld [tilespmem:s14+$0x160]  }
0x21a: {  	v5 =	vmul.f32 v6, v5;
	v63 =	vadd.s32 v19, v17;
	v19 =	vld [tilespmem:s14+$0x1E0]  }
0x21b: {  	v21 =	vld.idx.msk [tilespmem:v23+s7+$0x0], $0xffff  }
0x21c: {  	[tilespmem:s13+$0xF0] =	vst v5;
	v5 =	vshll.u32 v62, $0x4;
	v20 =	vld.idx.msk [tilespmem:v8+s7+$0x0], $0xffff  }
0x21d: {  	v18 =	vadd.s32 v28, v5;
	v5 =	vld.idx.msk [tilespmem:v25+s22+$0x0], $0xffff  }
0x21e: {  	v17 =	vld.idx.msk [tilespmem:v22+s22+$0x0], $0xffff;
	v22 =	vshll.u32 v27, $0x4  }
0x21f: {  	s26 =	simm.s32 $0x19200;
	[tilespmem:s11+$0xF0] =	vst v4;
	s20 =	simm.s32 $0x4;
	s19 =	simm.s32 $0x19B00;
	v6 =	vld.idx.msk [tilespmem:v63+s22+$0x0], $0xffff;
	v4 =	vadd.s32 v29, v22  }
.LBB2_4:
0x220: {  	v22 =	vld [tilespmem:s26+$0x100]  }
0x221: {  	v20 =	vshll.u32 v20, $0x4;
	v23 =	vld.idx.msk [tilespmem:v16+s7+$0x0], $0xffff  }
0x222: {  	v20 =	vadd.s32 v21, v20;
	v19 =	vld.idx.msk [tilespmem:v19+s7+$0x0], $0xffff  }
0x223: {  	v10 =	vmul.f32 v10, v17;
	v21 =	vld [tilespmem:s26+$0x180]  }
0x224: {  	v6 =	vmul.f32 v11, v6;
	v17 =	vld [tilespmem:s26+$0xFFFFFF00]  }
0x225: {  	v5 =	vmul.f32 v9, v5;
	v11 =	vld [tilespmem:s26+$0x0];
	[tilespmem:s13+$0xFFFFFF70] =	vst v10  }
0x226: {  	v9 =	vld [tilespmem:s26+$0xFFFFFE00];
	[tilespmem:s11+$0xFFFFFF70] =	vst v1  }
0x227: {  	v10 =	vshll.u32 v23, $0x4;
	v1 =	vld [tilespmem:s26+$0xFFFFFE80];
	[tilespmem:s13+$0xFFFFFFF0] =	vst v6  }
0x228: {  	v10 =	vadd.s32 v19, v10;
	v6 =	vld [tilespmem:s26+$0xFFFFFF80];
	[tilespmem:s11+$0xFFFFFFF0] =	vst v3  }
0x229: {  	v3 =	vld [tilespmem:s26+$0x80];
	[tilespmem:s13+$0x70] =	vst v5;
	s13 =	smov.u32 s15  }
0x22a: {  	v5 =	vld.idx.msk [tilespmem:v22+s7+$0x0], $0xffff;
	[tilespmem:s11+$0x70] =	vst v2;
	s11 =	smov.u32 s16  }
0x22b: {  	v2 =	vld.idx.msk [tilespmem:v21+s7+$0x0], $0xffff  }
0x22c: {  	v19 =	vld.idx.msk [tilespmem:v17+s7+$0x0], $0xffff  }
0x22d: {  	s20 =	sadd.s32 $0x4, s20;
	v10 =	vld.idx.msk [tilespmem:v10+s22+$0x0], $0xffff  }
0x22e: {  	p0 =	slt.u32 s20, $0xC;
	v21 =	vld [tilespmem:s17+$0xE0]  }
0x22f: {  	v23 =	vld.idx.msk [tilespmem:v9+s7+$0x0], $0xffff  }
0x230: {  	v5 =	vshll.u32 v5, $0x4;
	v24 =	vld.idx.msk [tilespmem:v11+s7+$0x0], $0xffff  }
0x231: {  	v2 =	vadd.s32 v2, v5;
	v1 =	vld.idx.msk [tilespmem:v1+s7+$0x0], $0xffff  }
0x232: {  	v5 =	vld.idx.msk [tilespmem:v6+s7+$0x0], $0xffff;
	v6 =	vshll.u32 v19, $0x4  }
0x233: {  	v3 =	vld.idx.msk [tilespmem:v3+s7+$0x0], $0xffff;
	v10 =	vmul.f32 v21, v10  }
0x234: {  	s17 =	sadd.s32 $0x200, s17;
	v18 =	vld.idx.msk [tilespmem:v18+s22+$0x0], $0xffff  }
0x235: {  	v19 =	vshll.u32 v23, $0x4;
	v21 =	vld [tilespmem:s17+$0x80];
	[tilespmem:s15+$0xE0] =	vst v10  }
0x236: {  	v10 =	vshll.u32 v24, $0x4;
	v2 =	vld.idx.msk [tilespmem:v2+s22+$0x0], $0xffff;
	[tilespmem:s16+$0xE0] =	vst v16  }
0x237: {  	v1 =	vadd.s32 v1, v19;
	v16 =	vld [tilespmem:s14+$0x170]  }
0x238: {  	v5 =	vadd.s32 v5, v6;
	v6 =	vld [tilespmem:s14+$0x1F0]  }
0x239: {  	v3 =	vadd.s32 v3, v10;
	v19 =	vld [tilespmem:s17+$0xFFFFFF00]  }
0x23a: {  	v15 =	vmul.f32 v15, v18;
	v10 =	vld [tilespmem:s17+$0xFFFFFF80]  }
0x23b: {  	v18 =	vld [tilespmem:s17+$0x0]  }
0x23c: {  	v1 =	vld.idx.msk [tilespmem:v1+s22+$0x0], $0xffff;
	[tilespmem:s15+$0xFFFFFF50] =	vst v15  }
0x23d: {  	v2 =	vmul.f32 v21, v2;
	v5 =	vld.idx.msk [tilespmem:v5+s22+$0x0], $0xffff;
	[tilespmem:s16+$0xFFFFFF50] =	vst v12  }
0x23e: {  	s15 =	sadd.s32 $0x200, s15;
	v3 =	vld.idx.msk [tilespmem:v3+s22+$0x0], $0xffff  }
0x23f: {  	s16 =	sadd.s32 $0x200, s16;
	[tilespmem:s15+$0x80] =	vst v2;
	v2 =	vld.idx.msk [tilespmem:v16+s7+$0x0], $0xffff  }
0x240: {  	[tilespmem:s16+$0x80] =	vst v22;
	v6 =	vld.idx.msk [tilespmem:v6+s7+$0x0], $0xffff  }
0x241: {  	v12 =	vld [tilespmem:s26+$0x190]  }
0x242: {  	v1 =	vmul.f32 v19, v1;
	v15 =	vld [tilespmem:s26+$0x110]  }
0x243: {  	v5 =	vmul.f32 v10, v5;
	v4 =	vld.idx.msk [tilespmem:v4+s22+$0x0], $0xffff  }
0x244: {  	v3 =	vmul.f32 v18, v3;
	[tilespmem:s15+$0xFFFFFF00] =	vst v1;
	v10 =	vld.idx.msk [tilespmem:v20+s22+$0x0], $0xffff  }
0x245: {  	v2 =	vshll.u32 v2, $0x4;
	[tilespmem:s16+$0xFFFFFF00] =	vst v9;
	v1 =	vld [tilespmem:s14+$0xFFFFFE60]  }
0x246: {  	v2 =	vadd.s32 v6, v2;
	v9 =	vld [tilespmem:s26+$0xFFFFFE10];
	[tilespmem:s15+$0xFFFFFF80] =	vst v5  }
0x247: {  	v5 =	vld [tilespmem:s26+$0xFFFFFE90];
	[tilespmem:s16+$0xFFFFFF80] =	vst v17  }
0x248: {  	v6 =	vld [tilespmem:s26+$0xFFFFFF10];
	[tilespmem:s15+$0x0] =	vst v3  }
0x249: {  	v4 =	vmul.f32 v14, v4;
	[tilespmem:s16+$0x0] =	vst v11;
	v3 =	vld.idx.msk [tilespmem:v12+s7+$0x0], $0xffff  }
0x24a: {  	v10 =	vmul.f32 v13, v10;
	v11 =	vld.idx.msk [tilespmem:v15+s7+$0x0], $0xffff  }
0x24b: {  	[tilespmem:s13+$0xFFFFFFD0] =	vst v4;
	v2 =	vld.idx.msk [tilespmem:v2+s22+$0x0], $0xffff  }
0x24c: {  	[tilespmem:s11+$0xFFFFFFD0] =	vst v7;
	v4 =	vld [tilespmem:s19+$0xF0]  }
0x24d: {  	v7 =	vld [tilespmem:s26+$0x10];
	[tilespmem:s13+$0x50] =	vst v10  }
0x24e: {  	v10 =	vld [tilespmem:s26+$0xFFFFFF90];
	[tilespmem:s11+$0x50] =	vst v8  }
0x24f: {  	v8 =	vld [tilespmem:s26+$0x90]  }
0x250: {  	v12 =	vld.idx.msk [tilespmem:v9+s7+$0x0], $0xffff  }
0x251: {  	v11 =	vshll.u32 v11, $0x4;
	v13 =	vld.idx.msk [tilespmem:v6+s7+$0x0], $0xffff;
	v2 =	vmul.f32 v4, v2  }
0x252: {  	v3 =	vadd.s32 v3, v11;
	v4 =	vld.idx.msk [tilespmem:v5+s7+$0x0], $0xffff  }
0x253: {  	v5 =	vld [tilespmem:s17+$0xFFFFFF10];
	[tilespmem:s13+$0xF0] =	vst v2  }
0x254: {  	v11 =	vld [tilespmem:s17+$0xFFFFFF90];
	[tilespmem:s11+$0xF0] =	vst v16  }
0x255: {  	v2 =	vld.idx.msk [tilespmem:v7+s7+$0x0], $0xffff  }
0x256: {  	v12 =	vshll.u32 v12, $0x4;
	v10 =	vld.idx.msk [tilespmem:v10+s7+$0x0], $0xffff  }
0x257: {  	v13 =	vshll.u32 v13, $0x4;
	v14 =	vld.idx.msk [tilespmem:v3+s22+$0x0], $0xffff  }
0x258: {  	v4 =	vadd.s32 v4, v12;
	v12 =	vld [tilespmem:s17+$0x90]  }
0x259: {  	v8 =	vld.idx.msk [tilespmem:v8+s7+$0x0], $0xffff  }
0x25a: {  	v16 =	vld [tilespmem:s17+$0x10]  }
0x25b: {  	v17 =	vshll.u32 v2, $0x4;
	v3 =	vld [tilespmem:s14+$0xFFFFFF60]  }
0x25c: {  	v10 =	vadd.s32 v10, v13;
	v2 =	vld [tilespmem:s14+$0x60]  }
0x25d: {  	v4 =	vld.idx.msk [tilespmem:v4+s22+$0x0], $0xffff;
	v12 =	vmul.f32 v12, v14  }
0x25e: {  	v13 =	vld [tilespmem:s14+$0xFFFFFEE0]  }
0x25f: {  	v8 =	vadd.s32 v8, v17;
	[tilespmem:s15+$0x90] =	vst v12;
	v12 =	vld [tilespmem:s14+$0xFFFFFFE0]  }
0x260: {  	[tilespmem:s16+$0x90] =	vst v15;
	v14 =	vld [tilespmem:s14+$0xE0]  }
0x261: {  	v15 =	vld [tilespmem:s26+$0x120]  }
0x262: {  	v17 =	vld [tilespmem:s26+$0x1A0]  }
0x263: {  	v4 =	vmul.f32 v5, v4;
	v5 =	vld.idx.msk [tilespmem:v10+s22+$0x0], $0xffff  }
0x264: {  	v8 =	vld.idx.msk [tilespmem:v8+s22+$0x0], $0xffff  }
0x265: {  	[tilespmem:s15+$0xFFFFFF10] =	vst v4;
	v4 =	vld.idx.msk [tilespmem:v1+s7+$0x0], $0xffff  }
0x266: {  	[tilespmem:s16+$0xFFFFFF10] =	vst v9;
	v9 =	vld.idx.msk [tilespmem:v3+s7+$0x0], $0xffff  }
0x267: {  	v10 =	vld [tilespmem:s26+$0xFFFFFE20]  }
0x268: {  	v18 =	vld [tilespmem:s26+$0xFFFFFEA0]  }
0x269: {  	v5 =	vmul.f32 v11, v5;
	v11 =	vld.idx.msk [tilespmem:v15+s7+$0x0], $0xffff  }
0x26a: {  	v8 =	vmul.f32 v16, v8;
	v16 =	vld.idx.msk [tilespmem:v17+s7+$0x0], $0xffff  }
0x26b: {  	v4 =	vshll.u32 v4, $0x4;
	v17 =	vld [tilespmem:s17+$0xFFFFFF20];
	[tilespmem:s15+$0xFFFFFF90] =	vst v5  }
0x26c: {  	v5 =	vshll.u32 v9, $0x4;
	[tilespmem:s16+$0xFFFFFF90] =	vst v6;
	v6 =	vld.idx.msk [tilespmem:v2+s7+$0x0], $0xffff  }
0x26d: {  	v9 =	vld [tilespmem:s26+$0xFFFFFF20];
	[tilespmem:s15+$0x10] =	vst v8  }
0x26e: {  	v8 =	vld [tilespmem:s26+$0xFFFFFFA0];
	[tilespmem:s16+$0x10] =	vst v7  }
0x26f: {  	v11 =	vshll.u32 v11, $0x4;
	v7 =	vld [tilespmem:s26+$0x20]  }
0x270: {  	v11 =	vadd.s32 v16, v11;
	v19 =	vld [tilespmem:s26+$0xA0]  }
0x271: {  	v16 =	vld.idx.msk [tilespmem:v10+s7+$0x0], $0xffff  }
0x272: {  	v6 =	vshll.u32 v6, $0x4;
	v18 =	vld.idx.msk [tilespmem:v18+s7+$0x0], $0xffff  }
0x273: {  	v20 =	vld [tilespmem:s17+$0xFFFFFFA0]  }
0x274: {  	v21 =	vld [tilespmem:s17+$0x20]  }
0x275: {  	v11 =	vld.idx.msk [tilespmem:v11+s22+$0x0], $0xffff  }
0x276: {  	v22 =	vld [tilespmem:s17+$0xA0]  }
0x277: {  	v16 =	vshll.u32 v16, $0x4;
	v23 =	vld.idx.msk [tilespmem:v9+s7+$0x0], $0xffff  }
0x278: {  	v16 =	vadd.s32 v18, v16;
	v18 =	vld.idx.msk [tilespmem:v7+s7+$0x0], $0xffff  }
0x279: {  	v8 =	vld.idx.msk [tilespmem:v8+s7+$0x0], $0xffff  }
0x27a: {  	v19 =	vld.idx.msk [tilespmem:v19+s7+$0x0], $0xffff  }
0x27b: {  	v11 =	vmul.f32 v22, v11;
	v13 =	vld.idx.msk [tilespmem:v13+s7+$0x0], $0xffff  }
0x27c: {  	v12 =	vld.idx.msk [tilespmem:v12+s7+$0x0], $0xffff  }
0x27d: {  	v22 =	vshll.u32 v23, $0x4;
	v16 =	vld.idx.msk [tilespmem:v16+s22+$0x0], $0xffff;
	[tilespmem:s15+$0xA0] =	vst v11  }
0x27e: {  	v11 =	vshll.u32 v18, $0x4;
	[tilespmem:s16+$0xA0] =	vst v15;
	v14 =	vld.idx.msk [tilespmem:v14+s7+$0x0], $0xffff  }
0x27f: {  	v8 =	vadd.s32 v8, v22;
	v15 =	vld [tilespmem:s26+$0x130]  }
0x280: {  	v11 =	vadd.s32 v19, v11;
	v18 =	vld [tilespmem:s26+$0x1B0]  }
0x281: {  	v4 =	vadd.s32 v13, v4;
	v13 =	vld [tilespmem:s19+$0xFFFFFF60]  }
0x282: {  	v5 =	vadd.s32 v12, v5;
	v12 =	vld [tilespmem:s19+$0xFFFFFFE0]  }
0x283: {  	v16 =	vmul.f32 v17, v16;
	v17 =	vld [tilespmem:s19+$0x60]  }
0x284: {  	v6 =	vadd.s32 v14, v6;
	v8 =	vld.idx.msk [tilespmem:v8+s22+$0x0], $0xffff  }
0x285: {  	[tilespmem:s15+$0xFFFFFF20] =	vst v16;
	v11 =	vld.idx.msk [tilespmem:v11+s22+$0x0], $0xffff  }
0x286: {  	[tilespmem:s16+$0xFFFFFF20] =	vst v10;
	v4 =	vld.idx.msk [tilespmem:v4+s22+$0x0], $0xffff  }
0x287: {  	v10 =	vld.idx.msk [tilespmem:v15+s7+$0x0], $0xffff  }
0x288: {  	v14 =	vld.idx.msk [tilespmem:v18+s7+$0x0], $0xffff  }
0x289: {  	v16 =	vld [tilespmem:s26+$0xFFFFFE30]  }
0x28a: {  	v8 =	vmul.f32 v20, v8;
	v18 =	vld [tilespmem:s26+$0xFFFFFEB0]  }
0x28b: {  	v11 =	vmul.f32 v21, v11;
	v19 =	vld [tilespmem:s17+$0xFFFFFF30]  }
0x28c: {  	v4 =	vmul.f32 v13, v4;
	[tilespmem:s15+$0xFFFFFFA0] =	vst v8;
	v5 =	vld.idx.msk [tilespmem:v5+s22+$0x0], $0xffff  }
0x28d: {  	v8 =	vshll.u32 v10, $0x4;
	[tilespmem:s16+$0xFFFFFFA0] =	vst v9;
	v6 =	vld.idx.msk [tilespmem:v6+s22+$0x0], $0xffff  }
0x28e: {  	v8 =	vadd.s32 v14, v8;
	v9 =	vld [tilespmem:s26+$0xFFFFFF30];
	[tilespmem:s15+$0x20] =	vst v11  }
0x28f: {  	v10 =	vld [tilespmem:s26+$0xFFFFFFB0];
	[tilespmem:s16+$0x20] =	vst v7  }
0x290: {  	v7 =	vld [tilespmem:s26+$0x30];
	[tilespmem:s13+$0xFFFFFF60] =	vst v4  }
0x291: {  	v4 =	vld [tilespmem:s26+$0xB0];
	[tilespmem:s11+$0xFFFFFF60] =	vst v1  }
0x292: {  	v5 =	vmul.f32 v12, v5;
	v1 =	vld.idx.msk [tilespmem:v16+s7+$0x0], $0xffff  }
0x293: {  	v6 =	vmul.f32 v17, v6;
	v8 =	vld.idx.msk [tilespmem:v8+s22+$0x0], $0xffff  }
0x294: {  	v11 =	vld [tilespmem:s17+$0xB0];
	[tilespmem:s13+$0xFFFFFFE0] =	vst v5  }
0x295: {  	v5 =	vld.idx.msk [tilespmem:v18+s7+$0x0], $0xffff;
	[tilespmem:s11+$0xFFFFFFE0] =	vst v3  }
0x296: {  	v3 =	vld.idx.msk [tilespmem:v9+s7+$0x0], $0xffff;
	[tilespmem:s13+$0x60] =	vst v6  }
0x297: {  	v6 =	vld.idx.msk [tilespmem:v10+s7+$0x0], $0xffff;
	[tilespmem:s11+$0x60] =	vst v2  }
0x298: {  	v1 =	vshll.u32 v1, $0x4;
	v2 =	vld.idx.msk [tilespmem:v7+s7+$0x0], $0xffff  }
0x299: {  	v4 =	vld.idx.msk [tilespmem:v4+s7+$0x0], $0xffff;
	v8 =	vmul.f32 v11, v8  }
0x29a: {  	v10 =	vld [tilespmem:s17+$0xFFFFFFB0]  }
0x29b: {  	v5 =	vadd.s32 v5, v1;
	v11 =	vld [tilespmem:s17+$0x30];
	[tilespmem:s15+$0xB0] =	vst v8  }
0x29c: {  	v3 =	vshll.u32 v3, $0x4;
	[tilespmem:s16+$0xB0] =	vst v15;
	v1 =	vld [tilespmem:s14+$0xFFFFFE70]  }
0x29d: {  	v6 =	vadd.s32 v6, v3;
	v8 =	vld [tilespmem:s26+$0x140]  }
0x29e: {  	v2 =	vshll.u32 v2, $0x4;
	v12 =	vld [tilespmem:s26+$0x1C0]  }
0x29f: {  	v4 =	vadd.s32 v4, v2;
	v3 =	vld [tilespmem:s14+$0xFFFFFF70]  }
0x2a0: {  	v5 =	vld.idx.msk [tilespmem:v5+s22+$0x0], $0xffff  }
0x2a1: {  	v2 =	vld [tilespmem:s14+$0x70]  }
0x2a2: {  	v6 =	vld.idx.msk [tilespmem:v6+s22+$0x0], $0xffff  }
0x2a3: {  	v13 =	vld [tilespmem:s14+$0xFFFFFEF0]  }
0x2a4: {  	v4 =	vld.idx.msk [tilespmem:v4+s22+$0x0], $0xffff  }
0x2a5: {  	v14 =	vld.idx.msk [tilespmem:v8+s7+$0x0], $0xffff  }
0x2a6: {  	v5 =	vmul.f32 v19, v5;
	v12 =	vld.idx.msk [tilespmem:v12+s7+$0x0], $0xffff  }
0x2a7: {  	v15 =	vld [tilespmem:s14+$0xFFFFFFF0]  }
0x2a8: {  	[tilespmem:s15+$0xFFFFFF30] =	vst v5;
	v5 =	vmul.f32 v10, v6;
	v6 =	vld [tilespmem:s14+$0xF0];
	s14 =	smov.u32 s26  }
0x2a9: {  	[tilespmem:s16+$0xFFFFFF30] =	vst v16;
	v10 =	vld.idx.msk [tilespmem:v1+s7+$0x0], $0xffff  }
0x2aa: {  	v4 =	vmul.f32 v11, v4;
	v16 =	vld [tilespmem:s26+$0xFFFFFE40];
	[tilespmem:s15+$0xFFFFFFB0] =	vst v5  }
0x2ab: {  	v5 =	vld [tilespmem:s26+$0xFFFFFEC0];
	[tilespmem:s16+$0xFFFFFFB0] =	vst v9;
	v9 =	vshll.u32 v14, $0x4  }
0x2ac: {  	v14 =	vld [tilespmem:s26+$0xFFFFFF40];
	[tilespmem:s15+$0x30] =	vst v4;
	v4 =	vadd.s32 v12, v9  }
0x2ad: {  	v9 =	vld [tilespmem:s26+$0xFFFFFFC0];
	[tilespmem:s16+$0x30] =	vst v7  }
0x2ae: {  	v17 =	vld [tilespmem:s26+$0x40]  }
0x2af: {  	v10 =	vshll.u32 v10, $0x4;
	v7 =	vld [tilespmem:s26+$0xC0]  }
0x2b0: {  	v11 =	vld [tilespmem:s17+$0xFFFFFF40]  }
0x2b1: {  	v4 =	vld.idx.msk [tilespmem:v4+s22+$0x0], $0xffff  }
0x2b2: {  	v12 =	vld [tilespmem:s17+$0xC0]  }
0x2b3: {  	v18 =	vld.idx.msk [tilespmem:v16+s7+$0x0], $0xffff  }
0x2b4: {  	v19 =	vld.idx.msk [tilespmem:v14+s7+$0x0], $0xffff  }
0x2b5: {  	v5 =	vld.idx.msk [tilespmem:v5+s7+$0x0], $0xffff  }
0x2b6: {  	v20 =	vld.idx.msk [tilespmem:v17+s7+$0x0], $0xffff  }
0x2b7: {  	v9 =	vld.idx.msk [tilespmem:v9+s7+$0x0], $0xffff;
	v4 =	vmul.f32 v12, v4  }
0x2b8: {  	v7 =	vld.idx.msk [tilespmem:v7+s7+$0x0], $0xffff  }
0x2b9: {  	v12 =	vshll.u32 v18, $0x4;
	v18 =	vld [tilespmem:s17+$0xFFFFFFC0];
	[tilespmem:s15+$0xC0] =	vst v4  }
0x2ba: {  	v4 =	vshll.u32 v19, $0x4;
	v19 =	vld [tilespmem:s17+$0x40];
	[tilespmem:s16+$0xC0] =	vst v8  }
0x2bb: {  	v5 =	vadd.s32 v5, v12;
	v21 =	vld [tilespmem:s26+$0x150]  }
0x2bc: {  	v8 =	vshll.u32 v20, $0x4;
	v12 =	vld [tilespmem:s26+$0x1D0]  }
0x2bd: {  	v4 =	vadd.s32 v9, v4;
	v9 =	vld.idx.msk [tilespmem:v3+s7+$0x0], $0xffff  }
0x2be: {  	v7 =	vadd.s32 v7, v8;
	v8 =	vld.idx.msk [tilespmem:v2+s7+$0x0], $0xffff  }
0x2bf: {  	v13 =	vld.idx.msk [tilespmem:v13+s7+$0x0], $0xffff  }
0x2c0: {  	v5 =	vld.idx.msk [tilespmem:v5+s22+$0x0], $0xffff  }
0x2c1: {  	v15 =	vld.idx.msk [tilespmem:v15+s7+$0x0], $0xffff  }
0x2c2: {  	v4 =	vld.idx.msk [tilespmem:v4+s22+$0x0], $0xffff  }
0x2c3: {  	v9 =	vshll.u32 v9, $0x4;
	v20 =	vld.idx.msk [tilespmem:v21+s7+$0x0], $0xffff  }
0x2c4: {  	v8 =	vshll.u32 v8, $0x4;
	v22 =	vld.idx.msk [tilespmem:v12+s7+$0x0], $0xffff  }
0x2c5: {  	v23 =	vadd.s32 v13, v10;
	v7 =	vld.idx.msk [tilespmem:v7+s22+$0x0], $0xffff  }
0x2c6: {  	v5 =	vmul.f32 v11, v5;
	v6 =	vld.idx.msk [tilespmem:v6+s7+$0x0], $0xffff  }
0x2c7: {  	v24 =	vadd.s32 v15, v9;
	v10 =	vld [tilespmem:s19+$0xFFFFFF70]  }
0x2c8: {  	v4 =	vmul.f32 v18, v4;
	[tilespmem:s15+$0xFFFFFF40] =	vst v5;
	v11 =	vld [tilespmem:s19+$0xFFFFFFF0]  }
0x2c9: {  	v5 =	vshll.u32 v20, $0x4;
	[tilespmem:s16+$0xFFFFFF40] =	vst v16;
	v9 =	vld [tilespmem:s19+$0x70];
	s19 =	smov.u32 s17  }
0x2ca: {  	v12 =	vld [tilespmem:s26+$0xFFFFFE50];
	[tilespmem:s15+$0xFFFFFFC0] =	vst v4;
	v4 =	vadd.s32 v22, v5  }
0x2cb: {  	v13 =	vmul.f32 v19, v7;
	v5 =	vld [tilespmem:s26+$0xFFFFFED0];
	[tilespmem:s16+$0xFFFFFFC0] =	vst v14  }
0x2cc: {  	v22 =	vadd.s32 v6, v8;
	v7 =	vld [tilespmem:s26+$0xFFFFFF50]  }
0x2cd: {  	v6 =	vld [tilespmem:s26+$0xFFFFFFD0];
	[tilespmem:s15+$0x40] =	vst v13  }
0x2ce: {  	v15 =	vld [tilespmem:s17+$0xFFFFFF50];
	[tilespmem:s16+$0x40] =	vst v17  }
0x2cf: {  	v4 =	vld.idx.msk [tilespmem:v4+s22+$0x0], $0xffff  }
0x2d0: {  	v13 =	vld [tilespmem:s17+$0xD0]  }
0x2d1: {  	v8 =	vld [tilespmem:s26+$0x50]  }
0x2d2: {  	v17 =	vld [tilespmem:s26+$0xD0]  }
0x2d3: {  	v16 =	vld.idx.msk [tilespmem:v12+s7+$0x0], $0xffff  }
0x2d4: {  	v18 =	vld.idx.msk [tilespmem:v7+s7+$0x0], $0xffff  }
0x2d5: {  	v5 =	vld.idx.msk [tilespmem:v5+s7+$0x0], $0xffff;
	v4 =	vmul.f32 v13, v4  }
0x2d6: {  	v6 =	vld.idx.msk [tilespmem:v6+s7+$0x0], $0xffff  }
0x2d7: {  	v14 =	vld [tilespmem:s17+$0xFFFFFFD0];
	[tilespmem:s15+$0xD0] =	vst v4  }
0x2d8: {  	v13 =	vld [tilespmem:s17+$0x50];
	[tilespmem:s16+$0xD0] =	vst v21  }
0x2d9: {  	v4 =	vshll.u32 v16, $0x4;
	v16 =	vld [tilespmem:s26+$0x160]  }
0x2da: {  	v21 =	vshll.u32 v18, $0x4;
	v19 =	vld [tilespmem:s26+$0x1E0]  }
.Ltmp5:
0x2db: {  	v18 =	vadd.s32 v5, v4;
	v20 =	vld.idx.msk [tilespmem:v8+s7+$0x0], $0xffff;
	(pc) =	sbr.rel @p0 .LBB2_4-.Ltmp5, $4  }
0x2dc: {  	v4 =	vadd.s32 v6, v21;
	v21 =	vld.idx.msk [tilespmem:v17+s7+$0x0], $0xffff  }
0x2dd: {  	v17 =	vld.idx.msk [tilespmem:v23+s22+$0x0], $0xffff  }
0x2de: {  	v6 =	vld.idx.msk [tilespmem:v24+s22+$0x0], $0xffff  }
0x2df: {  	s26 =	sadd.s32 $0x400, s26;
	v5 =	vld.idx.msk [tilespmem:v22+s22+$0x0], $0xffff  }
0x2e0: {  	_ =	sdelay $0x2  }
0x2e1: {  	v20 =	vshll.u32 v20, $0x4  }
0x2e2: {  	v18 =	vld.idx.msk [tilespmem:v18+s22+$0x0], $0xffff;
	v20 =	vadd.s32 v21, v20;
	_ =	sdelay $0x1  }
0x2e3: {  	v4 =	vld.idx.msk [tilespmem:v4+s22+$0x0], $0xffff;
	_ =	sdelay $0x1  }
0x2e4: {  	v26 =	vld.idx.msk [tilespmem:v16+s7+$0x0], $0xffff  }
0x2e5: {  	v15 =	vmul.f32 v15, v18;
	v20 =	vld.idx.msk [tilespmem:v20+s22+$0x0], $0xffff  }
0x2e6: {  	v19 =	vld.idx.msk [tilespmem:v19+s7+$0x0], $0xffff  }
0x2e7: {  	v4 =	vmul.f32 v14, v4;
	[tilespmem:s15+$0xFFFFFF50] =	vst v15  }
0x2e8: {  	[tilespmem:s16+$0xFFFFFF50] =	vst v12  }
0x2e9: {  	[tilespmem:s15+$0xFFFFFFD0] =	vst v4;
	v28 =	vld [tilespmem:s14+$0xFFFFFE60]  }
0x2ea: {  	v27 =	vshll.u32 v26, $0x4;
	[tilespmem:s16+$0xFFFFFFD0] =	vst v7;
	v30 =	vld [tilespmem:s14+$0xFFFFFEE0];
	v13 =	vmul.f32 v13, v20  }
0x2eb: {  	v29 =	vadd.s32 v19, v27;
	v31 =	vld [tilespmem:s14+$0xFFFFFF60]  }
0x2ec: {  	v32 =	vld [tilespmem:s14+$0xFFFFFFE0];
	[tilespmem:s15+$0x50] =	vst v13  }
0x2ed: {  	v34 =	vld [tilespmem:s17+$0xE0];
	[tilespmem:s16+$0x50] =	vst v8  }
0x2ee: {  	v13 =	vld [tilespmem:s14+$0x60]  }
0x2ef: {  	v33 =	vld [tilespmem:s14+$0xE0]  }
0x2f0: {  	v4 =	vld.idx.msk [tilespmem:v29+s22+$0x0], $0xffff  }
0x2f1: {  	v35 =	vld.idx.msk [tilespmem:v28+s7+$0x0], $0xffff  }
0x2f2: {  	v7 =	vld.idx.msk [tilespmem:v30+s7+$0x0], $0xffff  }
0x2f3: {  	v36 =	vld.idx.msk [tilespmem:v31+s7+$0x0], $0xffff  }
0x2f4: {  	v8 =	vld.idx.msk [tilespmem:v32+s7+$0x0], $0xffff;
	_ =	sdelay $0x1  }
0x2f5: {  	v38 =	vshll.u32 v35, $0x4;
	v37 =	vld.idx.msk [tilespmem:v13+s7+$0x0], $0xffff  }
0x2f6: {  	v4 =	vmul.f32 v34, v4;
	v15 =	vld.idx.msk [tilespmem:v33+s7+$0x0], $0xffff;
	v7 =	vadd.s32 v7, v38  }
0x2f7: {  	v39 =	vshll.u32 v36, $0x4  }
0x2f8: {  	[tilespmem:s15+$0xE0] =	vst v4;
	v4 =	vadd.s32 v8, v39;
	_ =	sdelay $0x1  }
0x2f9: {  	v42 =	vld [tilespmem:s19+$0xFFFFFF60];
	v41 =	vshll.u32 v37, $0x4  }
0x2fa: {  	v7 =	vld.idx.msk [tilespmem:v7+s22+$0x0], $0xffff;
	v15 =	vadd.s32 v15, v41  }
0x2fb: {  	v43 =	vld [tilespmem:s19+$0xFFFFFFE0]  }
0x2fc: {  	v4 =	vld.idx.msk [tilespmem:v4+s22+$0x0], $0xffff  }
0x2fd: {  	v44 =	vld [tilespmem:s19+$0x60];
	[tilespmem:s16+$0xE0] =	vst v16  }
0x2fe: {  	v40 =	vld [tilespmem:s14+$0x170]  }
0x2ff: {  	v7 =	vmul.f32 v42, v7;
	v15 =	vld.idx.msk [tilespmem:v15+s22+$0x0], $0xffff;
	_ =	sdelay $0x1  }
0x300: {  	v4 =	vmul.f32 v43, v4;
	[tilespmem:s15+$0xFFFFFF60] =	vst v7  }
0x301: {  	v45 =	vld [tilespmem:s14+$0x1F0];
	[tilespmem:s16+$0xFFFFFF60] =	vst v28  }
0x302: {  	[tilespmem:s15+$0xFFFFFFE0] =	vst v4;
	v48 =	vld [tilespmem:s14+$0xFFFFFE70]  }
0x303: {  	[tilespmem:s16+$0xFFFFFFE0] =	vst v31;
	v49 =	vld [tilespmem:s14+$0xFFFFFEF0];
	v47 =	vmul.f32 v44, v15  }
0x304: {  	v50 =	vld [tilespmem:s14+$0xFFFFFF70]  }
0x305: {  	v51 =	vld [tilespmem:s14+$0xFFFFFFF0];
	[tilespmem:s15+$0x60] =	vst v47  }
0x306: {  	v46 =	vld.idx.msk [tilespmem:v40+s7+$0x0], $0xffff;
	[tilespmem:s16+$0x60] =	vst v13  }
0x307: {  	v52 =	vld [tilespmem:s14+$0x70]  }
0x308: {  	v53 =	vld [tilespmem:s14+$0xF0]  }
0x309: {  	v18 =	vld.idx.msk [tilespmem:v45+s7+$0x0], $0xffff  }
0x30a: {  	v54 =	vld.idx.msk [tilespmem:v48+s7+$0x0], $0xffff  }
0x30b: {  	v12 =	vld.idx.msk [tilespmem:v49+s7+$0x0], $0xffff  }
0x30c: {  	v55 =	vld.idx.msk [tilespmem:v50+s7+$0x0], $0xffff  }
0x30d: {  	v13 =	vld.idx.msk [tilespmem:v51+s7+$0x0], $0xffff  }
0x30e: {  	v7 =	vshll.u32 v46, $0x4  }
0x30f: {  	v7 =	vadd.s32 v18, v7;
	v56 =	vld.idx.msk [tilespmem:v52+s7+$0x0], $0xffff  }
0x310: {  	v19 =	vshll.u32 v54, $0x4;
	v16 =	vld.idx.msk [tilespmem:v53+s7+$0x0], $0xffff  }
0x311: {  	v57 =	vshll.u32 v55, $0x4;
	v12 =	vadd.s32 v12, v19  }
0x312: {  	v10 =	vmul.f32 v10, v17;
	v58 =	vld [tilespmem:s19+$0xF0];
	v13 =	vadd.s32 v13, v57  }
0x313: {  	v59 =	vld [tilespmem:s19+$0xFFFFFF70]  }
0x314: {  	v6 =	vmul.f32 v11, v6;
	[tilespmem:s13+$0xFFFFFF70] =	vst v10;
	v7 =	vld.idx.msk [tilespmem:v7+s22+$0x0], $0xffff;
	v18 =	vshll.u32 v56, $0x4  }
0x315: {  	[tilespmem:s11+$0xFFFFFF70] =	vst v1;
	v61 =	vld [tilespmem:s19+$0xFFFFFFF0];
	v60 =	vadd.s32 v16, v18  }
0x316: {  	[tilespmem:s13+$0xFFFFFFF0] =	vst v6;
	v1 =	vld.idx.msk [tilespmem:v12+s22+$0x0], $0xffff  }
0x317: {  	v5 =	vmul.f32 v9, v5;
	[tilespmem:s11+$0xFFFFFFF0] =	vst v3;
	v3 =	vld.idx.msk [tilespmem:v13+s22+$0x0], $0xffff;
	_ =	sdelay $0x1  }
0x318: {  	[tilespmem:s13+$0x70] =	vst v5;
	v63 =	vld [tilespmem:s19+$0x70];
	v62 =	vmul.f32 v58, v7  }
0x319: {  	[tilespmem:s11+$0x70] =	vst v2;
	v2 =	vld.idx.msk [tilespmem:v60+s22+$0x0], $0xffff  }
0x31a: {  	[tilespmem:s15+$0xF0] =	vst v62;
	v1 =	vmul.f32 v59, v1  }
0x31b: {  	[tilespmem:s16+$0xF0] =	vst v40;
	v3 =	vmul.f32 v61, v3  }
0x31c: {  	s11 =	sadd.s32 $0x2, s10;
	[tilespmem:s15+$0xFFFFFF70] =	vst v1  }
0x31d: {  	p0 =	sge.u32 s11, s12;
	[tilespmem:s15+$0xFFFFFFF0] =	vst v3  }
0x31e: {  	s11 =	sshll.u32 @!p0 s11, $0x5;
	[tilespmem:s16+$0xFFFFFF70] =	vst v48;
	v1 =	vmul.f32 v63, v2  }
0x31f: {  	s11 =	sor.u32 @!p0 s9, s11;
	[tilespmem:s16+$0xFFFFFFF0] =	vst v50  }
0x320: {  	s13 =	sshll.u32 @!p0 s11, $0x9;
	s11 =	sshll.u32 @!p0 s11, $0x8;
	[tilespmem:s15+$0x70] =	vst v1  }
0x321: {  	s13 =	sand.u32 @!p0 $0x1FFFBE00, s13;
	s11 =	sand.u32 @!p0 $0x1FFFDF00, s11;
	[tilespmem:s16+$0x70] =	vst v52  }
0x322: {  	[spmem:s6] =	stream.indirect.scatter.add.f32 [tilespmem:s4], [sflag:$0x3], $0x1, s31, s30, $0xb8;
	[tilespmem:$0x1F700] =	vst v63  }
0x323: {  	s13 =	sadd.s32 @!p0 s0, s13;
	s14 =	simm.s32 @!p0 $0x0;
	s15 =	simm.s32 @!p0 $0x18800  }
0x324: {  	[tilespmem:s15], [sflag:$0x1] =	stream.linear.gather @!p0 [hbm4b:s13+s14], $0x1000, $0x38;
	[tilespmem:$0x1F700] =	vst v63  }
0x325: {  	s11 =	sadd.s32 @!p0 s2, s11;
	s13 =	simm.s32 @!p0 $0x19800  }
0x326: {  	[tilespmem:s13], [sflag:$0x1] =	stream.linear.gather @!p0 [hbm4b:s11+s14], $0x800, $0x38;
	[tilespmem:$0x1F700] =	vst v63  }
.LBB2_6:
0x327: {  	p0 =	sge.u32 s10, s18  }
.Ltmp6:
0x328: {  	_ = 	snop;
	(pc) =	sbr.rel @p0 .LBB2_10-.Ltmp6, $1  }
0x329: {  	_ =	sdelay $0x3  }
0x32a: {  	_ =	swait.ge [sflag:s5], $0x1000  }
0x32b: {  	[sflag:s5] =	ssyncset.done $0x0  }
0x32c: {  	[sflag:s5] =	ssyncadd.s32 $0xFFFFF000  }
0x32d: {  	_ =	swait.ge [sflag:s5], $0x800  }
0x32e: {  	p0 =	seq.s32 s1, $0x0;
	[sflag:s5] =	ssyncset.done $0x0  }
0x32f: {  	s11 =	simm.s32 @!p0 $0x4;
	[sflag:s5] =	ssyncadd.s32 $0xFFFFF800  }
0x330: {  	_ =	swait.ge @!p0 [sflag:s11], $0x800  }
0x331: {  	[sflag:s11] =	ssyncset.done @!p0 $0x0  }
0x332: {  	s20 =	simm.s32 $0x1A200;
	[sflag:s11] =	ssyncadd.s32 @!p0 $0xFFFFF800  }
0x333: {  	v1 =	vld [tilespmem:s20+$0x100]  }
0x334: {  	v2 =	vld [tilespmem:s20+$0x180];
	_ =	sdelay $0x6  }
0x335: {  	v3 =	vld.idx.msk [tilespmem:v1+s7+$0x0], $0xffff  }
0x336: {  	v2 =	vld.idx.msk [tilespmem:v2+s7+$0x0], $0xffff;
	_ =	sdelay $0x2  }
0x337: {  	v5 =	vld [tilespmem:s20+$0xFFFFFE00]  }
0x338: {  	v6 =	vld [tilespmem:s20+$0xFFFFFE80];
	v3 =	vshll.u32 v3, $0x4  }
0x339: {  	v4 =	vld [tilespmem:s20+$0xFFFFFF00];
	v2 =	vadd.s32 v2, v3  }
0x33a: {  	v7 =	vld [tilespmem:s20+$0xFFFFFF80]  }
0x33b: {  	v3 =	vld [tilespmem:s20+$0x0]  }
0x33c: {  	s19 =	simm.s32 $0x1B100;
	v8 =	vld [tilespmem:s20+$0x80]  }
0x33d: {  	v9 =	vld [tilespmem:s19+$0x80]  }
0x33e: {  	v2 =	vld.idx.msk [tilespmem:v2+s22+$0x0], $0xffff  }
0x33f: {  	v11 =	vld.idx.msk [tilespmem:v5+s7+$0x0], $0xffff  }
0x340: {  	v6 =	vld.idx.msk [tilespmem:v6+s7+$0x0], $0xffff  }
0x341: {  	v10 =	vld.idx.msk [tilespmem:v4+s7+$0x0], $0xffff  }
0x342: {  	v7 =	vld.idx.msk [tilespmem:v7+s7+$0x0], $0xffff  }
0x343: {  	v12 =	vld.idx.msk [tilespmem:v3+s7+$0x0], $0xffff;
	v2 =	vmul.f32 v9, v2  }
0x344: {  	s13 =	simm.s32 $0x1C900;
	v8 =	vld.idx.msk [tilespmem:v8+s7+$0x0], $0xffff;
	v9 =	vshll.u32 v11, $0x4  }
0x345: {  	s11 =	simm.s32 $0x1D100;
	[tilespmem:s13+$0x80] =	vst v2;
	v2 =	vadd.s32 v6, v9  }
0x346: {  	[tilespmem:s11+$0x80] =	vst v1;
	v1 =	vshll.u32 v10, $0x4  }
0x347: {  	v6 =	vld [tilespmem:s20+$0x110];
	v1 =	vadd.s32 v7, v1  }
0x348: {  	v9 =	vshll.u32 v12, $0x4;
	v7 =	vld [tilespmem:s20+$0x190]  }
0x349: {  	v10 =	vld [tilespmem:s19+$0xFFFFFF00];
	v8 =	vadd.s32 v8, v9  }
0x34a: {  	v2 =	vld.idx.msk [tilespmem:v2+s22+$0x0], $0xffff  }
0x34b: {  	v9 =	vld [tilespmem:s19+$0xFFFFFF80]  }
0x34c: {  	v1 =	vld.idx.msk [tilespmem:v1+s22+$0x0], $0xffff  }
0x34d: {  	v11 =	vld [tilespmem:s19+$0x0]  }
0x34e: {  	v8 =	vld.idx.msk [tilespmem:v8+s22+$0x0], $0xffff  }
0x34f: {  	v12 =	vld.idx.msk [tilespmem:v6+s7+$0x0], $0xffff;
	v2 =	vmul.f32 v10, v2  }
0x350: {  	v7 =	vld.idx.msk [tilespmem:v7+s7+$0x0], $0xffff  }
0x351: {  	v1 =	vmul.f32 v9, v1;
	[tilespmem:s13+$0xFFFFFF00] =	vst v2  }
0x352: {  	[tilespmem:s11+$0xFFFFFF00] =	vst v5  }
0x353: {  	v2 =	vmul.f32 v11, v8;
	v5 =	vld [tilespmem:s20+$0xFFFFFE10];
	[tilespmem:s13+$0xFFFFFF80] =	vst v1  }
0x354: {  	v8 =	vld [tilespmem:s20+$0xFFFFFE90];
	v1 =	vshll.u32 v12, $0x4;
	[tilespmem:s11+$0xFFFFFF80] =	vst v4  }
0x355: {  	[tilespmem:s13+$0x0] =	vst v2;
	v1 =	vadd.s32 v7, v1;
	v4 =	vld [tilespmem:s20+$0xFFFFFF10]  }
0x356: {  	[tilespmem:s11+$0x0] =	vst v3;
	v2 =	vld [tilespmem:s20+$0xFFFFFF90]  }
0x357: {  	v3 =	vld [tilespmem:s20+$0x10]  }
0x358: {  	v7 =	vld [tilespmem:s20+$0x90]  }
0x359: {  	v9 =	vld [tilespmem:s19+$0x90]  }
0x35a: {  	v1 =	vld.idx.msk [tilespmem:v1+s22+$0x0], $0xffff  }
0x35b: {  	v10 =	vld.idx.msk [tilespmem:v5+s7+$0x0], $0xffff  }
0x35c: {  	v8 =	vld.idx.msk [tilespmem:v8+s7+$0x0], $0xffff  }
0x35d: {  	v11 =	vld.idx.msk [tilespmem:v4+s7+$0x0], $0xffff  }
0x35e: {  	v2 =	vld.idx.msk [tilespmem:v2+s7+$0x0], $0xffff  }
0x35f: {  	v12 =	vld.idx.msk [tilespmem:v3+s7+$0x0], $0xffff;
	v1 =	vmul.f32 v9, v1  }
0x360: {  	v7 =	vld.idx.msk [tilespmem:v7+s7+$0x0], $0xffff;
	v9 =	vshll.u32 v10, $0x4  }
0x361: {  	v8 =	vadd.s32 v8, v9;
	[tilespmem:s13+$0x90] =	vst v1  }
0x362: {  	v1 =	vshll.u32 v11, $0x4;
	[tilespmem:s11+$0x90] =	vst v6  }
0x363: {  	v1 =	vadd.s32 v2, v1;
	v2 =	vld [tilespmem:s20+$0x120]  }
0x364: {  	v6 =	vshll.u32 v12, $0x4;
	v9 =	vld [tilespmem:s20+$0x1A0]  }
0x365: {  	v10 =	vld [tilespmem:s19+$0xFFFFFF10];
	v6 =	vadd.s32 v7, v6  }
0x366: {  	v7 =	vld.idx.msk [tilespmem:v8+s22+$0x0], $0xffff  }
0x367: {  	v8 =	vld [tilespmem:s19+$0xFFFFFF90]  }
0x368: {  	v1 =	vld.idx.msk [tilespmem:v1+s22+$0x0], $0xffff  }
0x369: {  	v11 =	vld [tilespmem:s19+$0x10]  }
0x36a: {  	v6 =	vld.idx.msk [tilespmem:v6+s22+$0x0], $0xffff  }
0x36b: {  	v7 =	vmul.f32 v10, v7;
	v10 =	vld.idx.msk [tilespmem:v2+s7+$0x0], $0xffff  }
0x36c: {  	v9 =	vld.idx.msk [tilespmem:v9+s7+$0x0], $0xffff  }
0x36d: {  	[tilespmem:s13+$0xFFFFFF10] =	vst v7;
	v1 =	vmul.f32 v8, v1  }
0x36e: {  	[tilespmem:s11+$0xFFFFFF10] =	vst v5  }
0x36f: {  	v5 =	vmul.f32 v11, v6;
	[tilespmem:s13+$0xFFFFFF90] =	vst v1;
	v1 =	vld [tilespmem:s20+$0xFFFFFE20]  }
0x370: {  	v6 =	vld [tilespmem:s20+$0xFFFFFEA0];
	[tilespmem:s11+$0xFFFFFF90] =	vst v4;
	v4 =	vshll.u32 v10, $0x4  }
0x371: {  	[tilespmem:s13+$0x10] =	vst v5;
	v4 =	vadd.s32 v9, v4;
	v5 =	vld [tilespmem:s20+$0xFFFFFF20]  }
0x372: {  	v7 =	vld [tilespmem:s20+$0xFFFFFFA0]  }
0x373: {  	[tilespmem:s11+$0x10] =	vst v3;
	v9 =	vld [tilespmem:s19+$0xA0]  }
0x374: {  	v3 =	vld [tilespmem:s20+$0x20]  }
0x375: {  	v8 =	vld [tilespmem:s20+$0xA0]  }
0x376: {  	v4 =	vld.idx.msk [tilespmem:v4+s22+$0x0], $0xffff;
	_ =	sdelay $0x1  }
0x377: {  	v10 =	vld.idx.msk [tilespmem:v1+s7+$0x0], $0xffff  }
0x378: {  	v6 =	vld.idx.msk [tilespmem:v6+s7+$0x0], $0xffff  }
0x379: {  	v11 =	vld.idx.msk [tilespmem:v5+s7+$0x0], $0xffff  }
0x37a: {  	v7 =	vld.idx.msk [tilespmem:v7+s7+$0x0], $0xffff;
	v4 =	vmul.f32 v9, v4  }
0x37b: {  	v12 =	vld.idx.msk [tilespmem:v3+s7+$0x0], $0xffff  }
0x37c: {  	v8 =	vld.idx.msk [tilespmem:v8+s7+$0x0], $0xffff;
	[tilespmem:s13+$0xA0] =	vst v4;
	v4 =	vshll.u32 v10, $0x4  }
0x37d: {  	[tilespmem:s11+$0xA0] =	vst v2;
	v2 =	vadd.s32 v6, v4  }
0x37e: {  	v4 =	vshll.u32 v11, $0x4  }
0x37f: {  	v6 =	vld [tilespmem:s20+$0x130];
	v4 =	vadd.s32 v7, v4  }
0x380: {  	v9 =	vshll.u32 v12, $0x4;
	v7 =	vld [tilespmem:s20+$0x1B0]  }
0x381: {  	v10 =	vld [tilespmem:s19+$0xFFFFFF20];
	v8 =	vadd.s32 v8, v9  }
0x382: {  	v2 =	vld.idx.msk [tilespmem:v2+s22+$0x0], $0xffff  }
0x383: {  	v9 =	vld [tilespmem:s19+$0xFFFFFFA0]  }
0x384: {  	v4 =	vld.idx.msk [tilespmem:v4+s22+$0x0], $0xffff  }
0x385: {  	v11 =	vld [tilespmem:s19+$0x20]  }
0x386: {  	v8 =	vld.idx.msk [tilespmem:v8+s22+$0x0], $0xffff  }
0x387: {  	v12 =	vld.idx.msk [tilespmem:v6+s7+$0x0], $0xffff;
	v2 =	vmul.f32 v10, v2  }
0x388: {  	v7 =	vld.idx.msk [tilespmem:v7+s7+$0x0], $0xffff  }
0x389: {  	[tilespmem:s13+$0xFFFFFF20] =	vst v2;
	v2 =	vmul.f32 v9, v4  }
0x38a: {  	[tilespmem:s11+$0xFFFFFF20] =	vst v1  }
0x38b: {  	v8 =	vmul.f32 v11, v8;
	v4 =	vld [tilespmem:s20+$0xFFFFFE30];
	[tilespmem:s13+$0xFFFFFFA0] =	vst v2  }
0x38c: {  	v1 =	vshll.u32 v12, $0x4;
	v2 =	vld [tilespmem:s20+$0xFFFFFEB0];
	[tilespmem:s11+$0xFFFFFFA0] =	vst v5  }
0x38d: {  	[tilespmem:s13+$0x20] =	vst v8;
	v1 =	vadd.s32 v7, v1;
	v5 =	vld [tilespmem:s20+$0xFFFFFF30]  }
0x38e: {  	[tilespmem:s11+$0x20] =	vst v3;
	v7 =	vld [tilespmem:s20+$0xFFFFFFB0]  }
0x38f: {  	v3 =	vld [tilespmem:s20+$0x30]  }
0x390: {  	v9 =	vld [tilespmem:s20+$0xB0]  }
0x391: {  	v8 =	vld [tilespmem:s19+$0xB0]  }
0x392: {  	v1 =	vld.idx.msk [tilespmem:v1+s22+$0x0], $0xffff  }
0x393: {  	v10 =	vld.idx.msk [tilespmem:v4+s7+$0x0], $0xffff  }
0x394: {  	v2 =	vld.idx.msk [tilespmem:v2+s7+$0x0], $0xffff  }
0x395: {  	v11 =	vld.idx.msk [tilespmem:v5+s7+$0x0], $0xffff  }
0x396: {  	v7 =	vld.idx.msk [tilespmem:v7+s7+$0x0], $0xffff  }
0x397: {  	v1 =	vmul.f32 v8, v1;
	v8 =	vld.idx.msk [tilespmem:v3+s7+$0x0], $0xffff  }
0x398: {  	v9 =	vld.idx.msk [tilespmem:v9+s7+$0x0], $0xffff  }
0x399: {  	[tilespmem:s13+$0xB0] =	vst v1  }
0x39a: {  	v1 =	vshll.u32 v10, $0x4;
	[tilespmem:s11+$0xB0] =	vst v6  }
0x39b: {  	v1 =	vadd.s32 v2, v1;
	v2 =	vld [tilespmem:s20+$0x140];
	v6 =	vshll.u32 v11, $0x4  }
0x39c: {  	v10 =	vld [tilespmem:s20+$0x1C0];
	v6 =	vadd.s32 v7, v6;
	v8 =	vshll.u32 v8, $0x4  }
0x39d: {  	v8 =	vadd.s32 v9, v8  }
0x39e: {  	v11 =	vld [tilespmem:s19+$0xFFFFFFB0]  }
0x39f: {  	v7 =	vld [tilespmem:s19+$0xFFFFFF30]  }
0x3a0: {  	v1 =	vld.idx.msk [tilespmem:v1+s22+$0x0], $0xffff  }
0x3a1: {  	v6 =	vld.idx.msk [tilespmem:v6+s22+$0x0], $0xffff  }
0x3a2: {  	v8 =	vld.idx.msk [tilespmem:v8+s22+$0x0], $0xffff  }
0x3a3: {  	v9 =	vld.idx.msk [tilespmem:v2+s7+$0x0], $0xffff  }
0x3a4: {  	v10 =	vld.idx.msk [tilespmem:v10+s7+$0x0], $0xffff  }
0x3a5: {  	v1 =	vmul.f32 v7, v1;
	v7 =	vld [tilespmem:s19+$0x30];
	_ =	sdelay $0x1  }
0x3a6: {  	[tilespmem:s13+$0xFFFFFF30] =	vst v1;
	v1 =	vmul.f32 v11, v6  }
0x3a7: {  	[tilespmem:s11+$0xFFFFFF30] =	vst v4;
	v4 =	vshll.u32 v9, $0x4  }
0x3a8: {  	[tilespmem:s13+$0xFFFFFFB0] =	vst v1;
	v1 =	vadd.s32 v10, v4;
	v4 =	vld [tilespmem:s20+$0xFFFFFE40]  }
0x3a9: {  	[tilespmem:s11+$0xFFFFFFB0] =	vst v5;
	v6 =	vmul.f32 v7, v8;
	v7 =	vld [tilespmem:s20+$0xFFFFFEC0]  }
0x3aa: {  	v5 =	vld [tilespmem:s20+$0xFFFFFF40]  }
0x3ab: {  	v8 =	vld [tilespmem:s20+$0xFFFFFFC0];
	[tilespmem:s13+$0x30] =	vst v6  }
0x3ac: {  	[tilespmem:s11+$0x30] =	vst v3;
	v3 =	vld [tilespmem:s19+$0xC0]  }
0x3ad: {  	v1 =	vld.idx.msk [tilespmem:v1+s22+$0x0], $0xffff  }
0x3ae: {  	v6 =	vld [tilespmem:s20+$0x40]  }
0x3af: {  	v9 =	vld [tilespmem:s20+$0xC0]  }
0x3b0: {  	v10 =	vld.idx.msk [tilespmem:v4+s7+$0x0], $0xffff  }
0x3b1: {  	v7 =	vld.idx.msk [tilespmem:v7+s7+$0x0], $0xffff  }
0x3b2: {  	v11 =	vld.idx.msk [tilespmem:v5+s7+$0x0], $0xffff;
	v1 =	vmul.f32 v3, v1  }
0x3b3: {  	s14 =	simm.s32 $0x1A600;
	v3 =	vld.idx.msk [tilespmem:v8+s7+$0x0], $0xffff  }
0x3b4: {  	v16 =	vld [tilespmem:s14+$0x100];
	[tilespmem:s13+$0xC0] =	vst v1  }
0x3b5: {  	v17 =	vld [tilespmem:s14+$0x180];
	[tilespmem:s11+$0xC0] =	vst v2  }
0x3b6: {  	v1 =	vshll.u32 v10, $0x4;
	v2 =	vld [tilespmem:s20+$0x150]  }
0x3b7: {  	v8 =	vshll.u32 v11, $0x4;
	v1 =	vadd.s32 v7, v1;
	v7 =	vld [tilespmem:s20+$0x1D0]  }
0x3b8: {  	v9 =	vld.idx.msk [tilespmem:v9+s7+$0x0], $0xffff;
	v3 =	vadd.s32 v3, v8  }
0x3b9: {  	v10 =	vld [tilespmem:s19+$0xFFFFFF40]  }
0x3ba: {  	v11 =	vld [tilespmem:s19+$0xFFFFFFC0]  }
0x3bb: {  	v8 =	vld.idx.msk [tilespmem:v6+s7+$0x0], $0xffff  }
0x3bc: {  	v1 =	vld.idx.msk [tilespmem:v1+s22+$0x0], $0xffff  }
0x3bd: {  	v3 =	vld.idx.msk [tilespmem:v3+s22+$0x0], $0xffff  }
0x3be: {  	v12 =	vld.idx.msk [tilespmem:v2+s7+$0x0], $0xffff  }
0x3bf: {  	v7 =	vld.idx.msk [tilespmem:v7+s7+$0x0], $0xffff  }
0x3c0: {  	v18 =	vld [tilespmem:s14+$0xFFFFFF00]  }
0x3c1: {  	v19 =	vld [tilespmem:s14+$0x0];
	v8 =	vshll.u32 v8, $0x4  }
0x3c2: {  	v20 =	vld [tilespmem:s14+$0xFFFFFE00];
	v8 =	vadd.s32 v9, v8;
	v1 =	vmul.f32 v10, v1  }
0x3c3: {  	v21 =	vld [tilespmem:s14+$0xFFFFFE80];
	v9 =	vshll.u32 v12, $0x4  }
0x3c4: {  	s17 =	simm.s32 $0x1B300;
	v22 =	vld [tilespmem:s14+$0xFFFFFF80];
	[tilespmem:s13+$0xFFFFFF40] =	vst v1;
	v1 =	vmul.f32 v11, v3;
	v3 =	vadd.s32 v7, v9  }
0x3c5: {  	v53 =	vld [tilespmem:s17+$0x80]  }
0x3c6: {  	v10 =	vld [tilespmem:s19+$0x40]  }
0x3c7: {  	v7 =	vld.idx.msk [tilespmem:v8+s22+$0x0], $0xffff;
	[tilespmem:s13+$0xFFFFFFC0] =	vst v1  }
0x3c8: {  	[tilespmem:s11+$0xFFFFFFC0] =	vst v5;
	v5 =	vld [tilespmem:s19+$0xD0]  }
0x3c9: {  	v3 =	vld.idx.msk [tilespmem:v3+s22+$0x0], $0xffff  }
0x3ca: {  	v54 =	vld [tilespmem:s17+$0x0]  }
0x3cb: {  	v23 =	vld.idx.msk [tilespmem:v16+s7+$0x0], $0xffff;
	[tilespmem:s11+$0xFFFFFF40] =	vst v4  }
0x3cc: {  	v8 =	vld [tilespmem:s20+$0xFFFFFE50];
	v4 =	vmul.f32 v10, v7  }
0x3cd: {  	v1 =	vld [tilespmem:s20+$0xFFFFFED0]  }
0x3ce: {  	v9 =	vld [tilespmem:s20+$0xFFFFFF50];
	[tilespmem:s13+$0x40] =	vst v4;
	v3 =	vmul.f32 v5, v3  }
0x3cf: {  	v7 =	vld [tilespmem:s20+$0xFFFFFFD0];
	[tilespmem:s11+$0x40] =	vst v6  }
0x3d0: {  	v11 =	vld [tilespmem:s20+$0x50];
	[tilespmem:s13+$0xD0] =	vst v3  }
0x3d1: {  	v4 =	vld [tilespmem:s20+$0xD0];
	[tilespmem:s11+$0xD0] =	vst v2  }
0x3d2: {  	v2 =	vld [tilespmem:s20+$0x160]  }
0x3d3: {  	v3 =	vld [tilespmem:s20+$0x1E0]  }
0x3d4: {  	v5 =	vld.idx.msk [tilespmem:v8+s7+$0x0], $0xffff  }
0x3d5: {  	v1 =	vld.idx.msk [tilespmem:v1+s7+$0x0], $0xffff  }
0x3d6: {  	v6 =	vld.idx.msk [tilespmem:v9+s7+$0x0], $0xffff  }
0x3d7: {  	v7 =	vld.idx.msk [tilespmem:v7+s7+$0x0], $0xffff  }
0x3d8: {  	v14 =	vld.idx.msk [tilespmem:v11+s7+$0x0], $0xffff  }
0x3d9: {  	v5 =	vshll.u32 v5, $0x4;
	v15 =	vld.idx.msk [tilespmem:v4+s7+$0x0], $0xffff  }
0x3da: {  	v1 =	vadd.s32 v1, v5;
	v4 =	vld.idx.msk [tilespmem:v2+s7+$0x0], $0xffff  }
0x3db: {  	v3 =	vld.idx.msk [tilespmem:v3+s7+$0x0], $0xffff  }
0x3dc: {  	v17 =	vld.idx.msk [tilespmem:v17+s7+$0x0], $0xffff;
	v6 =	vshll.u32 v6, $0x4  }
0x3dd: {  	v24 =	vld.idx.msk [tilespmem:v18+s7+$0x0], $0xffff;
	v6 =	vadd.s32 v7, v6;
	v7 =	vshll.u32 v14, $0x4  }
0x3de: {  	v10 =	vld [tilespmem:s19+$0xFFFFFF50];
	v7 =	vadd.s32 v15, v7  }
0x3df: {  	v1 =	vld.idx.msk [tilespmem:v1+s22+$0x0], $0xffff;
	v4 =	vshll.u32 v4, $0x4  }
0x3e0: {  	v12 =	vld [tilespmem:s19+$0xFFFFFFD0];
	v3 =	vadd.s32 v3, v4  }
0x3e1: {  	v13 =	vld [tilespmem:s19+$0x50]  }
0x3e2: {  	v4 =	vld [tilespmem:s14+$0x80]  }
0x3e3: {  	v7 =	vld.idx.msk [tilespmem:v7+s22+$0x0], $0xffff  }
0x3e4: {  	v25 =	vld [tilespmem:s19+$0xE0];
	v1 =	vmul.f32 v10, v1  }
0x3e5: {  	v3 =	vld.idx.msk [tilespmem:v3+s22+$0x0], $0xffff  }
0x3e6: {  	v23 =	vshll.u32 v23, $0x4;
	v5 =	vld.idx.msk [tilespmem:v20+s7+$0x0], $0xffff;
	[tilespmem:s13+$0xFFFFFF50] =	vst v1  }
0x3e7: {  	v17 =	vadd.s32 v17, v23;
	[tilespmem:s11+$0xFFFFFF50] =	vst v8;
	v8 =	vld.idx.msk [tilespmem:v6+s22+$0x0], $0xffff  }
0x3e8: {  	v26 =	vld.idx.msk [tilespmem:v19+s7+$0x0], $0xffff;
	v7 =	vmul.f32 v13, v7  }
0x3e9: {  	v21 =	vld.idx.msk [tilespmem:v21+s7+$0x0], $0xffff  }
0x3ea: {  	v22 =	vld.idx.msk [tilespmem:v22+s7+$0x0], $0xffff;
	[tilespmem:s13+$0x50] =	vst v7;
	v3 =	vmul.f32 v25, v3  }
0x3eb: {  	v23 =	vld.idx.msk [tilespmem:v4+s7+$0x0], $0xffff;
	[tilespmem:s11+$0x50] =	vst v11  }
0x3ec: {  	v8 =	vmul.f32 v12, v8;
	[tilespmem:s13+$0xE0] =	vst v3;
	v3 =	vshll.u32 v5, $0x4;
	v5 =	vld.idx.msk [tilespmem:v17+s22+$0x0], $0xffff  }
0x3ed: {  	v58 =	vld [tilespmem:s19+$0x60];
	[tilespmem:s11+$0xE0] =	vst v2  }
0x3ee: {  	[tilespmem:s13+$0xFFFFFFD0] =	vst v8;
	v2 =	vshll.u32 v24, $0x4;
	v3 =	vadd.s32 v21, v3;
	v4 =	vld [tilespmem:s20+$0x170]  }
0x3ef: {  	[tilespmem:s11+$0xFFFFFFD0] =	vst v9;
	v2 =	vadd.s32 v22, v2;
	v21 =	vld [tilespmem:s20+$0x1F0]  }
0x3f0: {  	v11 =	vld [tilespmem:s20+$0xFFFFFF60];
	v17 =	vshll.u32 v26, $0x4  }
0x3f1: {  	v17 =	vadd.s32 v23, v17;
	v23 =	vld [tilespmem:s17+$0xFFFFFF80];
	v5 =	vmul.f32 v53, v5  }
0x3f2: {  	s15 =	simm.s32 $0x1CB00;
	v22 =	vld [tilespmem:s17+$0xFFFFFF00]  }
0x3f3: {  	s16 =	simm.s32 $0x1D300;
	v3 =	vld.idx.msk [tilespmem:v3+s22+$0x0], $0xffff;
	[tilespmem:s15+$0x80] =	vst v5  }
0x3f4: {  	v2 =	vld.idx.msk [tilespmem:v2+s22+$0x0], $0xffff;
	[tilespmem:s16+$0x80] =	vst v16  }
0x3f5: {  	v15 =	vld [tilespmem:s14+$0x190]  }
0x3f6: {  	v5 =	vld.idx.msk [tilespmem:v4+s7+$0x0], $0xffff  }
0x3f7: {  	v10 =	vld.idx.msk [tilespmem:v21+s7+$0x0], $0xffff  }
0x3f8: {  	v1 =	vmul.f32 v22, v3;
	v3 =	vld [tilespmem:s14+$0x110]  }
0x3f9: {  	v6 =	vld [tilespmem:s19+$0xF0]  }
0x3fa: {  	v14 =	vld.idx.msk [tilespmem:v17+s22+$0x0], $0xffff;
	v2 =	vmul.f32 v23, v2;
	[tilespmem:s15+$0xFFFFFF00] =	vst v1  }
0x3fb: {  	v1 =	vld [tilespmem:s20+$0xFFFFFE60];
	[tilespmem:s16+$0xFFFFFF00] =	vst v20;
	v5 =	vshll.u32 v5, $0x4  }
0x3fc: {  	[tilespmem:s15+$0xFFFFFF80] =	vst v2;
	v16 =	vld [tilespmem:s14+$0xFFFFFE10];
	v2 =	vadd.s32 v10, v5  }
0x3fd: {  	[tilespmem:s16+$0xFFFFFF80] =	vst v18;
	v10 =	vld [tilespmem:s14+$0xFFFFFE90]  }
0x3fe: {  	v17 =	vld [tilespmem:s14+$0xFFFFFF10]  }
0x3ff: {  	v5 =	vmul.f32 v54, v14;
	v14 =	vld.idx.msk [tilespmem:v15+s7+$0x0], $0xffff  }
0x400: {  	v15 =	vld.idx.msk [tilespmem:v3+s7+$0x0], $0xffff  }
0x401: {  	[tilespmem:s15+$0x0] =	vst v5;
	v5 =	vld.idx.msk [tilespmem:v2+s22+$0x0], $0xffff  }
0x402: {  	v2 =	vld [tilespmem:s14+$0xFFFFFF90]  }
0x403: {  	v22 =	vld [tilespmem:s17+$0xFFFFFF90];
	[tilespmem:s16+$0x0] =	vst v19  }
0x404: {  	v18 =	vld [tilespmem:s14+$0x10]  }
0x405: {  	v19 =	vld [tilespmem:s14+$0x90];
	v15 =	vshll.u32 v15, $0x4  }
0x406: {  	v20 =	vld.idx.msk [tilespmem:v16+s7+$0x0], $0xffff;
	v14 =	vadd.s32 v14, v15  }
0x407: {  	v10 =	vld.idx.msk [tilespmem:v10+s7+$0x0], $0xffff  }
0x408: {  	v7 =	vld [tilespmem:s17+$0x10]  }
0x409: {  	v21 =	vld.idx.msk [tilespmem:v17+s7+$0x0], $0xffff  }
0x40a: {  	v12 =	vld.idx.msk [tilespmem:v2+s7+$0x0], $0xffff  }
0x40b: {  	v2 =	vshll.u32 v20, $0x4;
	v14 =	vld.idx.msk [tilespmem:v14+s22+$0x0], $0xffff  }
0x40c: {  	v8 =	vadd.s32 v10, v2;
	v10 =	vld [tilespmem:s17+$0x90]  }
0x40d: {  	v15 =	vld [tilespmem:s17+$0xFFFFFF10]  }
0x40e: {  	v23 =	vld.idx.msk [tilespmem:v18+s7+$0x0], $0xffff  }
0x40f: {  	v9 =	vld.idx.msk [tilespmem:v19+s7+$0x0], $0xffff  }
0x410: {  	v13 =	vshll.u32 v21, $0x4;
	v2 =	vld [tilespmem:s20+$0x60]  }
0x411: {  	v12 =	vadd.s32 v12, v13;
	v13 =	vld [tilespmem:s20+$0xFFFFFEE0];
	v10 =	vmul.f32 v10, v14  }
0x412: {  	v8 =	vld.idx.msk [tilespmem:v8+s22+$0x0], $0xffff  }
0x413: {  	[tilespmem:s15+$0x90] =	vst v10;
	v10 =	vld [tilespmem:s20+$0xFFFFFFE0]  }
0x414: {  	v14 =	vshll.u32 v23, $0x4;
	[tilespmem:s16+$0x90] =	vst v3;
	v3 =	vld [tilespmem:s20+$0xE0]  }
0x415: {  	v9 =	vadd.s32 v9, v14;
	v14 =	vld [tilespmem:s14+$0x120]  }
0x416: {  	v19 =	vld [tilespmem:s14+$0x1A0]  }
0x417: {  	v12 =	vld.idx.msk [tilespmem:v12+s22+$0x0], $0xffff  }
0x418: {  	v56 =	vld [tilespmem:s17+$0xA0]  }
0x419: {  	v8 =	vmul.f32 v15, v8;
	v15 =	vld.idx.msk [tilespmem:v11+s7+$0x0], $0xffff  }
0x41a: {  	v9 =	vld.idx.msk [tilespmem:v9+s22+$0x0], $0xffff  }
0x41b: {  	[tilespmem:s15+$0xFFFFFF10] =	vst v8;
	v8 =	vld.idx.msk [tilespmem:v1+s7+$0x0], $0xffff  }
0x41c: {  	v13 =	vld.idx.msk [tilespmem:v13+s7+$0x0], $0xffff;
	[tilespmem:s16+$0xFFFFFF10] =	vst v16  }
0x41d: {  	v16 =	vld [tilespmem:s14+$0xFFFFFE20]  }
0x41e: {  	v20 =	vld [tilespmem:s14+$0xFFFFFEA0];
	v12 =	vmul.f32 v22, v12  }
0x41f: {  	v10 =	vld.idx.msk [tilespmem:v10+s7+$0x0], $0xffff  }
0x420: {  	[tilespmem:s15+$0xFFFFFF90] =	vst v12;
	v12 =	vld.idx.msk [tilespmem:v2+s7+$0x0], $0xffff  }
0x421: {  	v3 =	vld.idx.msk [tilespmem:v3+s7+$0x0], $0xffff  }
0x422: {  	v7 =	vmul.f32 v7, v9;
	v21 =	vld.idx.msk [tilespmem:v14+s7+$0x0], $0xffff  }
0x423: {  	v19 =	vld.idx.msk [tilespmem:v19+s7+$0x0], $0xffff;
	[tilespmem:s16+$0xFFFFFF90] =	vst v17  }
0x424: {  	v17 =	vld [tilespmem:s14+$0xFFFFFF20];
	[tilespmem:s15+$0x10] =	vst v7  }
0x425: {  	v7 =	vld [tilespmem:s14+$0xFFFFFFA0];
	[tilespmem:s16+$0x10] =	vst v18  }
0x426: {  	v18 =	vld [tilespmem:s14+$0x20]  }
0x427: {  	v22 =	vld [tilespmem:s14+$0xA0];
	v21 =	vshll.u32 v21, $0x4  }
0x428: {  	v19 =	vadd.s32 v19, v21;
	v21 =	vld.idx.msk [tilespmem:v16+s7+$0x0], $0xffff  }
0x429: {  	v12 =	vshll.u32 v12, $0x4;
	v20 =	vld.idx.msk [tilespmem:v20+s7+$0x0], $0xffff  }
0x42a: {  	v9 =	vld [tilespmem:s17+$0xFFFFFF20];
	v3 =	vadd.s32 v3, v12  }
0x42b: {  	v23 =	vld [tilespmem:s17+$0xFFFFFFA0]  }
0x42c: {  	v57 =	vld.idx.msk [tilespmem:v17+s7+$0x0], $0xffff  }
0x42d: {  	v19 =	vld.idx.msk [tilespmem:v19+s22+$0x0], $0xffff;
	v21 =	vshll.u32 v21, $0x4  }
0x42e: {  	v7 =	vld.idx.msk [tilespmem:v7+s7+$0x0], $0xffff;
	v20 =	vadd.s32 v20, v21  }
0x42f: {  	v8 =	vshll.u32 v8, $0x4;
	v3 =	vld.idx.msk [tilespmem:v3+s22+$0x0], $0xffff  }
0x430: {  	v8 =	vadd.s32 v13, v8;
	v21 =	vld.idx.msk [tilespmem:v18+s7+$0x0], $0xffff  }
0x431: {  	v22 =	vld.idx.msk [tilespmem:v22+s7+$0x0], $0xffff  }
0x432: {  	v13 =	vld [tilespmem:s19+$0xFFFFFF60];
	v19 =	vmul.f32 v56, v19  }
0x433: {  	v20 =	vld.idx.msk [tilespmem:v20+s22+$0x0], $0xffff  }
0x434: {  	v55 =	vld [tilespmem:s17+$0x20];
	v3 =	vmul.f32 v58, v3;
	[tilespmem:s15+$0xA0] =	vst v19;
	v19 =	vshll.u32 v57, $0x4  }
0x435: {  	v8 =	vld.idx.msk [tilespmem:v8+s22+$0x0], $0xffff;
	[tilespmem:s16+$0xA0] =	vst v14;
	v14 =	vshll.u32 v21, $0x4;
	v7 =	vadd.s32 v7, v19  }
0x436: {  	[tilespmem:s13+$0x60] =	vst v3;
	v19 =	vld [tilespmem:s14+$0x130];
	v14 =	vadd.s32 v22, v14  }
0x437: {  	[tilespmem:s11+$0x60] =	vst v2;
	v21 =	vld [tilespmem:s14+$0x1B0]  }
0x438: {  	v2 =	vld [tilespmem:s20+$0x70];
	v9 =	vmul.f32 v9, v20  }
0x439: {  	v22 =	vld [tilespmem:s19+$0xFFFFFFE0]  }
0x43a: {  	v7 =	vld.idx.msk [tilespmem:v7+s22+$0x0], $0xffff;
	[tilespmem:s15+$0xFFFFFF20] =	vst v9  }
0x43b: {  	v15 =	vshll.u32 v15, $0x4;
	v14 =	vld.idx.msk [tilespmem:v14+s22+$0x0], $0xffff;
	[tilespmem:s16+$0xFFFFFF20] =	vst v16  }
0x43c: {  	v10 =	vadd.s32 v10, v15;
	v15 =	vld [tilespmem:s14+$0xFFFFFE30]  }
0x43d: {  	v16 =	vld [tilespmem:s14+$0xFFFFFEB0]  }
0x43e: {  	v9 =	vld.idx.msk [tilespmem:v19+s7+$0x0], $0xffff  }
0x43f: {  	v12 =	vld.idx.msk [tilespmem:v21+s7+$0x0], $0xffff;
	v7 =	vmul.f32 v23, v7  }
0x440: {  	v20 =	vld [tilespmem:s17+$0xFFFFFF30]  }
0x441: {  	v60 =	vld.idx.msk [tilespmem:v2+s7+$0x0], $0xffff;
	v14 =	vmul.f32 v55, v14;
	[tilespmem:s15+$0xFFFFFFA0] =	vst v7  }
0x442: {  	v7 =	vld.idx.msk [tilespmem:v10+s22+$0x0], $0xffff;
	[tilespmem:s16+$0xFFFFFFA0] =	vst v17  }
0x443: {  	[tilespmem:s15+$0x20] =	vst v14;
	v9 =	vshll.u32 v9, $0x4;
	v10 =	vld [tilespmem:s14+$0xFFFFFF30]  }
0x444: {  	[tilespmem:s16+$0x20] =	vst v18;
	v9 =	vadd.s32 v12, v9;
	v12 =	vld [tilespmem:s14+$0xFFFFFFB0]  }
0x445: {  	v14 =	vld [tilespmem:s14+$0x30]  }
0x446: {  	v18 =	vld.idx.msk [tilespmem:v15+s7+$0x0], $0xffff  }
0x447: {  	v17 =	vld [tilespmem:s14+$0xB0]  }
0x448: {  	v8 =	vmul.f32 v13, v8;
	v21 =	vld [tilespmem:s17+$0xB0]  }
0x449: {  	v16 =	vld.idx.msk [tilespmem:v16+s7+$0x0], $0xffff  }
0x44a: {  	[tilespmem:s13+$0xFFFFFF60] =	vst v8;
	v9 =	vld.idx.msk [tilespmem:v9+s22+$0x0], $0xffff  }
0x44b: {  	[tilespmem:s11+$0xFFFFFF60] =	vst v1;
	v1 =	vshll.u32 v18, $0x4;
	v18 =	vld [tilespmem:s17+$0x30]  }
0x44c: {  	v23 =	vld.idx.msk [tilespmem:v10+s7+$0x0], $0xffff  }
0x44d: {  	v7 =	vmul.f32 v22, v7;
	v12 =	vld.idx.msk [tilespmem:v12+s7+$0x0], $0xffff  }
0x44e: {  	v13 =	vld.idx.msk [tilespmem:v14+s7+$0x0], $0xffff  }
0x44f: {  	[tilespmem:s13+$0xFFFFFFE0] =	vst v7;
	v16 =	vadd.s32 v16, v1;
	v8 =	vld.idx.msk [tilespmem:v17+s7+$0x0], $0xffff;
	v9 =	vmul.f32 v21, v9  }
0x450: {  	[tilespmem:s11+$0xFFFFFFE0] =	vst v11;
	v1 =	vld [tilespmem:s20+$0xFFFFFE70]  }
0x451: {  	v3 =	vld [tilespmem:s20+$0xFFFFFF70];
	[tilespmem:s15+$0xB0] =	vst v9  }
0x452: {  	v17 =	vld [tilespmem:s17+$0xFFFFFFB0];
	v9 =	vshll.u32 v23, $0x4;
	[tilespmem:s16+$0xB0] =	vst v19  }
0x453: {  	v7 =	vadd.s32 v12, v9;
	v11 =	vshll.u32 v13, $0x4;
	v9 =	vld [tilespmem:s14+$0x140]  }
0x454: {  	v8 =	vadd.s32 v8, v11;
	v11 =	vld.idx.msk [tilespmem:v16+s22+$0x0], $0xffff  }
0x455: {  	v12 =	vld [tilespmem:s14+$0x1C0]  }
0x456: {  	v13 =	vld [tilespmem:s20+$0xFFFFFEF0]  }
0x457: {  	v19 =	vld [tilespmem:s20+$0xFFFFFFF0]  }
0x458: {  	v7 =	vld.idx.msk [tilespmem:v7+s22+$0x0], $0xffff  }
0x459: {  	v8 =	vld.idx.msk [tilespmem:v8+s22+$0x0], $0xffff;
	v11 =	vmul.f32 v20, v11  }
0x45a: {  	v20 =	vld [tilespmem:s17+$0xC0]  }
0x45b: {  	[tilespmem:s15+$0xFFFFFF30] =	vst v11;
	v11 =	vld [tilespmem:s20+$0xF0]  }
0x45c: {  	v16 =	vld.idx.msk [tilespmem:v9+s7+$0x0], $0xffff  }
0x45d: {  	v12 =	vld.idx.msk [tilespmem:v12+s7+$0x0], $0xffff;
	[tilespmem:s16+$0xFFFFFF30] =	vst v15;
	v7 =	vmul.f32 v17, v7  }
0x45e: {  	v15 =	vld [tilespmem:s14+$0xFFFFFE40]  }
0x45f: {  	v13 =	vld.idx.msk [tilespmem:v13+s7+$0x0], $0xffff;
	[tilespmem:s15+$0xFFFFFFB0] =	vst v7;
	v7 =	vmul.f32 v18, v8  }
0x460: {  	v8 =	vld [tilespmem:s14+$0xFFFFFEC0];
	[tilespmem:s16+$0xFFFFFFB0] =	vst v10  }
0x461: {  	v10 =	vshll.u32 v16, $0x4;
	v16 =	vld [tilespmem:s14+$0xFFFFFF40];
	[tilespmem:s15+$0x30] =	vst v7  }
0x462: {  	v7 =	vadd.s32 v12, v10;
	v10 =	vld [tilespmem:s14+$0xFFFFFFC0];
	[tilespmem:s16+$0x30] =	vst v14  }
0x463: {  	v14 =	vld [tilespmem:s14+$0x40]  }
0x464: {  	v12 =	vld [tilespmem:s14+$0xC0]  }
0x465: {  	v19 =	vld.idx.msk [tilespmem:v19+s7+$0x0], $0xffff  }
0x466: {  	v21 =	vld.idx.msk [tilespmem:v15+s7+$0x0], $0xffff  }
0x467: {  	v7 =	vld.idx.msk [tilespmem:v7+s22+$0x0], $0xffff  }
0x468: {  	v8 =	vld.idx.msk [tilespmem:v8+s7+$0x0], $0xffff  }
0x469: {  	v22 =	vld.idx.msk [tilespmem:v16+s7+$0x0], $0xffff  }
0x46a: {  	v10 =	vld.idx.msk [tilespmem:v10+s7+$0x0], $0xffff  }
0x46b: {  	v23 =	vld.idx.msk [tilespmem:v14+s7+$0x0], $0xffff  }
0x46c: {  	v12 =	vld.idx.msk [tilespmem:v12+s7+$0x0], $0xffff;
	v7 =	vmul.f32 v20, v7  }
0x46d: {  	v17 =	vld.idx.msk [tilespmem:v1+s7+$0x0], $0xffff  }
0x46e: {  	v18 =	vld [tilespmem:s17+$0xFFFFFF40];
	[tilespmem:s15+$0xC0] =	vst v7;
	v7 =	vshll.u32 v21, $0x4  }
0x46f: {  	v20 =	vld [tilespmem:s17+$0xFFFFFFC0];
	[tilespmem:s16+$0xC0] =	vst v9;
	v7 =	vadd.s32 v8, v7;
	v8 =	vshll.u32 v22, $0x4  }
0x470: {  	v59 =	vld [tilespmem:s14+$0x150];
	v8 =	vadd.s32 v10, v8;
	v10 =	vshll.u32 v23, $0x4  }
0x471: {  	v9 =	vld [tilespmem:s14+$0x1D0];
	v10 =	vadd.s32 v12, v10  }
0x472: {  	v21 =	vld [tilespmem:s17+$0x40]  }
0x473: {  	v22 =	vld.idx.msk [tilespmem:v3+s7+$0x0], $0xffff  }
0x474: {  	v7 =	vld.idx.msk [tilespmem:v7+s22+$0x0], $0xffff  }
0x475: {  	v8 =	vld.idx.msk [tilespmem:v8+s22+$0x0], $0xffff  }
0x476: {  	v61 =	vld.idx.msk [tilespmem:v10+s22+$0x0], $0xffff  }
0x477: {  	v10 =	vld [tilespmem:s19+$0xFFFFFF70]  }
0x478: {  	v12 =	vld.idx.msk [tilespmem:v59+s7+$0x0], $0xffff  }
0x479: {  	v23 =	vld.idx.msk [tilespmem:v9+s7+$0x0], $0xffff;
	v7 =	vmul.f32 v18, v7  }
0x47a: {  	v9 =	vld [tilespmem:s19+$0x70]  }
0x47b: {  	v18 =	vld.idx.msk [tilespmem:v11+s7+$0x0], $0xffff;
	[tilespmem:s15+$0xFFFFFF40] =	vst v7  }
0x47c: {  	v11 =	vld [tilespmem:s19+$0xFFFFFFF0];
	v7 =	vmul.f32 v20, v8;
	[tilespmem:s16+$0xFFFFFF40] =	vst v15  }
0x47d: {  	v8 =	vshll.u32 v12, $0x4;
	v12 =	vld [tilespmem:s14+$0xFFFFFE50]  }
0x47e: {  	[tilespmem:s15+$0xFFFFFFC0] =	vst v7;
	v20 =	vld [tilespmem:s14+$0xFFFFFED0];
	v8 =	vadd.s32 v23, v8  }
0x47f: {  	v15 =	vld [tilespmem:s17+$0xFFFFFF50];
	[tilespmem:s16+$0xFFFFFFC0] =	vst v16;
	v16 =	vmul.f32 v21, v61  }
0x480: {  	v7 =	vld [tilespmem:s14+$0xFFFFFF50]  }
0x481: {  	v21 =	vld [tilespmem:s14+$0xFFFFFFD0];
	[tilespmem:s15+$0x40] =	vst v16  }
0x482: {  	[tilespmem:s16+$0x40] =	vst v14;
	v14 =	vld [tilespmem:s17+$0xD0]  }
0x483: {  	v16 =	vld.idx.msk [tilespmem:v8+s22+$0x0], $0xffff  }
0x484: {  	v23 =	vld [tilespmem:s14+$0xD0]  }
0x485: {  	v8 =	vld [tilespmem:s14+$0x50]  }
0x486: {  	v62 =	vld.idx.msk [tilespmem:v12+s7+$0x0], $0xffff  }
0x487: {  	v28 =	vld.idx.msk [tilespmem:v20+s7+$0x0], $0xffff  }
0x488: {  	v27 =	vld.idx.msk [tilespmem:v7+s7+$0x0], $0xffff;
	v14 =	vmul.f32 v14, v16  }
0x489: {  	v29 =	vld.idx.msk [tilespmem:v21+s7+$0x0], $0xffff;
	v16 =	vshll.u32 v17, $0x4  }
0x48a: {  	v20 =	vshll.u32 v60, $0x4;
	v17 =	vshll.u32 v22, $0x4;
	v22 =	vadd.s32 v13, v16;
	v13 =	vld [tilespmem:s17+$0x50];
	[tilespmem:s15+$0xD0] =	vst v14  }
0x48b: {  	v25 =	vadd.s32 v18, v20;
	v14 =	vld [tilespmem:s17+$0xFFFFFFD0];
	[tilespmem:s16+$0xD0] =	vst v59  }
0x48c: {  	v16 =	vld [tilespmem:s14+$0x160]  }
0x48d: {  	v5 =	vmul.f32 v6, v5;
	v63 =	vadd.s32 v19, v17;
	v19 =	vld [tilespmem:s14+$0x1E0]  }
0x48e: {  	v21 =	vld.idx.msk [tilespmem:v23+s7+$0x0], $0xffff  }
0x48f: {  	[tilespmem:s13+$0xF0] =	vst v5;
	v5 =	vshll.u32 v62, $0x4;
	v20 =	vld.idx.msk [tilespmem:v8+s7+$0x0], $0xffff  }
0x490: {  	v18 =	vadd.s32 v28, v5;
	v5 =	vld.idx.msk [tilespmem:v25+s22+$0x0], $0xffff  }
0x491: {  	v17 =	vld.idx.msk [tilespmem:v22+s22+$0x0], $0xffff;
	v22 =	vshll.u32 v27, $0x4  }
0x492: {  	s26 =	simm.s32 $0x1AA00;
	[tilespmem:s11+$0xF0] =	vst v4;
	s20 =	simm.s32 $0x4;
	s19 =	simm.s32 $0x1B300;
	v6 =	vld.idx.msk [tilespmem:v63+s22+$0x0], $0xffff;
	v4 =	vadd.s32 v29, v22  }
.LBB2_8:
0x493: {  	v22 =	vld [tilespmem:s26+$0x100]  }
0x494: {  	v20 =	vshll.u32 v20, $0x4;
	v23 =	vld.idx.msk [tilespmem:v16+s7+$0x0], $0xffff  }
0x495: {  	v20 =	vadd.s32 v21, v20;
	v19 =	vld.idx.msk [tilespmem:v19+s7+$0x0], $0xffff  }
0x496: {  	v10 =	vmul.f32 v10, v17;
	v21 =	vld [tilespmem:s26+$0x180]  }
0x497: {  	v6 =	vmul.f32 v11, v6;
	v17 =	vld [tilespmem:s26+$0xFFFFFF00]  }
0x498: {  	v5 =	vmul.f32 v9, v5;
	v11 =	vld [tilespmem:s26+$0x0];
	[tilespmem:s13+$0xFFFFFF70] =	vst v10  }
0x499: {  	v9 =	vld [tilespmem:s26+$0xFFFFFE00];
	[tilespmem:s11+$0xFFFFFF70] =	vst v1  }
0x49a: {  	v10 =	vshll.u32 v23, $0x4;
	v1 =	vld [tilespmem:s26+$0xFFFFFE80];
	[tilespmem:s13+$0xFFFFFFF0] =	vst v6  }
0x49b: {  	v10 =	vadd.s32 v19, v10;
	v6 =	vld [tilespmem:s26+$0xFFFFFF80];
	[tilespmem:s11+$0xFFFFFFF0] =	vst v3  }
0x49c: {  	v3 =	vld [tilespmem:s26+$0x80];
	[tilespmem:s13+$0x70] =	vst v5;
	s13 =	smov.u32 s15  }
0x49d: {  	v5 =	vld.idx.msk [tilespmem:v22+s7+$0x0], $0xffff;
	[tilespmem:s11+$0x70] =	vst v2;
	s11 =	smov.u32 s16  }
0x49e: {  	v2 =	vld.idx.msk [tilespmem:v21+s7+$0x0], $0xffff  }
0x49f: {  	v19 =	vld.idx.msk [tilespmem:v17+s7+$0x0], $0xffff  }
0x4a0: {  	s20 =	sadd.s32 $0x4, s20;
	v10 =	vld.idx.msk [tilespmem:v10+s22+$0x0], $0xffff  }
0x4a1: {  	p0 =	slt.u32 s20, $0xC;
	v21 =	vld [tilespmem:s17+$0xE0]  }
0x4a2: {  	v23 =	vld.idx.msk [tilespmem:v9+s7+$0x0], $0xffff  }
0x4a3: {  	v5 =	vshll.u32 v5, $0x4;
	v24 =	vld.idx.msk [tilespmem:v11+s7+$0x0], $0xffff  }
0x4a4: {  	v2 =	vadd.s32 v2, v5;
	v1 =	vld.idx.msk [tilespmem:v1+s7+$0x0], $0xffff  }
0x4a5: {  	v5 =	vld.idx.msk [tilespmem:v6+s7+$0x0], $0xffff;
	v6 =	vshll.u32 v19, $0x4  }
0x4a6: {  	v3 =	vld.idx.msk [tilespmem:v3+s7+$0x0], $0xffff;
	v10 =	vmul.f32 v21, v10  }
0x4a7: {  	s17 =	sadd.s32 $0x200, s17;
	v18 =	vld.idx.msk [tilespmem:v18+s22+$0x0], $0xffff  }
0x4a8: {  	v19 =	vshll.u32 v23, $0x4;
	v21 =	vld [tilespmem:s17+$0x80];
	[tilespmem:s15+$0xE0] =	vst v10  }
0x4a9: {  	v10 =	vshll.u32 v24, $0x4;
	v2 =	vld.idx.msk [tilespmem:v2+s22+$0x0], $0xffff;
	[tilespmem:s16+$0xE0] =	vst v16  }
0x4aa: {  	v1 =	vadd.s32 v1, v19;
	v16 =	vld [tilespmem:s14+$0x170]  }
0x4ab: {  	v5 =	vadd.s32 v5, v6;
	v6 =	vld [tilespmem:s14+$0x1F0]  }
0x4ac: {  	v3 =	vadd.s32 v3, v10;
	v19 =	vld [tilespmem:s17+$0xFFFFFF00]  }
0x4ad: {  	v15 =	vmul.f32 v15, v18;
	v10 =	vld [tilespmem:s17+$0xFFFFFF80]  }
0x4ae: {  	v18 =	vld [tilespmem:s17+$0x0]  }
0x4af: {  	v1 =	vld.idx.msk [tilespmem:v1+s22+$0x0], $0xffff;
	[tilespmem:s15+$0xFFFFFF50] =	vst v15  }
0x4b0: {  	v2 =	vmul.f32 v21, v2;
	v5 =	vld.idx.msk [tilespmem:v5+s22+$0x0], $0xffff;
	[tilespmem:s16+$0xFFFFFF50] =	vst v12  }
0x4b1: {  	s15 =	sadd.s32 $0x200, s15;
	v3 =	vld.idx.msk [tilespmem:v3+s22+$0x0], $0xffff  }
0x4b2: {  	s16 =	sadd.s32 $0x200, s16;
	[tilespmem:s15+$0x80] =	vst v2;
	v2 =	vld.idx.msk [tilespmem:v16+s7+$0x0], $0xffff  }
0x4b3: {  	[tilespmem:s16+$0x80] =	vst v22;
	v6 =	vld.idx.msk [tilespmem:v6+s7+$0x0], $0xffff  }
0x4b4: {  	v12 =	vld [tilespmem:s26+$0x190]  }
0x4b5: {  	v1 =	vmul.f32 v19, v1;
	v15 =	vld [tilespmem:s26+$0x110]  }
0x4b6: {  	v5 =	vmul.f32 v10, v5;
	v4 =	vld.idx.msk [tilespmem:v4+s22+$0x0], $0xffff  }
0x4b7: {  	v3 =	vmul.f32 v18, v3;
	[tilespmem:s15+$0xFFFFFF00] =	vst v1;
	v10 =	vld.idx.msk [tilespmem:v20+s22+$0x0], $0xffff  }
0x4b8: {  	v2 =	vshll.u32 v2, $0x4;
	[tilespmem:s16+$0xFFFFFF00] =	vst v9;
	v1 =	vld [tilespmem:s14+$0xFFFFFE60]  }
0x4b9: {  	v2 =	vadd.s32 v6, v2;
	v9 =	vld [tilespmem:s26+$0xFFFFFE10];
	[tilespmem:s15+$0xFFFFFF80] =	vst v5  }
0x4ba: {  	v5 =	vld [tilespmem:s26+$0xFFFFFE90];
	[tilespmem:s16+$0xFFFFFF80] =	vst v17  }
0x4bb: {  	v6 =	vld [tilespmem:s26+$0xFFFFFF10];
	[tilespmem:s15+$0x0] =	vst v3  }
0x4bc: {  	v4 =	vmul.f32 v14, v4;
	[tilespmem:s16+$0x0] =	vst v11;
	v3 =	vld.idx.msk [tilespmem:v12+s7+$0x0], $0xffff  }
0x4bd: {  	v10 =	vmul.f32 v13, v10;
	v11 =	vld.idx.msk [tilespmem:v15+s7+$0x0], $0xffff  }
0x4be: {  	[tilespmem:s13+$0xFFFFFFD0] =	vst v4;
	v2 =	vld.idx.msk [tilespmem:v2+s22+$0x0], $0xffff  }
0x4bf: {  	[tilespmem:s11+$0xFFFFFFD0] =	vst v7;
	v4 =	vld [tilespmem:s19+$0xF0]  }
0x4c0: {  	v7 =	vld [tilespmem:s26+$0x10];
	[tilespmem:s13+$0x50] =	vst v10  }
0x4c1: {  	v10 =	vld [tilespmem:s26+$0xFFFFFF90];
	[tilespmem:s11+$0x50] =	vst v8  }
0x4c2: {  	v8 =	vld [tilespmem:s26+$0x90]  }
0x4c3: {  	v12 =	vld.idx.msk [tilespmem:v9+s7+$0x0], $0xffff  }
0x4c4: {  	v11 =	vshll.u32 v11, $0x4;
	v13 =	vld.idx.msk [tilespmem:v6+s7+$0x0], $0xffff;
	v2 =	vmul.f32 v4, v2  }
0x4c5: {  	v3 =	vadd.s32 v3, v11;
	v4 =	vld.idx.msk [tilespmem:v5+s7+$0x0], $0xffff  }
0x4c6: {  	v5 =	vld [tilespmem:s17+$0xFFFFFF10];
	[tilespmem:s13+$0xF0] =	vst v2  }
0x4c7: {  	v11 =	vld [tilespmem:s17+$0xFFFFFF90];
	[tilespmem:s11+$0xF0] =	vst v16  }
0x4c8: {  	v2 =	vld.idx.msk [tilespmem:v7+s7+$0x0], $0xffff  }
0x4c9: {  	v12 =	vshll.u32 v12, $0x4;
	v10 =	vld.idx.msk [tilespmem:v10+s7+$0x0], $0xffff  }
0x4ca: {  	v13 =	vshll.u32 v13, $0x4;
	v14 =	vld.idx.msk [tilespmem:v3+s22+$0x0], $0xffff  }
0x4cb: {  	v4 =	vadd.s32 v4, v12;
	v12 =	vld [tilespmem:s17+$0x90]  }
0x4cc: {  	v8 =	vld.idx.msk [tilespmem:v8+s7+$0x0], $0xffff  }
0x4cd: {  	v16 =	vld [tilespmem:s17+$0x10]  }
0x4ce: {  	v17 =	vshll.u32 v2, $0x4;
	v3 =	vld [tilespmem:s14+$0xFFFFFF60]  }
0x4cf: {  	v10 =	vadd.s32 v10, v13;
	v2 =	vld [tilespmem:s14+$0x60]  }
0x4d0: {  	v4 =	vld.idx.msk [tilespmem:v4+s22+$0x0], $0xffff;
	v12 =	vmul.f32 v12, v14  }
0x4d1: {  	v13 =	vld [tilespmem:s14+$0xFFFFFEE0]  }
0x4d2: {  	v8 =	vadd.s32 v8, v17;
	[tilespmem:s15+$0x90] =	vst v12;
	v12 =	vld [tilespmem:s14+$0xFFFFFFE0]  }
0x4d3: {  	[tilespmem:s16+$0x90] =	vst v15;
	v14 =	vld [tilespmem:s14+$0xE0]  }
0x4d4: {  	v15 =	vld [tilespmem:s26+$0x120]  }
0x4d5: {  	v17 =	vld [tilespmem:s26+$0x1A0]  }
0x4d6: {  	v4 =	vmul.f32 v5, v4;
	v5 =	vld.idx.msk [tilespmem:v10+s22+$0x0], $0xffff  }
0x4d7: {  	v8 =	vld.idx.msk [tilespmem:v8+s22+$0x0], $0xffff  }
0x4d8: {  	[tilespmem:s15+$0xFFFFFF10] =	vst v4;
	v4 =	vld.idx.msk [tilespmem:v1+s7+$0x0], $0xffff  }
0x4d9: {  	[tilespmem:s16+$0xFFFFFF10] =	vst v9;
	v9 =	vld.idx.msk [tilespmem:v3+s7+$0x0], $0xffff  }
0x4da: {  	v10 =	vld [tilespmem:s26+$0xFFFFFE20]  }
0x4db: {  	v18 =	vld [tilespmem:s26+$0xFFFFFEA0]  }
0x4dc: {  	v5 =	vmul.f32 v11, v5;
	v11 =	vld.idx.msk [tilespmem:v15+s7+$0x0], $0xffff  }
0x4dd: {  	v8 =	vmul.f32 v16, v8;
	v16 =	vld.idx.msk [tilespmem:v17+s7+$0x0], $0xffff  }
0x4de: {  	v4 =	vshll.u32 v4, $0x4;
	v17 =	vld [tilespmem:s17+$0xFFFFFF20];
	[tilespmem:s15+$0xFFFFFF90] =	vst v5  }
0x4df: {  	v5 =	vshll.u32 v9, $0x4;
	[tilespmem:s16+$0xFFFFFF90] =	vst v6;
	v6 =	vld.idx.msk [tilespmem:v2+s7+$0x0], $0xffff  }
0x4e0: {  	v9 =	vld [tilespmem:s26+$0xFFFFFF20];
	[tilespmem:s15+$0x10] =	vst v8  }
0x4e1: {  	v8 =	vld [tilespmem:s26+$0xFFFFFFA0];
	[tilespmem:s16+$0x10] =	vst v7  }
0x4e2: {  	v11 =	vshll.u32 v11, $0x4;
	v7 =	vld [tilespmem:s26+$0x20]  }
0x4e3: {  	v11 =	vadd.s32 v16, v11;
	v19 =	vld [tilespmem:s26+$0xA0]  }
0x4e4: {  	v16 =	vld.idx.msk [tilespmem:v10+s7+$0x0], $0xffff  }
0x4e5: {  	v6 =	vshll.u32 v6, $0x4;
	v18 =	vld.idx.msk [tilespmem:v18+s7+$0x0], $0xffff  }
0x4e6: {  	v20 =	vld [tilespmem:s17+$0xFFFFFFA0]  }
0x4e7: {  	v21 =	vld [tilespmem:s17+$0x20]  }
0x4e8: {  	v11 =	vld.idx.msk [tilespmem:v11+s22+$0x0], $0xffff  }
0x4e9: {  	v22 =	vld [tilespmem:s17+$0xA0]  }
0x4ea: {  	v16 =	vshll.u32 v16, $0x4;
	v23 =	vld.idx.msk [tilespmem:v9+s7+$0x0], $0xffff  }
0x4eb: {  	v16 =	vadd.s32 v18, v16;
	v18 =	vld.idx.msk [tilespmem:v7+s7+$0x0], $0xffff  }
0x4ec: {  	v8 =	vld.idx.msk [tilespmem:v8+s7+$0x0], $0xffff  }
0x4ed: {  	v19 =	vld.idx.msk [tilespmem:v19+s7+$0x0], $0xffff  }
0x4ee: {  	v11 =	vmul.f32 v22, v11;
	v13 =	vld.idx.msk [tilespmem:v13+s7+$0x0], $0xffff  }
0x4ef: {  	v12 =	vld.idx.msk [tilespmem:v12+s7+$0x0], $0xffff  }
0x4f0: {  	v22 =	vshll.u32 v23, $0x4;
	v16 =	vld.idx.msk [tilespmem:v16+s22+$0x0], $0xffff;
	[tilespmem:s15+$0xA0] =	vst v11  }
0x4f1: {  	v11 =	vshll.u32 v18, $0x4;
	[tilespmem:s16+$0xA0] =	vst v15;
	v14 =	vld.idx.msk [tilespmem:v14+s7+$0x0], $0xffff  }
0x4f2: {  	v8 =	vadd.s32 v8, v22;
	v15 =	vld [tilespmem:s26+$0x130]  }
0x4f3: {  	v11 =	vadd.s32 v19, v11;
	v18 =	vld [tilespmem:s26+$0x1B0]  }
0x4f4: {  	v4 =	vadd.s32 v13, v4;
	v13 =	vld [tilespmem:s19+$0xFFFFFF60]  }
0x4f5: {  	v5 =	vadd.s32 v12, v5;
	v12 =	vld [tilespmem:s19+$0xFFFFFFE0]  }
0x4f6: {  	v16 =	vmul.f32 v17, v16;
	v17 =	vld [tilespmem:s19+$0x60]  }
0x4f7: {  	v6 =	vadd.s32 v14, v6;
	v8 =	vld.idx.msk [tilespmem:v8+s22+$0x0], $0xffff  }
0x4f8: {  	[tilespmem:s15+$0xFFFFFF20] =	vst v16;
	v11 =	vld.idx.msk [tilespmem:v11+s22+$0x0], $0xffff  }
0x4f9: {  	[tilespmem:s16+$0xFFFFFF20] =	vst v10;
	v4 =	vld.idx.msk [tilespmem:v4+s22+$0x0], $0xffff  }
0x4fa: {  	v10 =	vld.idx.msk [tilespmem:v15+s7+$0x0], $0xffff  }
0x4fb: {  	v14 =	vld.idx.msk [tilespmem:v18+s7+$0x0], $0xffff  }
0x4fc: {  	v16 =	vld [tilespmem:s26+$0xFFFFFE30]  }
0x4fd: {  	v8 =	vmul.f32 v20, v8;
	v18 =	vld [tilespmem:s26+$0xFFFFFEB0]  }
0x4fe: {  	v11 =	vmul.f32 v21, v11;
	v19 =	vld [tilespmem:s17+$0xFFFFFF30]  }
0x4ff: {  	v4 =	vmul.f32 v13, v4;
	[tilespmem:s15+$0xFFFFFFA0] =	vst v8;
	v5 =	vld.idx.msk [tilespmem:v5+s22+$0x0], $0xffff  }
0x500: {  	v8 =	vshll.u32 v10, $0x4;
	[tilespmem:s16+$0xFFFFFFA0] =	vst v9;
	v6 =	vld.idx.msk [tilespmem:v6+s22+$0x0], $0xffff  }
0x501: {  	v8 =	vadd.s32 v14, v8;
	v9 =	vld [tilespmem:s26+$0xFFFFFF30];
	[tilespmem:s15+$0x20] =	vst v11  }
0x502: {  	v10 =	vld [tilespmem:s26+$0xFFFFFFB0];
	[tilespmem:s16+$0x20] =	vst v7  }
0x503: {  	v7 =	vld [tilespmem:s26+$0x30];
	[tilespmem:s13+$0xFFFFFF60] =	vst v4  }
0x504: {  	v4 =	vld [tilespmem:s26+$0xB0];
	[tilespmem:s11+$0xFFFFFF60] =	vst v1  }
0x505: {  	v5 =	vmul.f32 v12, v5;
	v1 =	vld.idx.msk [tilespmem:v16+s7+$0x0], $0xffff  }
0x506: {  	v6 =	vmul.f32 v17, v6;
	v8 =	vld.idx.msk [tilespmem:v8+s22+$0x0], $0xffff  }
0x507: {  	v11 =	vld [tilespmem:s17+$0xB0];
	[tilespmem:s13+$0xFFFFFFE0] =	vst v5  }
0x508: {  	v5 =	vld.idx.msk [tilespmem:v18+s7+$0x0], $0xffff;
	[tilespmem:s11+$0xFFFFFFE0] =	vst v3  }
0x509: {  	v3 =	vld.idx.msk [tilespmem:v9+s7+$0x0], $0xffff;
	[tilespmem:s13+$0x60] =	vst v6  }
0x50a: {  	v6 =	vld.idx.msk [tilespmem:v10+s7+$0x0], $0xffff;
	[tilespmem:s11+$0x60] =	vst v2  }
0x50b: {  	v1 =	vshll.u32 v1, $0x4;
	v2 =	vld.idx.msk [tilespmem:v7+s7+$0x0], $0xffff  }
0x50c: {  	v4 =	vld.idx.msk [tilespmem:v4+s7+$0x0], $0xffff;
	v8 =	vmul.f32 v11, v8  }
0x50d: {  	v10 =	vld [tilespmem:s17+$0xFFFFFFB0]  }
0x50e: {  	v5 =	vadd.s32 v5, v1;
	v11 =	vld [tilespmem:s17+$0x30];
	[tilespmem:s15+$0xB0] =	vst v8  }
0x50f: {  	v3 =	vshll.u32 v3, $0x4;
	[tilespmem:s16+$0xB0] =	vst v15;
	v1 =	vld [tilespmem:s14+$0xFFFFFE70]  }
0x510: {  	v6 =	vadd.s32 v6, v3;
	v8 =	vld [tilespmem:s26+$0x140]  }
0x511: {  	v2 =	vshll.u32 v2, $0x4;
	v12 =	vld [tilespmem:s26+$0x1C0]  }
0x512: {  	v4 =	vadd.s32 v4, v2;
	v3 =	vld [tilespmem:s14+$0xFFFFFF70]  }
0x513: {  	v5 =	vld.idx.msk [tilespmem:v5+s22+$0x0], $0xffff  }
0x514: {  	v2 =	vld [tilespmem:s14+$0x70]  }
0x515: {  	v6 =	vld.idx.msk [tilespmem:v6+s22+$0x0], $0xffff  }
0x516: {  	v13 =	vld [tilespmem:s14+$0xFFFFFEF0]  }
0x517: {  	v4 =	vld.idx.msk [tilespmem:v4+s22+$0x0], $0xffff  }
0x518: {  	v14 =	vld.idx.msk [tilespmem:v8+s7+$0x0], $0xffff  }
0x519: {  	v5 =	vmul.f32 v19, v5;
	v12 =	vld.idx.msk [tilespmem:v12+s7+$0x0], $0xffff  }
0x51a: {  	v15 =	vld [tilespmem:s14+$0xFFFFFFF0]  }
0x51b: {  	[tilespmem:s15+$0xFFFFFF30] =	vst v5;
	v5 =	vmul.f32 v10, v6;
	v6 =	vld [tilespmem:s14+$0xF0];
	s14 =	smov.u32 s26  }
0x51c: {  	[tilespmem:s16+$0xFFFFFF30] =	vst v16;
	v10 =	vld.idx.msk [tilespmem:v1+s7+$0x0], $0xffff  }
0x51d: {  	v4 =	vmul.f32 v11, v4;
	v16 =	vld [tilespmem:s26+$0xFFFFFE40];
	[tilespmem:s15+$0xFFFFFFB0] =	vst v5  }
0x51e: {  	v5 =	vld [tilespmem:s26+$0xFFFFFEC0];
	[tilespmem:s16+$0xFFFFFFB0] =	vst v9;
	v9 =	vshll.u32 v14, $0x4  }
0x51f: {  	v14 =	vld [tilespmem:s26+$0xFFFFFF40];
	[tilespmem:s15+$0x30] =	vst v4;
	v4 =	vadd.s32 v12, v9  }
0x520: {  	v9 =	vld [tilespmem:s26+$0xFFFFFFC0];
	[tilespmem:s16+$0x30] =	vst v7  }
0x521: {  	v17 =	vld [tilespmem:s26+$0x40]  }
0x522: {  	v10 =	vshll.u32 v10, $0x4;
	v7 =	vld [tilespmem:s26+$0xC0]  }
0x523: {  	v11 =	vld [tilespmem:s17+$0xFFFFFF40]  }
0x524: {  	v4 =	vld.idx.msk [tilespmem:v4+s22+$0x0], $0xffff  }
0x525: {  	v12 =	vld [tilespmem:s17+$0xC0]  }
0x526: {  	v18 =	vld.idx.msk [tilespmem:v16+s7+$0x0], $0xffff  }
0x527: {  	v19 =	vld.idx.msk [tilespmem:v14+s7+$0x0], $0xffff  }
0x528: {  	v5 =	vld.idx.msk [tilespmem:v5+s7+$0x0], $0xffff  }
0x529: {  	v20 =	vld.idx.msk [tilespmem:v17+s7+$0x0], $0xffff  }
0x52a: {  	v9 =	vld.idx.msk [tilespmem:v9+s7+$0x0], $0xffff;
	v4 =	vmul.f32 v12, v4  }
0x52b: {  	v7 =	vld.idx.msk [tilespmem:v7+s7+$0x0], $0xffff  }
0x52c: {  	v12 =	vshll.u32 v18, $0x4;
	v18 =	vld [tilespmem:s17+$0xFFFFFFC0];
	[tilespmem:s15+$0xC0] =	vst v4  }
0x52d: {  	v4 =	vshll.u32 v19, $0x4;
	v19 =	vld [tilespmem:s17+$0x40];
	[tilespmem:s16+$0xC0] =	vst v8  }
0x52e: {  	v5 =	vadd.s32 v5, v12;
	v21 =	vld [tilespmem:s26+$0x150]  }
0x52f: {  	v8 =	vshll.u32 v20, $0x4;
	v12 =	vld [tilespmem:s26+$0x1D0]  }
0x530: {  	v4 =	vadd.s32 v9, v4;
	v9 =	vld.idx.msk [tilespmem:v3+s7+$0x0], $0xffff  }
0x531: {  	v7 =	vadd.s32 v7, v8;
	v8 =	vld.idx.msk [tilespmem:v2+s7+$0x0], $0xffff  }
0x532: {  	v13 =	vld.idx.msk [tilespmem:v13+s7+$0x0], $0xffff  }
0x533: {  	v5 =	vld.idx.msk [tilespmem:v5+s22+$0x0], $0xffff  }
0x534: {  	v15 =	vld.idx.msk [tilespmem:v15+s7+$0x0], $0xffff  }
0x535: {  	v4 =	vld.idx.msk [tilespmem:v4+s22+$0x0], $0xffff  }
0x536: {  	v9 =	vshll.u32 v9, $0x4;
	v20 =	vld.idx.msk [tilespmem:v21+s7+$0x0], $0xffff  }
0x537: {  	v8 =	vshll.u32 v8, $0x4;
	v22 =	vld.idx.msk [tilespmem:v12+s7+$0x0], $0xffff  }
0x538: {  	v23 =	vadd.s32 v13, v10;
	v7 =	vld.idx.msk [tilespmem:v7+s22+$0x0], $0xffff  }
0x539: {  	v5 =	vmul.f32 v11, v5;
	v6 =	vld.idx.msk [tilespmem:v6+s7+$0x0], $0xffff  }
0x53a: {  	v24 =	vadd.s32 v15, v9;
	v10 =	vld [tilespmem:s19+$0xFFFFFF70]  }
0x53b: {  	v4 =	vmul.f32 v18, v4;
	[tilespmem:s15+$0xFFFFFF40] =	vst v5;
	v11 =	vld [tilespmem:s19+$0xFFFFFFF0]  }
0x53c: {  	v5 =	vshll.u32 v20, $0x4;
	[tilespmem:s16+$0xFFFFFF40] =	vst v16;
	v9 =	vld [tilespmem:s19+$0x70];
	s19 =	smov.u32 s17  }
0x53d: {  	v12 =	vld [tilespmem:s26+$0xFFFFFE50];
	[tilespmem:s15+$0xFFFFFFC0] =	vst v4;
	v4 =	vadd.s32 v22, v5  }
0x53e: {  	v13 =	vmul.f32 v19, v7;
	v5 =	vld [tilespmem:s26+$0xFFFFFED0];
	[tilespmem:s16+$0xFFFFFFC0] =	vst v14  }
0x53f: {  	v22 =	vadd.s32 v6, v8;
	v7 =	vld [tilespmem:s26+$0xFFFFFF50]  }
0x540: {  	v6 =	vld [tilespmem:s26+$0xFFFFFFD0];
	[tilespmem:s15+$0x40] =	vst v13  }
0x541: {  	v15 =	vld [tilespmem:s17+$0xFFFFFF50];
	[tilespmem:s16+$0x40] =	vst v17  }
0x542: {  	v4 =	vld.idx.msk [tilespmem:v4+s22+$0x0], $0xffff  }
0x543: {  	v13 =	vld [tilespmem:s17+$0xD0]  }
0x544: {  	v8 =	vld [tilespmem:s26+$0x50]  }
0x545: {  	v17 =	vld [tilespmem:s26+$0xD0]  }
0x546: {  	v16 =	vld.idx.msk [tilespmem:v12+s7+$0x0], $0xffff  }
0x547: {  	v18 =	vld.idx.msk [tilespmem:v7+s7+$0x0], $0xffff  }
0x548: {  	v5 =	vld.idx.msk [tilespmem:v5+s7+$0x0], $0xffff;
	v4 =	vmul.f32 v13, v4  }
0x549: {  	v6 =	vld.idx.msk [tilespmem:v6+s7+$0x0], $0xffff  }
0x54a: {  	v14 =	vld [tilespmem:s17+$0xFFFFFFD0];
	[tilespmem:s15+$0xD0] =	vst v4  }
0x54b: {  	v13 =	vld [tilespmem:s17+$0x50];
	[tilespmem:s16+$0xD0] =	vst v21  }
0x54c: {  	v4 =	vshll.u32 v16, $0x4;
	v16 =	vld [tilespmem:s26+$0x160]  }
0x54d: {  	v21 =	vshll.u32 v18, $0x4;
	v19 =	vld [tilespmem:s26+$0x1E0]  }
.Ltmp7:
0x54e: {  	v18 =	vadd.s32 v5, v4;
	v20 =	vld.idx.msk [tilespmem:v8+s7+$0x0], $0xffff;
	(pc) =	sbr.rel @p0 .LBB2_8-.Ltmp7, $4  }
0x54f: {  	v4 =	vadd.s32 v6, v21;
	v21 =	vld.idx.msk [tilespmem:v17+s7+$0x0], $0xffff  }
0x550: {  	v17 =	vld.idx.msk [tilespmem:v23+s22+$0x0], $0xffff  }
0x551: {  	v6 =	vld.idx.msk [tilespmem:v24+s22+$0x0], $0xffff  }
0x552: {  	s26 =	sadd.s32 $0x400, s26;
	v5 =	vld.idx.msk [tilespmem:v22+s22+$0x0], $0xffff  }
0x553: {  	_ =	sdelay $0x2  }
0x554: {  	v20 =	vshll.u32 v20, $0x4  }
0x555: {  	v18 =	vld.idx.msk [tilespmem:v18+s22+$0x0], $0xffff;
	v20 =	vadd.s32 v21, v20;
	_ =	sdelay $0x1  }
0x556: {  	v4 =	vld.idx.msk [tilespmem:v4+s22+$0x0], $0xffff;
	_ =	sdelay $0x1  }
0x557: {  	v26 =	vld.idx.msk [tilespmem:v16+s7+$0x0], $0xffff  }
0x558: {  	v15 =	vmul.f32 v15, v18;
	v20 =	vld.idx.msk [tilespmem:v20+s22+$0x0], $0xffff  }
0x559: {  	v19 =	vld.idx.msk [tilespmem:v19+s7+$0x0], $0xffff  }
0x55a: {  	v4 =	vmul.f32 v14, v4;
	[tilespmem:s15+$0xFFFFFF50] =	vst v15  }
0x55b: {  	[tilespmem:s16+$0xFFFFFF50] =	vst v12  }
0x55c: {  	[tilespmem:s15+$0xFFFFFFD0] =	vst v4;
	v28 =	vld [tilespmem:s14+$0xFFFFFE60]  }
0x55d: {  	v27 =	vshll.u32 v26, $0x4;
	[tilespmem:s16+$0xFFFFFFD0] =	vst v7;
	v30 =	vld [tilespmem:s14+$0xFFFFFEE0];
	v13 =	vmul.f32 v13, v20  }
0x55e: {  	v29 =	vadd.s32 v19, v27;
	v31 =	vld [tilespmem:s14+$0xFFFFFF60]  }
0x55f: {  	v32 =	vld [tilespmem:s14+$0xFFFFFFE0];
	[tilespmem:s15+$0x50] =	vst v13  }
0x560: {  	v34 =	vld [tilespmem:s17+$0xE0];
	[tilespmem:s16+$0x50] =	vst v8  }
0x561: {  	v13 =	vld [tilespmem:s14+$0x60]  }
0x562: {  	v33 =	vld [tilespmem:s14+$0xE0]  }
0x563: {  	v4 =	vld.idx.msk [tilespmem:v29+s22+$0x0], $0xffff  }
0x564: {  	v35 =	vld.idx.msk [tilespmem:v28+s7+$0x0], $0xffff  }
0x565: {  	v7 =	vld.idx.msk [tilespmem:v30+s7+$0x0], $0xffff  }
0x566: {  	v36 =	vld.idx.msk [tilespmem:v31+s7+$0x0], $0xffff  }
0x567: {  	v8 =	vld.idx.msk [tilespmem:v32+s7+$0x0], $0xffff;
	_ =	sdelay $0x1  }
0x568: {  	v38 =	vshll.u32 v35, $0x4;
	v37 =	vld.idx.msk [tilespmem:v13+s7+$0x0], $0xffff  }
0x569: {  	v4 =	vmul.f32 v34, v4;
	v15 =	vld.idx.msk [tilespmem:v33+s7+$0x0], $0xffff;
	v7 =	vadd.s32 v7, v38  }
0x56a: {  	v39 =	vshll.u32 v36, $0x4  }
0x56b: {  	[tilespmem:s15+$0xE0] =	vst v4;
	v4 =	vadd.s32 v8, v39;
	_ =	sdelay $0x1  }
0x56c: {  	v42 =	vld [tilespmem:s19+$0xFFFFFF60];
	v41 =	vshll.u32 v37, $0x4  }
0x56d: {  	v7 =	vld.idx.msk [tilespmem:v7+s22+$0x0], $0xffff;
	v15 =	vadd.s32 v15, v41  }
0x56e: {  	v43 =	vld [tilespmem:s19+$0xFFFFFFE0]  }
0x56f: {  	v4 =	vld.idx.msk [tilespmem:v4+s22+$0x0], $0xffff  }
0x570: {  	v44 =	vld [tilespmem:s19+$0x60];
	[tilespmem:s16+$0xE0] =	vst v16  }
0x571: {  	v40 =	vld [tilespmem:s14+$0x170]  }
0x572: {  	v7 =	vmul.f32 v42, v7;
	v15 =	vld.idx.msk [tilespmem:v15+s22+$0x0], $0xffff;
	_ =	sdelay $0x1  }
0x573: {  	v4 =	vmul.f32 v43, v4;
	[tilespmem:s15+$0xFFFFFF60] =	vst v7  }
0x574: {  	v45 =	vld [tilespmem:s14+$0x1F0];
	[tilespmem:s16+$0xFFFFFF60] =	vst v28  }
0x575: {  	[tilespmem:s15+$0xFFFFFFE0] =	vst v4;
	v48 =	vld [tilespmem:s14+$0xFFFFFE70]  }
0x576: {  	[tilespmem:s16+$0xFFFFFFE0] =	vst v31;
	v49 =	vld [tilespmem:s14+$0xFFFFFEF0];
	v47 =	vmul.f32 v44, v15  }
0x577: {  	v50 =	vld [tilespmem:s14+$0xFFFFFF70]  }
0x578: {  	v51 =	vld [tilespmem:s14+$0xFFFFFFF0];
	[tilespmem:s15+$0x60] =	vst v47  }
0x579: {  	v46 =	vld.idx.msk [tilespmem:v40+s7+$0x0], $0xffff;
	[tilespmem:s16+$0x60] =	vst v13  }
0x57a: {  	v52 =	vld [tilespmem:s14+$0x70]  }
0x57b: {  	v53 =	vld [tilespmem:s14+$0xF0]  }
0x57c: {  	v18 =	vld.idx.msk [tilespmem:v45+s7+$0x0], $0xffff  }
0x57d: {  	v54 =	vld.idx.msk [tilespmem:v48+s7+$0x0], $0xffff  }
0x57e: {  	v12 =	vld.idx.msk [tilespmem:v49+s7+$0x0], $0xffff  }
0x57f: {  	v55 =	vld.idx.msk [tilespmem:v50+s7+$0x0], $0xffff  }
0x580: {  	v13 =	vld.idx.msk [tilespmem:v51+s7+$0x0], $0xffff  }
0x581: {  	v7 =	vshll.u32 v46, $0x4  }
0x582: {  	v7 =	vadd.s32 v18, v7;
	v56 =	vld.idx.msk [tilespmem:v52+s7+$0x0], $0xffff  }
0x583: {  	v19 =	vshll.u32 v54, $0x4;
	v16 =	vld.idx.msk [tilespmem:v53+s7+$0x0], $0xffff  }
0x584: {  	v57 =	vshll.u32 v55, $0x4;
	v12 =	vadd.s32 v12, v19  }
0x585: {  	v10 =	vmul.f32 v10, v17;
	v58 =	vld [tilespmem:s19+$0xF0];
	v13 =	vadd.s32 v13, v57  }
0x586: {  	v59 =	vld [tilespmem:s19+$0xFFFFFF70]  }
0x587: {  	v6 =	vmul.f32 v11, v6;
	[tilespmem:s13+$0xFFFFFF70] =	vst v10;
	v7 =	vld.idx.msk [tilespmem:v7+s22+$0x0], $0xffff;
	v18 =	vshll.u32 v56, $0x4  }
0x588: {  	[tilespmem:s11+$0xFFFFFF70] =	vst v1;
	v61 =	vld [tilespmem:s19+$0xFFFFFFF0];
	v60 =	vadd.s32 v16, v18  }
0x589: {  	[tilespmem:s13+$0xFFFFFFF0] =	vst v6;
	v1 =	vld.idx.msk [tilespmem:v12+s22+$0x0], $0xffff  }
0x58a: {  	v5 =	vmul.f32 v9, v5;
	[tilespmem:s11+$0xFFFFFFF0] =	vst v3;
	v3 =	vld.idx.msk [tilespmem:v13+s22+$0x0], $0xffff;
	_ =	sdelay $0x1  }
0x58b: {  	[tilespmem:s13+$0x70] =	vst v5;
	v63 =	vld [tilespmem:s19+$0x70];
	v62 =	vmul.f32 v58, v7  }
0x58c: {  	[tilespmem:s11+$0x70] =	vst v2;
	v2 =	vld.idx.msk [tilespmem:v60+s22+$0x0], $0xffff  }
0x58d: {  	[tilespmem:s15+$0xF0] =	vst v62;
	v1 =	vmul.f32 v59, v1  }
0x58e: {  	[tilespmem:s16+$0xF0] =	vst v40;
	v3 =	vmul.f32 v61, v3  }
0x58f: {  	[tilespmem:s15+$0xFFFFFF70] =	vst v1  }
0x590: {  	s10 =	sadd.s32 $0x3, s10;
	[tilespmem:s15+$0xFFFFFFF0] =	vst v3  }
0x591: {  	p0 =	sge.u32 s10, s12;
	[tilespmem:s16+$0xFFFFFF70] =	vst v48;
	v1 =	vmul.f32 v63, v2  }
0x592: {  	s10 =	sshll.u32 @!p0 s10, $0x5;
	[tilespmem:s16+$0xFFFFFFF0] =	vst v50  }
0x593: {  	s10 =	sor.u32 @!p0 s9, s10;
	[tilespmem:s15+$0x70] =	vst v1  }
0x594: {  	s13 =	simm.s32 @!p0 $0x0;
	s11 =	sshll.u32 @!p0 s10, $0x9;
	[tilespmem:s16+$0x70] =	vst v52  }
0x595: {  	[spmem:s6] =	stream.indirect.scatter.add.f32 [tilespmem:s25], [sflag:$0x4], $0x1, s24, s30, $0xb8;
	[tilespmem:$0x1F700] =	vst v63  }
.Ltmp8:
0x596: {  	s10 =	sshll.u32 @!p0 s10, $0x8;
	s11 =	sand.u32 @!p0 $0x1FFFFE00, s11;
	(pc) =	sbr.rel .LBB2_10-.Ltmp8, $4  }
0x597: {  	s10 =	sand.u32 @!p0 $0x1FFFFF00, s10;
	s11 =	sadd.s32 @!p0 s0, s11;
	s14 =	simm.s32 @!p0 $0x1A000  }
0x598: {  	[tilespmem:s14], [sflag:$0x2] =	stream.linear.gather @!p0 [hbm4b:s11+s13], $0x1000, $0x38;
	[tilespmem:$0x1F700] =	vst v63  }
0x599: {  	s10 =	sadd.s32 @!p0 s2, s10;
	s11 =	simm.s32 @!p0 $0x1B000  }
0x59a: {  	[tilespmem:s11], [sflag:$0x2] =	stream.linear.gather @!p0 [hbm4b:s10+s13], $0x800, $0x38;
	[tilespmem:$0x1F700] =	vst v63  }
.LBB2_12:
0x59b: {  	_ =	sfence.sel $0x180000  }
0x59c: {  	[bflag:$0x0] =	sbarrier.arrive $0xFFFF  }
0x59d: {  	_ =	strace $0x90000047  }
0x59e: {  	s0 =	stileid.u32;
	[bflag:$0x2] =	sbarrier.arrive $0xFFFF  }
0x59f: {  	p0 =	sne.s32 s0, $0x0;
	s0 =	rddreg [dreg:$0x5]  }
0x5a0: {  	s0 =	sadd.s32 @!p0 $0x100000, s0  }
0x5a1: {  	[sflag:s0] =	ssyncadd.tile.s32 @!p0 $0x1;
	_ =	shalt  }
.Lfunc_end2:
_tile_overlayer_lowered:
.L_overlay_start_2:
0x5a2: {  	(tag) =	ssettag $0x2  }
0x5a3: {  	s0 =	rddreg [dreg:$0x0];
	s2 =	stileid.u32  }
0x5a4: {  	s1 =	rddreg [dreg:$0x1];
	p0 =	sne.s32 s2, $0x0  }
0x5a5: {  	s3 =	rddreg [dreg:$0x2];
	[bflag:$0x3] =	sbarrier.arrive $0xFFFF;
	s2 =	simm.s32 @!p0 $0x1C05  }
0x5a6: {  	[timem:s3], [sflag:s2] =	dma.local @!p0 [hbm:s0], s1  }
0x5a7: {  	s0 =	simm.s32 @!p0 $0x5  }
0x5a8: {  	_ =	swait.ge @!p0 [sflag:s0], s1  }
0x5a9: {  	s1 =	ssub.s32 @!p0 $0x0, s1;
	[sflag:s0] =	ssyncset.done @!p0 $0x0  }
0x5aa: {  	[sflag:s0] =	ssyncadd.s32 @!p0 s1  }
0x5ab: {  	[bflag:$0x3] =	sbarrier.arrive $0xFFFF  }
0x5ac: {  	_ =	shalt  }

</sc_bundles>
